<compile_context>
chip_gen: v7x
topology: tpu7x:2x2x1
jax: 0.10.2.dev20260603
libtpu: 0.0.44.dev20260713+nightly
codegen_flags: <defaults>
</compile_context>

<pallas_src>
import functools

import jax
import jax.numpy as jnp
from jax import lax
from jax.experimental import pallas as pl
from jax.experimental.pallas import tpu as pltpu
from jax.experimental.pallas import tpu_sc as plsc

N = 10000
E = 320000
F = 128
G = 64
ITERS = 3

NC, NS = 2, 16
NW = NC * NS
EPT = E // NW
CH = 80
NCHUNK = EPT // CH
DEGW = 128

RQ = 624
RL = N - (NS - 1) * RQ

@functools.cache
def _mesh():
    return plsc.VectorSubcoreMesh(core_axis_name="c", subcore_axis_name="s",
                                  num_cores=NC, num_subcores=NS)




@functools.cache
def _sc_degree():
    return pl.kernel(
        _sc_degree_body,
        out_type=jax.ShapeDtypeStruct((NC * N, DEGW), jnp.float32),
        mesh=_mesh(),
        scratch_types=[
            [pltpu.VMEM((CH,), jnp.int32) for _ in range(3)],
            pltpu.VMEM((CH, DEGW), jnp.float32),
            pltpu.VMEM_SHARED((N, DEGW), jnp.float32),
            [pltpu.SemaphoreType.DMA for _ in range(3)],
            [pltpu.SemaphoreType.DMA for _ in range(3)],
        ],
    )


def _sc_degree_body(dst_hbm, zeros_hbm, out_hbm, didx, ones, degsh,
                    semd, sems):
    c = lax.axis_index("c")
    s = lax.axis_index("s")
    base = (c * NS + s) * EPT

    one16 = jnp.ones((16,), jnp.float32)

    def fill(i, _):
        for j in range(DEGW // 16):
            ones[i, pl.ds(16 * j, 16)] = one16
        return 0

    lax.fori_loop(0, CH, fill, 0)
    start = s * RQ

    @pl.when(s < NS - 1)
    def _():
        pltpu.sync_copy(zeros_hbm.at[pl.ds(start, RQ)], degsh.at[pl.ds(start, RQ)])

    @pl.when(s == NS - 1)
    def _():
        pltpu.sync_copy(zeros_hbm.at[pl.ds(start, RL)], degsh.at[pl.ds(start, RL)])

    plsc.subcore_barrier()

    def fire(j, b):
        pltpu.async_copy(dst_hbm.at[pl.ds(base + j * CH, CH)], didx[b], semd[b])

    def dwait(b):
        pltpu.make_async_copy(dst_hbm.at[pl.ds(0, CH)], didx[b], semd[b]).wait()

    def scat(b):
        pltpu.async_copy(ones, degsh.at[didx[b]], sems[b], add=True)

    def swait(b):
        pltpu.make_async_copy(ones, degsh.at[didx[b]], sems[b]).wait()

    fire(0, 0)
    fire(1, 1)

    def triple(k, _):
        for t in range(3):
            j = 3 * k + t
            b = t
            bp = (t + 2) % 3
            dwait(b)
            if t == 0:
                @pl.when(k > 0)
                def _():
                    swait(bp)
            else:
                swait(bp)
            fire(j + 2, bp)
            scat(b)
        return 0

    lax.fori_loop(0, (NCHUNK - 2) // 3, triple, 0)
    dwait(0)
    swait(2)
    scat(0)
    dwait(1)
    swait(0)
    scat(1)
    swait(1)
    plsc.subcore_barrier()

    @pl.when(s < NS - 1)
    def _():
        pltpu.sync_copy(degsh.at[pl.ds(start, RQ)],
                        out_hbm.at[pl.ds(c * N + start, RQ)])

    @pl.when(s == NS - 1)
    def _():
        pltpu.sync_copy(degsh.at[pl.ds(start, RL)],
                        out_hbm.at[pl.ds(c * N + start, RL)])


@functools.cache
def _sc_agg():
    return pl.kernel(
        _sc_agg_body,
        out_type=jax.ShapeDtypeStruct((NC * N, F), jnp.float32),
        mesh=_mesh(),
        scratch_types=[
            pltpu.VMEM((NCHUNK, CH), jnp.int32),
            [pltpu.VMEM((CH,), jnp.int32) for _ in range(3)],
            [pltpu.VMEM((CH, F), jnp.float32) for _ in range(3)],
            pltpu.VMEM_SHARED((N, F), jnp.float32),
            [pltpu.SemaphoreType.DMA for _ in range(3)],
            [pltpu.SemaphoreType.DMA for _ in range(3)],
            [pltpu.SemaphoreType.DMA for _ in range(3)],
        ],
    )


def _sc_agg_body(u_hbm, src_hbm, dst_hbm, zeros_hbm, out_hbm, sidx, didx,
                 rows, aggsh, semg, semd, sems):
    c = lax.axis_index("c")
    s = lax.axis_index("s")
    wid = c * NS + s
    base = wid * EPT

    start = s * RQ

    @pl.when(s < NS - 1)
    def _():
        pltpu.sync_copy(zeros_hbm.at[pl.ds(start, RQ)], aggsh.at[pl.ds(start, RQ)])

    @pl.when(s == NS - 1)
    def _():
        pltpu.sync_copy(zeros_hbm.at[pl.ds(start, RL)], aggsh.at[pl.ds(start, RL)])

    pltpu.sync_copy(src_hbm.at[wid], sidx)
    plsc.subcore_barrier()

    def fire(j, b):
        pltpu.async_copy(u_hbm.at[sidx.at[j]], rows[b], semg[b])
        pltpu.async_copy(dst_hbm.at[pl.ds(base + j * CH, CH)], didx[b], semd[b])

    def gwait(b):
        pltpu.make_async_copy(u_hbm.at[pl.ds(0, CH)], rows[b], semg[b]).wait()
        pltpu.make_async_copy(dst_hbm.at[pl.ds(0, CH)], didx[b], semd[b]).wait()

    def scat(b):
        pltpu.async_copy(rows[b], aggsh.at[didx[b]], sems[b], add=True)

    def swait(b):
        pltpu.make_async_copy(rows[b], aggsh.at[didx[b]], sems[b]).wait()

    fire(0, 0)
    fire(1, 1)

    def triple(k, _):
        for t in range(3):
            j = 3 * k + t
            b = t
            bp = (t + 2) % 3
            gwait(b)
            if t == 0:
                @pl.when(k > 0)
                def _():
                    swait(bp)
            else:
                swait(bp)
            fire(j + 2, bp)
            scat(b)
        return 0

    lax.fori_loop(0, (NCHUNK - 2) // 3, triple, 0)
    gwait(0)
    swait(2)
    scat(0)
    gwait(1)
    swait(0)
    scat(1)
    swait(1)
    plsc.subcore_barrier()

    @pl.when(s < NS - 1)
    def _():
        pltpu.sync_copy(aggsh.at[pl.ds(start, RQ)],
                        out_hbm.at[pl.ds(c * N + start, RQ)])

    @pl.when(s == NS - 1)
    def _():
        pltpu.sync_copy(aggsh.at[pl.ds(start, RL)],
                        out_hbm.at[pl.ds(c * N + start, RL)])


R = 400
NB = N // R

_full = lambda shape: pl.BlockSpec(shape, lambda i: (0, 0))
_rows = lambda w: pl.BlockSpec((R, w), lambda i: (i, 0))
_rows0 = pl.BlockSpec((R, F), lambda i: (i, 0))
_rows1 = pl.BlockSpec((R, F), lambda i: (i + NB, 0))


def _kemb_body(x_ref, wet_ref, be_ref, wct_ref, y_ref, yw_ref):
    y = jnp.dot(x_ref[...], wet_ref[...], preferred_element_type=jnp.float32)
    y = y + be_ref[...]
    y_ref[...] = y
    yw_ref[...] = jnp.dot(y, wct_ref[...], preferred_element_type=jnp.float32)


_kemb = pl.pallas_call(
    _kemb_body,
    grid=(NB,),
    in_specs=[_rows0, _full((F, F)), _full((1, F)), _full((F, F))],
    out_specs=[_rows(F), _rows(F)],
    out_shape=[
        jax.ShapeDtypeStruct((N, F), jnp.float32),
        jax.ShapeDtypeStruct((N, F), jnp.float32),
    ],
)


def _k0b_body(yw_ref, d0_ref, d1_ref, u_ref, dinv_ref):
    deg = d0_ref[:, 0:1] + d1_ref[:, 0:1] + 1.0
    dinv = lax.rsqrt(deg)
    u_ref[...] = dinv * yw_ref[...]
    dinv_ref[...] = dinv


_k0b = pl.pallas_call(
    _k0b_body,
    grid=(NB,),
    in_specs=[
        _rows0,
        pl.BlockSpec((R, DEGW), lambda i: (i, 0)),
        pl.BlockSpec((R, DEGW), lambda i: (i + NB, 0)),
    ],
    out_specs=[_rows(F), _rows(1)],
    out_shape=[
        jax.ShapeDtypeStruct((N, F), jnp.float32),
        jax.ShapeDtypeStruct((N, 1), jnp.float32),
    ],
)


def _kc_body(y_ref, dinv_ref, wct_ref, wrt_ref, brc_ref, c_ref):
    y = y_ref[...]
    dinv = dinv_ref[...]
    yw = jnp.dot(y, wct_ref[...], preferred_element_type=jnp.float32)
    yr = jnp.dot(y, wrt_ref[...], preferred_element_type=jnp.float32)
    c_ref[...] = (dinv * dinv) * yw - yw + yr + brc_ref[...]


_kc = pl.pallas_call(
    _kc_body,
    grid=(NB,),
    in_specs=[_rows0, _rows(1), _full((F, F)), _full((F, F)), _full((1, F))],
    out_specs=_rows(F),
    out_shape=jax.ShapeDtypeStruct((N, F), jnp.float32),
)


def _kmid_body(h0_ref, h1_ref, cprev_ref, dinv_ref, wct_ref, y_ref, u_ref):
    dinv = dinv_ref[...]
    y = jnp.maximum(dinv * (h0_ref[...] + h1_ref[...]) + cprev_ref[...], 0.0)
    yw = jnp.dot(y, wct_ref[...], preferred_element_type=jnp.float32)
    y_ref[...] = y
    u_ref[...] = dinv * yw


_kmid = pl.pallas_call(
    _kmid_body,
    grid=(NB,),
    in_specs=[_rows0, _rows1, _rows(F), _rows(1), _full((F, F))],
    out_specs=[_rows(F), _rows(F)],
    out_shape=[
        jax.ShapeDtypeStruct((N, F), jnp.float32),
        jax.ShapeDtypeStruct((N, F), jnp.float32),
    ],
)


def _k3_body(h0_ref, h1_ref, c_ref, dinv_ref, b_ref, wo_ref, bo_ref, out_ref):
    y = jnp.maximum(dinv_ref[...] * (h0_ref[...] + h1_ref[...]) + c_ref[...], 0.0)
    v = jnp.dot(y, wo_ref[...], preferred_element_type=jnp.float32) + bo_ref[...]
    gi = lax.broadcasted_iota(jnp.int32, (R, G), 1)
    oh = (b_ref[...] == gi).astype(jnp.float32)
    part = jnp.sum(oh * v, axis=0, keepdims=True)

    @pl.when(pl.program_id(0) == 0)
    def _():
        out_ref[...] = jnp.zeros_like(out_ref)

    out_ref[...] += part


_k3 = pl.pallas_call(
    _k3_body,
    grid=(NB,),
    in_specs=[_rows0, _rows1, _rows(F), _rows(1), _rows(1),
              _full((F, 1)), _full((1, 1))],
    out_specs=pl.BlockSpec((1, G), lambda i: (0, 0)),
    out_shape=jax.ShapeDtypeStruct((1, G), jnp.float32),
)


def kernel(x, edge_index, batch, W_emb, b_emb, W_conv, b_conv, W_res, b_res,
           W_out, b_out):
    src = edge_index[0].astype(jnp.int32)
    dst = edge_index[1].astype(jnp.int32)
    src2 = src.reshape(NW, NCHUNK, CH)
    batch2 = batch.astype(jnp.int32).reshape(N, 1)
    x = x.astype(jnp.float32)
    wet = W_emb.T
    wct = W_conv.T
    wrt = W_res.T
    be = b_emb.reshape(1, F)
    brc = (b_res + b_conv).reshape(1, F)
    wo = W_out.T.reshape(F, 1)
    bo = b_out.reshape(1, 1)

    zrows = jnp.zeros((N, F), jnp.float32)
    degh = _sc_degree()(dst, zrows)
    y, yw0 = _kemb(x, wet, be, wct)
    u, dinv = _k0b(yw0, degh, degh)
    for it in range(ITERS):
        h = _sc_agg()(u, src2, dst, zrows)
        c = _kc(y, dinv, wct, wrt, brc)
        if it < ITERS - 1:
            y, u = _kmid(h, h, c, dinv, wct)
        else:
            out = _k3(h, h, c, dinv, batch2, wo, bo)
    return out.reshape(G)

# --- scband reference (transcript-rebuilt; emitter-appended) ---
"""Pipeline reference for scband-graph-con-5274219839934 (READ-ONLY COPY).

The authoritative reference and input builder live on the scoring server;
editing this copy changes nothing except your own understanding.
"""

import jax, jax.numpy as jnp
import numpy as np

N_NODES = 10000
N_EDGES = 320000
NFEAT = 128
NHID = 128
NCLASS = 1
NUM_GRAPHS = 64
N_ITERS = 3
DT = 1.0
DIFFUSION = 1.0
FREQUENCY = 1.0


def setup_inputs(seed: int = 0) -> dict:
    key = jax.random.key(seed)
    ks = jax.random.split(key, 12)
    x = jax.random.normal(ks[0], (N_NODES, NFEAT), dtype=jnp.float32)
    edge_index = jax.random.randint(ks[1], (2, N_EDGES), 0, N_NODES, dtype=jnp.int64)
    batch = jnp.sort(jax.random.randint(ks[2], (N_NODES,), 0, NUM_GRAPHS, dtype=jnp.int64))
    s_emb = 1.0 / np.sqrt(NFEAT)
    s_hid = 1.0 / np.sqrt(NHID)
    W_emb = jax.random.uniform(ks[3], (NHID, NFEAT), jnp.float32, -s_emb, s_emb)
    b_emb = jax.random.uniform(ks[4], (NHID,), jnp.float32, -s_emb, s_emb)
    W_conv = jax.random.uniform(ks[5], (NHID, NHID), jnp.float32, -s_hid, s_hid)
    b_conv = jnp.zeros((NHID,), jnp.float32)
    W_res = jax.random.uniform(ks[6], (NHID, NHID), jnp.float32, -s_hid, s_hid)
    b_res = jax.random.uniform(ks[7], (NHID,), jnp.float32, -s_hid, s_hid)
    W_out = jax.random.uniform(ks[8], (NCLASS, NHID), jnp.float32, -s_hid, s_hid)
    b_out = jax.random.uniform(ks[9], (NCLASS,), jnp.float32, -s_hid, s_hid)
    return {"x": x, "edge_index": edge_index, "batch": batch,
            "W_emb": W_emb, "b_emb": b_emb, "W_conv": W_conv, "b_conv": b_conv,
            "W_res": W_res, "b_res": b_res, "W_out": W_out, "b_out": b_out}


def _gcn_conv(y, W, b, src, dst, n_nodes):
    # GCNConv with add_self_loops=True and symmetric normalization
    loop = jnp.arange(n_nodes, dtype=src.dtype)
    s = jnp.concatenate([src, loop])
    d = jnp.concatenate([dst, loop])
    yw = y @ W.T
    deg = jnp.zeros((n_nodes,), jnp.float32).at[d].add(1.0)
    dinv = jnp.where(deg > 0, jax.lax.rsqrt(deg), 0.0)
    norm = dinv[s] * dinv[d]
    msgs = yw[s] * norm[:, None]
    agg = jnp.zeros_like(yw).at[d].add(msgs)
    return agg + b


def reference(x, edge_index, batch, W_emb, b_emb, W_conv, b_conv, W_res, b_res, W_out, b_out):
    src = edge_index[0]
    dst = edge_index[1]
    x = x.astype(jnp.float32)
    x = x @ W_emb.T + b_emb
    y = x
    for _ in range(N_ITERS):
        conv_y = _gcn_conv(y, W_conv, b_conv, src, dst, N_NODES)
        lin_y = y @ W_conv.T
        res_y = y @ W_res.T + b_res
        x = x + DT * (jax.nn.relu(conv_y - lin_y + res_y) - DIFFUSION * x - FREQUENCY * y)
        y = y + DT * x
    y = y @ W_out.T + b_out
    pooled = jax.ops.segment_sum(y, batch, num_segments=NUM_GRAPHS)
    return pooled.squeeze(-1)

if __name__ == "__main__":
    import jax
    _d = setup_inputs()
    print(jax.jit(kernel)(*tuple(_d.values())))

</pallas_src>

<mosaic_0001>
#map = affine_map<(d0, d1) -> (0, 0)>
#map1 = affine_map<(d0, d1) -> (0, 0, 0)>
#map2 = affine_map<(d0, d1) -> (0)>
module attributes {stable_mosaic.version = 14 : i64} {
  func.func @_sc_agg_body(%arg0: i32, %arg1: i32, %arg2: memref<10000x128xf32, #tpu.memory_space<hbm>>, %arg3: memref<32x125x80xi32, #tpu.memory_space<hbm>>, %arg4: memref<320000xi32, #tpu.memory_space<hbm>>, %arg5: memref<10000x128xf32, #tpu.memory_space<hbm>>, %arg6: memref<20000x128xf32, #tpu.memory_space<hbm>>, %arg7: memref<125x80xi32, #tpu.memory_space<vmem>>, %arg8: memref<80xi32, #tpu.memory_space<vmem>>, %arg9: memref<80xi32, #tpu.memory_space<vmem>>, %arg10: memref<80xi32, #tpu.memory_space<vmem>>, %arg11: memref<80x128xf32, #tpu.memory_space<vmem>>, %arg12: memref<80x128xf32, #tpu.memory_space<vmem>>, %arg13: memref<80x128xf32, #tpu.memory_space<vmem>>, %arg14: memref<10000x128xf32, #tpu.memory_space<vmem_shared>>, %arg15: memref<!tpu.dma_semaphore, #tpu.memory_space<semaphore_mem>>, %arg16: memref<!tpu.dma_semaphore, #tpu.memory_space<semaphore_mem>>, %arg17: memref<!tpu.dma_semaphore, #tpu.memory_space<semaphore_mem>>, %arg18: memref<!tpu.dma_semaphore, #tpu.memory_space<semaphore_mem>>, %arg19: memref<!tpu.dma_semaphore, #tpu.memory_space<semaphore_mem>>, %arg20: memref<!tpu.dma_semaphore, #tpu.memory_space<semaphore_mem>>, %arg21: memref<!tpu.dma_semaphore, #tpu.memory_space<semaphore_mem>>, %arg22: memref<!tpu.dma_semaphore, #tpu.memory_space<semaphore_mem>>, %arg23: memref<!tpu.dma_semaphore, #tpu.memory_space<semaphore_mem>>) attributes {dimension_semantics = [#tpu.dimension_semantics<core_parallel>, #tpu.dimension_semantics<subcore_parallel>], iteration_bounds = array<i64: 2, 16>, scalar_prefetch = 0 : i64, scratch_operands = 17 : i64, tpu.core_type = #tpu.core_type<sc_vector_subcore>, window_params = [{transform_indices = #map}, {transform_indices = #map1}, {transform_indices = #map2}, {transform_indices = #map}, {transform_indices = #map}]} {
    %mul3A = arith.constant 16 : i32
    %mul3A_0 = arith.muli %arg0, %mul3A : i32
    %add3A = arith.addi %mul3A_0, %arg1 : i32
    %mul3A_1 = arith.constant 10000 : i32
    %mul3A_2 = arith.muli %add3A, %mul3A_1 : i32
    %mul3A_3 = arith.constant 624 : i32
    %mul3A_4 = arith.muli %arg1, %mul3A_3 : i32
    %lt3A = arith.constant 15 : i32
    %lt3A_5 = arith.cmpi slt, %arg1, %lt3A : i32
    %convert_element_type3A = arith.extui %lt3A_5 : i1 to i32
    %cond3A = arith.constant 0 : i32
    %cond3A_6 = arith.cmpi ne, %convert_element_type3A, %cond3A : i32
    scf.if %cond3A_6 {
      "tpu.region"() ({
        %run_scoped3A = tpu.sem_alloc : memref<!tpu.dma_semaphore, #tpu.memory_space<semaphore_mem>>
        %dma_start3A_83 = arith.constant 0 : i32
        %dma_start3A_84 = tpu.memref_slice %arg14[%mul3A_4, %dma_start3A_83] : memref<10000x128xf32, #tpu.memory_space<vmem_shared>> -> memref<624x128xf32, #tpu.memory_space<vmem_shared>>
        %dma_start3A_85 = arith.constant 0 : i32
        %dma_start3A_86 = tpu.memref_slice %arg5[%mul3A_4, %dma_start3A_85] : memref<10000x128xf32, #tpu.memory_space<hbm>> -> memref<624x128xf32, #tpu.memory_space<hbm>>
        tpu.enqueue_dma source(%dma_start3A_86 : memref<624x128xf32, #tpu.memory_space<hbm>>) target(%dma_start3A_84 : memref<624x128xf32, #tpu.memory_space<vmem_shared>>) target_semaphore(%run_scoped3A : memref<!tpu.dma_semaphore, #tpu.memory_space<semaphore_mem>>)
        %dma_wait3A_87 = arith.constant 0 : i32
        %dma_wait3A_88 = tpu.memref_slice %arg14[%mul3A_4, %dma_wait3A_87] : memref<10000x128xf32, #tpu.memory_space<vmem_shared>> -> memref<624x128xf32, #tpu.memory_space<vmem_shared>>
        %dma_wait3A_89 = arith.constant 0 : i32
        %dma_wait3A_90 = tpu.memref_slice %arg5[%mul3A_4, %dma_wait3A_89] : memref<10000x128xf32, #tpu.memory_space<hbm>> -> memref<624x128xf32, #tpu.memory_space<hbm>>
        tpu.wait_dma2 semaphore(%run_scoped3A : memref<!tpu.dma_semaphore, #tpu.memory_space<semaphore_mem>>) src(%dma_wait3A_90 : memref<624x128xf32, #tpu.memory_space<hbm>>) dst(%dma_wait3A_88 : memref<624x128xf32, #tpu.memory_space<vmem_shared>>)
        tpu.yield
      }) : () -> ()
    } else {
    }
    %eq3A = arith.constant 15 : i32
    %eq3A_7 = arith.cmpi eq, %arg1, %eq3A : i32
    %convert_element_type3A_8 = arith.extui %eq3A_7 : i1 to i32
    %cond3A_9 = arith.constant 0 : i32
    %cond3A_10 = arith.cmpi ne, %convert_element_type3A_8, %cond3A_9 : i32
    scf.if %cond3A_10 {
      "tpu.region"() ({
        %run_scoped3A = tpu.sem_alloc : memref<!tpu.dma_semaphore, #tpu.memory_space<semaphore_mem>>
        %dma_start3A_83 = arith.constant 0 : i32
        %dma_start3A_84 = tpu.memref_slice %arg14[%mul3A_4, %dma_start3A_83] : memref<10000x128xf32, #tpu.memory_space<vmem_shared>> -> memref<640x128xf32, #tpu.memory_space<vmem_shared>>
        %dma_start3A_85 = arith.constant 0 : i32
        %dma_start3A_86 = tpu.memref_slice %arg5[%mul3A_4, %dma_start3A_85] : memref<10000x128xf32, #tpu.memory_space<hbm>> -> memref<640x128xf32, #tpu.memory_space<hbm>>
        tpu.enqueue_dma source(%dma_start3A_86 : memref<640x128xf32, #tpu.memory_space<hbm>>) target(%dma_start3A_84 : memref<640x128xf32, #tpu.memory_space<vmem_shared>>) target_semaphore(%run_scoped3A : memref<!tpu.dma_semaphore, #tpu.memory_space<semaphore_mem>>)
        %dma_wait3A_87 = arith.constant 0 : i32
        %dma_wait3A_88 = tpu.memref_slice %arg14[%mul3A_4, %dma_wait3A_87] : memref<10000x128xf32, #tpu.memory_space<vmem_shared>> -> memref<640x128xf32, #tpu.memory_space<vmem_shared>>
        %dma_wait3A_89 = arith.constant 0 : i32
        %dma_wait3A_90 = tpu.memref_slice %arg5[%mul3A_4, %dma_wait3A_89] : memref<10000x128xf32, #tpu.memory_space<hbm>> -> memref<640x128xf32, #tpu.memory_space<hbm>>
        tpu.wait_dma2 semaphore(%run_scoped3A : memref<!tpu.dma_semaphore, #tpu.memory_space<semaphore_mem>>) src(%dma_wait3A_90 : memref<640x128xf32, #tpu.memory_space<hbm>>) dst(%dma_wait3A_88 : memref<640x128xf32, #tpu.memory_space<vmem_shared>>)
        tpu.yield
      }) : () -> ()
    } else {
    }
    "tpu.region"() ({
      %run_scoped3A = tpu.sem_alloc : memref<!tpu.dma_semaphore, #tpu.memory_space<semaphore_mem>>
      %dma_start3A_83 = arith.constant 0 : i32
      %dma_start3A_84 = arith.constant 0 : i32
      %dma_start3A_85 = tpu.memref_slice %arg3[%add3A, %dma_start3A_83, %dma_start3A_84] : memref<32x125x80xi32, #tpu.memory_space<hbm>> -> memref<1x125x80xi32, #tpu.memory_space<hbm>>
      %dma_start3A_86 = tpu.memref_squeeze %dma_start3A_85 : memref<1x125x80xi32, #tpu.memory_space<hbm>> -> memref<125x80xi32, #tpu.memory_space<hbm>>
      %dma_start3A_87 = arith.constant 0 : i32
      %dma_start3A_88 = arith.constant 0 : i32
      %dma_start3A_89 = tpu.memref_slice %arg3[%add3A, %dma_start3A_87, %dma_start3A_88] : memref<32x125x80xi32, #tpu.memory_space<hbm>> -> memref<1x125x80xi32, #tpu.memory_space<hbm>>
      %dma_start3A_90 = tpu.memref_squeeze %dma_start3A_89 : memref<1x125x80xi32, #tpu.memory_space<hbm>> -> memref<125x80xi32, #tpu.memory_space<hbm>>
      tpu.enqueue_dma source(%dma_start3A_90 : memref<125x80xi32, #tpu.memory_space<hbm>>) target(%arg7 : memref<125x80xi32, #tpu.memory_space<vmem>>) target_semaphore(%run_scoped3A : memref<!tpu.dma_semaphore, #tpu.memory_space<semaphore_mem>>)
      %dma_wait3A_91 = arith.constant 0 : i32
      %dma_wait3A_92 = arith.constant 0 : i32
      %dma_wait3A_93 = tpu.memref_slice %arg3[%add3A, %dma_wait3A_91, %dma_wait3A_92] : memref<32x125x80xi32, #tpu.memory_space<hbm>> -> memref<1x125x80xi32, #tpu.memory_space<hbm>>
      %dma_wait3A_94 = tpu.memref_squeeze %dma_wait3A_93 : memref<1x125x80xi32, #tpu.memory_space<hbm>> -> memref<125x80xi32, #tpu.memory_space<hbm>>
      %dma_wait3A_95 = arith.constant 0 : i32
      %dma_wait3A_96 = arith.constant 0 : i32
      %dma_wait3A_97 = tpu.memref_slice %arg3[%add3A, %dma_wait3A_95, %dma_wait3A_96] : memref<32x125x80xi32, #tpu.memory_space<hbm>> -> memref<1x125x80xi32, #tpu.memory_space<hbm>>
      %dma_wait3A_98 = tpu.memref_squeeze %dma_wait3A_97 : memref<1x125x80xi32, #tpu.memory_space<hbm>> -> memref<125x80xi32, #tpu.memory_space<hbm>>
      tpu.wait_dma2 semaphore(%run_scoped3A : memref<!tpu.dma_semaphore, #tpu.memory_space<semaphore_mem>>) src(%dma_wait3A_98 : memref<125x80xi32, #tpu.memory_space<hbm>>) dst(%arg7 : memref<125x80xi32, #tpu.memory_space<vmem>>)
      tpu.yield
    }) : () -> ()
    %barrier3A = arith.constant 0 : index
    tpu.barrier barrier_id(%barrier3A)
    %dma_start3A = arith.constant 0 : i32
    %dma_start3A_11 = arith.constant 0 : i32
    %dma_start3A_12 = tpu.memref_slice %arg7[%dma_start3A, %dma_start3A_11] : memref<125x80xi32, #tpu.memory_space<vmem>> -> memref<1x80xi32, #tpu.memory_space<vmem>>
    %dma_start3A_13 = tpu.memref_squeeze %dma_start3A_12 : memref<1x80xi32, #tpu.memory_space<vmem>> -> memref<80xi32, #tpu.memory_space<vmem>>
    %dma_start3A_14 = arith.constant 0 : i32
    %dma_start3A_15 = arith.constant 0 : i32
    %dma_start3A_16 = tpu.memref_slice %arg2[%dma_start3A_14, %dma_start3A_15] : memref<10000x128xf32, #tpu.memory_space<hbm>> -> memref<10000x128xf32, #tpu.memory_space<hbm>>
    tpu.enqueue_indirect_dma source(%dma_start3A_16 : memref<10000x128xf32, #tpu.memory_space<hbm>>) target(%arg11 : memref<80x128xf32, #tpu.memory_space<vmem>>) offsets(%dma_start3A_13 : memref<80xi32, #tpu.memory_space<vmem>>) semaphore(%arg15 : memref<!tpu.dma_semaphore, #tpu.memory_space<semaphore_mem>>)
    %add3A_17 = arith.constant 0 : i32
    %add3A_18 = arith.addi %mul3A_2, %add3A_17 : i32
    %dma_start3A_19 = tpu.memref_slice %arg4[%add3A_18] : memref<320000xi32, #tpu.memory_space<hbm>> -> memref<80xi32, #tpu.memory_space<hbm>>
    %dma_start3A_20 = tpu.memref_slice %arg4[%add3A_18] : memref<320000xi32, #tpu.memory_space<hbm>> -> memref<80xi32, #tpu.memory_space<hbm>>
    tpu.enqueue_dma source(%dma_start3A_20 : memref<80xi32, #tpu.memory_space<hbm>>) target(%arg8 : memref<80xi32, #tpu.memory_space<vmem>>) target_semaphore(%arg18 : memref<!tpu.dma_semaphore, #tpu.memory_space<semaphore_mem>>)
    %dma_start3A_21 = arith.constant 1 : i32
    %dma_start3A_22 = arith.constant 0 : i32
    %dma_start3A_23 = tpu.memref_slice %arg7[%dma_start3A_21, %dma_start3A_22] : memref<125x80xi32, #tpu.memory_space<vmem>> -> memref<1x80xi32, #tpu.memory_space<vmem>>
    %dma_start3A_24 = tpu.memref_squeeze %dma_start3A_23 : memref<1x80xi32, #tpu.memory_space<vmem>> -> memref<80xi32, #tpu.memory_space<vmem>>
    %dma_start3A_25 = arith.constant 0 : i32
    %dma_start3A_26 = arith.constant 0 : i32
    %dma_start3A_27 = tpu.memref_slice %arg2[%dma_start3A_25, %dma_start3A_26] : memref<10000x128xf32, #tpu.memory_space<hbm>> -> memref<10000x128xf32, #tpu.memory_space<hbm>>
    tpu.enqueue_indirect_dma source(%dma_start3A_27 : memref<10000x128xf32, #tpu.memory_space<hbm>>) target(%arg12 : memref<80x128xf32, #tpu.memory_space<vmem>>) offsets(%dma_start3A_24 : memref<80xi32, #tpu.memory_space<vmem>>) semaphore(%arg16 : memref<!tpu.dma_semaphore, #tpu.memory_space<semaphore_mem>>)
    %add3A_28 = arith.constant 80 : i32
    %add3A_29 = arith.addi %mul3A_2, %add3A_28 : i32
    %dma_start3A_30 = tpu.memref_slice %arg4[%add3A_29] : memref<320000xi32, #tpu.memory_space<hbm>> -> memref<80xi32, #tpu.memory_space<hbm>>
    %dma_start3A_31 = tpu.memref_slice %arg4[%add3A_29] : memref<320000xi32, #tpu.memory_space<hbm>> -> memref<80xi32, #tpu.memory_space<hbm>>
    tpu.enqueue_dma source(%dma_start3A_31 : memref<80xi32, #tpu.memory_space<hbm>>) target(%arg9 : memref<80xi32, #tpu.memory_space<vmem>>) target_semaphore(%arg19 : memref<!tpu.dma_semaphore, #tpu.memory_space<semaphore_mem>>)
    %scan3A = arith.constant 0 : i32
    %scan3A_32 = arith.constant 0 : i32
    %scan3A_33 = arith.constant 41 : i32
    %scan3A_34 = arith.addi %scan3A_32, %scan3A_33 : i32
    %scan3A_35 = arith.constant 1 : i32
    %scan3A_36 = scf.for %scan3A_83 = %scan3A_32 to %scan3A_34 step %scan3A_35 iter_args(%scan3A_84 = %scan3A) -> (i32)  : i32 {
      %mul3A_85 = arith.constant 3 : i32
      %mul3A_86 = arith.muli %mul3A_85, %scan3A_83 : i32
      %add3A_87 = arith.constant 0 : i32
      %add3A_88 = arith.addi %mul3A_86, %add3A_87 : i32
      %dma_wait3A_89 = arith.constant 0 : i32
      %dma_wait3A_90 = arith.constant 0 : i32
      %dma_wait3A_91 = tpu.memref_slice %arg2[%dma_wait3A_89, %dma_wait3A_90] : memref<10000x128xf32, #tpu.memory_space<hbm>> -> memref<80x128xf32, #tpu.memory_space<hbm>>
      %dma_wait3A_92 = arith.constant 0 : i32
      %dma_wait3A_93 = arith.constant 0 : i32
      %dma_wait3A_94 = tpu.memref_slice %arg2[%dma_wait3A_92, %dma_wait3A_93] : memref<10000x128xf32, #tpu.memory_space<hbm>> -> memref<80x128xf32, #tpu.memory_space<hbm>>
      tpu.wait_dma2 semaphore(%arg15 : memref<!tpu.dma_semaphore, #tpu.memory_space<semaphore_mem>>) src(%dma_wait3A_94 : memref<80x128xf32, #tpu.memory_space<hbm>>) dst(%arg11 : memref<80x128xf32, #tpu.memory_space<vmem>>)
      %dma_wait3A_95 = arith.constant 0 : i32
      %dma_wait3A_96 = tpu.memref_slice %arg4[%dma_wait3A_95] : memref<320000xi32, #tpu.memory_space<hbm>> -> memref<80xi32, #tpu.memory_space<hbm>>
      %dma_wait3A_97 = arith.constant 0 : i32
      %dma_wait3A_98 = tpu.memref_slice %arg4[%dma_wait3A_97] : memref<320000xi32, #tpu.memory_space<hbm>> -> memref<80xi32, #tpu.memory_space<hbm>>
      tpu.wait_dma2 semaphore(%arg18 : memref<!tpu.dma_semaphore, #tpu.memory_space<semaphore_mem>>) src(%dma_wait3A_98 : memref<80xi32, #tpu.memory_space<hbm>>) dst(%arg8 : memref<80xi32, #tpu.memory_space<vmem>>)
      %gt3A = arith.constant 0 : i32
      %gt3A_99 = arith.cmpi sgt, %scan3A_83, %gt3A : i32
      %convert_element_type3A_100 = arith.extui %gt3A_99 : i1 to i32
      %cond3A_101 = arith.constant 0 : i32
      %cond3A_102 = arith.cmpi ne, %convert_element_type3A_100, %cond3A_101 : i32
      scf.if %cond3A_102 {
        %dma_wait3A_186 = arith.constant 0 : i32
        %dma_wait3A_187 = arith.constant 0 : i32
        %dma_wait3A_188 = tpu.memref_slice %arg14[%dma_wait3A_186, %dma_wait3A_187] : memref<10000x128xf32, #tpu.memory_space<vmem_shared>> -> memref<10000x128xf32, #tpu.memory_space<vmem_shared>>
        tpu.wait_indirect_dma semaphore(%arg23 : memref<!tpu.dma_semaphore, #tpu.memory_space<semaphore_mem>>) src(%arg13 : memref<80x128xf32, #tpu.memory_space<vmem>>) dst(%dma_wait3A_188 : memref<10000x128xf32, #tpu.memory_space<vmem_shared>>)
      } else {
      }
      %add3A_103 = arith.constant 2 : i32
      %add3A_104 = arith.addi %add3A_88, %add3A_103 : i32
      %dma_start3A_105 = arith.constant 0 : i32
      %dma_start3A_106 = tpu.memref_slice %arg7[%add3A_104, %dma_start3A_105] : memref<125x80xi32, #tpu.memory_space<vmem>> -> memref<1x80xi32, #tpu.memory_space<vmem>>
      %dma_start3A_107 = tpu.memref_squeeze %dma_start3A_106 : memref<1x80xi32, #tpu.memory_space<vmem>> -> memref<80xi32, #tpu.memory_space<vmem>>
      %dma_start3A_108 = arith.constant 0 : i32
      %dma_start3A_109 = arith.constant 0 : i32
      %dma_start3A_110 = tpu.memref_slice %arg2[%dma_start3A_108, %dma_start3A_109] : memref<10000x128xf32, #tpu.memory_space<hbm>> -> memref<10000x128xf32, #tpu.memory_space<hbm>>
      tpu.enqueue_indirect_dma source(%dma_start3A_110 : memref<10000x128xf32, #tpu.memory_space<hbm>>) target(%arg13 : memref<80x128xf32, #tpu.memory_space<vmem>>) offsets(%dma_start3A_107 : memref<80xi32, #tpu.memory_space<vmem>>) semaphore(%arg17 : memref<!tpu.dma_semaphore, #tpu.memory_space<semaphore_mem>>)
      %mul3A_111 = arith.constant 80 : i32
      %mul3A_112 = arith.muli %add3A_104, %mul3A_111 : i32
      %add3A_113 = arith.addi %mul3A_2, %mul3A_112 : i32
      %dma_start3A_114 = tpu.memref_slice %arg4[%add3A_113] : memref<320000xi32, #tpu.memory_space<hbm>> -> memref<80xi32, #tpu.memory_space<hbm>>
      %dma_start3A_115 = tpu.memref_slice %arg4[%add3A_113] : memref<320000xi32, #tpu.memory_space<hbm>> -> memref<80xi32, #tpu.memory_space<hbm>>
      tpu.enqueue_dma source(%dma_start3A_115 : memref<80xi32, #tpu.memory_space<hbm>>) target(%arg10 : memref<80xi32, #tpu.memory_space<vmem>>) target_semaphore(%arg20 : memref<!tpu.dma_semaphore, #tpu.memory_space<semaphore_mem>>)
      %dma_start3A_116 = arith.constant 0 : i32
      %dma_start3A_117 = arith.constant 0 : i32
      %dma_start3A_118 = tpu.memref_slice %arg14[%dma_start3A_116, %dma_start3A_117] : memref<10000x128xf32, #tpu.memory_space<vmem_shared>> -> memref<10000x128xf32, #tpu.memory_space<vmem_shared>>
      tpu.enqueue_indirect_dma source(%arg11 : memref<80x128xf32, #tpu.memory_space<vmem>>) target(%dma_start3A_118 : memref<10000x128xf32, #tpu.memory_space<vmem_shared>>) offsets(%arg8 : memref<80xi32, #tpu.memory_space<vmem>>) semaphore(%arg21 : memref<!tpu.dma_semaphore, #tpu.memory_space<semaphore_mem>>) {add = true}
      %mul3A_119 = arith.constant 3 : i32
      %mul3A_120 = arith.muli %mul3A_119, %scan3A_83 : i32
      %add3A_121 = arith.constant 1 : i32
      %add3A_122 = arith.addi %mul3A_120, %add3A_121 : i32
      %dma_wait3A_123 = arith.constant 0 : i32
      %dma_wait3A_124 = arith.constant 0 : i32
      %dma_wait3A_125 = tpu.memref_slice %arg2[%dma_wait3A_123, %dma_wait3A_124] : memref<10000x128xf32, #tpu.memory_space<hbm>> -> memref<80x128xf32, #tpu.memory_space<hbm>>
      %dma_wait3A_126 = arith.constant 0 : i32
      %dma_wait3A_127 = arith.constant 0 : i32
      %dma_wait3A_128 = tpu.memref_slice %arg2[%dma_wait3A_126, %dma_wait3A_127] : memref<10000x128xf32, #tpu.memory_space<hbm>> -> memref<80x128xf32, #tpu.memory_space<hbm>>
      tpu.wait_dma2 semaphore(%arg16 : memref<!tpu.dma_semaphore, #tpu.memory_space<semaphore_mem>>) src(%dma_wait3A_128 : memref<80x128xf32, #tpu.memory_space<hbm>>) dst(%arg12 : memref<80x128xf32, #tpu.memory_space<vmem>>)
      %dma_wait3A_129 = arith.constant 0 : i32
      %dma_wait3A_130 = tpu.memref_slice %arg4[%dma_wait3A_129] : memref<320000xi32, #tpu.memory_space<hbm>> -> memref<80xi32, #tpu.memory_space<hbm>>
      %dma_wait3A_131 = arith.constant 0 : i32
      %dma_wait3A_132 = tpu.memref_slice %arg4[%dma_wait3A_131] : memref<320000xi32, #tpu.memory_space<hbm>> -> memref<80xi32, #tpu.memory_space<hbm>>
      tpu.wait_dma2 semaphore(%arg19 : memref<!tpu.dma_semaphore, #tpu.memory_space<semaphore_mem>>) src(%dma_wait3A_132 : memref<80xi32, #tpu.memory_space<hbm>>) dst(%arg9 : memref<80xi32, #tpu.memory_space<vmem>>)
      %dma_wait3A_133 = arith.constant 0 : i32
      %dma_wait3A_134 = arith.constant 0 : i32
      %dma_wait3A_135 = tpu.memref_slice %arg14[%dma_wait3A_133, %dma_wait3A_134] : memref<10000x128xf32, #tpu.memory_space<vmem_shared>> -> memref<10000x128xf32, #tpu.memory_space<vmem_shared>>
      tpu.wait_indirect_dma semaphore(%arg21 : memref<!tpu.dma_semaphore, #tpu.memory_space<semaphore_mem>>) src(%arg11 : memref<80x128xf32, #tpu.memory_space<vmem>>) dst(%dma_wait3A_135 : memref<10000x128xf32, #tpu.memory_space<vmem_shared>>)
      %add3A_136 = arith.constant 2 : i32
      %add3A_137 = arith.addi %add3A_122, %add3A_136 : i32
      %dma_start3A_138 = arith.constant 0 : i32
      %dma_start3A_139 = tpu.memref_slice %arg7[%add3A_137, %dma_start3A_138] : memref<125x80xi32, #tpu.memory_space<vmem>> -> memref<1x80xi32, #tpu.memory_space<vmem>>
      %dma_start3A_140 = tpu.memref_squeeze %dma_start3A_139 : memref<1x80xi32, #tpu.memory_space<vmem>> -> memref<80xi32, #tpu.memory_space<vmem>>
      %dma_start3A_141 = arith.constant 0 : i32
      %dma_start3A_142 = arith.constant 0 : i32
      %dma_start3A_143 = tpu.memref_slice %arg2[%dma_start3A_141, %dma_start3A_142] : memref<10000x128xf32, #tpu.memory_space<hbm>> -> memref<10000x128xf32, #tpu.memory_space<hbm>>
      tpu.enqueue_indirect_dma source(%dma_start3A_143 : memref<10000x128xf32, #tpu.memory_space<hbm>>) target(%arg11 : memref<80x128xf32, #tpu.memory_space<vmem>>) offsets(%dma_start3A_140 : memref<80xi32, #tpu.memory_space<vmem>>) semaphore(%arg15 : memref<!tpu.dma_semaphore, #tpu.memory_space<semaphore_mem>>)
      %mul3A_144 = arith.constant 80 : i32
      %mul3A_145 = arith.muli %add3A_137, %mul3A_144 : i32
      %add3A_146 = arith.addi %mul3A_2, %mul3A_145 : i32
      %dma_start3A_147 = tpu.memref_slice %arg4[%add3A_146] : memref<320000xi32, #tpu.memory_space<hbm>> -> memref<80xi32, #tpu.memory_space<hbm>>
      %dma_start3A_148 = tpu.memref_slice %arg4[%add3A_146] : memref<320000xi32, #tpu.memory_space<hbm>> -> memref<80xi32, #tpu.memory_space<hbm>>
      tpu.enqueue_dma source(%dma_start3A_148 : memref<80xi32, #tpu.memory_space<hbm>>) target(%arg8 : memref<80xi32, #tpu.memory_space<vmem>>) target_semaphore(%arg18 : memref<!tpu.dma_semaphore, #tpu.memory_space<semaphore_mem>>)
      %dma_start3A_149 = arith.constant 0 : i32
      %dma_start3A_150 = arith.constant 0 : i32
      %dma_start3A_151 = tpu.memref_slice %arg14[%dma_start3A_149, %dma_start3A_150] : memref<10000x128xf32, #tpu.memory_space<vmem_shared>> -> memref<10000x128xf32, #tpu.memory_space<vmem_shared>>
      tpu.enqueue_indirect_dma source(%arg12 : memref<80x128xf32, #tpu.memory_space<vmem>>) target(%dma_start3A_151 : memref<10000x128xf32, #tpu.memory_space<vmem_shared>>) offsets(%arg9 : memref<80xi32, #tpu.memory_space<vmem>>) semaphore(%arg22 : memref<!tpu.dma_semaphore, #tpu.memory_space<semaphore_mem>>) {add = true}
      %mul3A_152 = arith.constant 3 : i32
      %mul3A_153 = arith.muli %mul3A_152, %scan3A_83 : i32
      %add3A_154 = arith.constant 2 : i32
      %add3A_155 = arith.addi %mul3A_153, %add3A_154 : i32
      %dma_wait3A_156 = arith.constant 0 : i32
      %dma_wait3A_157 = arith.constant 0 : i32
      %dma_wait3A_158 = tpu.memref_slice %arg2[%dma_wait3A_156, %dma_wait3A_157] : memref<10000x128xf32, #tpu.memory_space<hbm>> -> memref<80x128xf32, #tpu.memory_space<hbm>>
      %dma_wait3A_159 = arith.constant 0 : i32
      %dma_wait3A_160 = arith.constant 0 : i32
      %dma_wait3A_161 = tpu.memref_slice %arg2[%dma_wait3A_159, %dma_wait3A_160] : memref<10000x128xf32, #tpu.memory_space<hbm>> -> memref<80x128xf32, #tpu.memory_space<hbm>>
      tpu.wait_dma2 semaphore(%arg17 : memref<!tpu.dma_semaphore, #tpu.memory_space<semaphore_mem>>) src(%dma_wait3A_161 : memref<80x128xf32, #tpu.memory_space<hbm>>) dst(%arg13 : memref<80x128xf32, #tpu.memory_space<vmem>>)
      %dma_wait3A_162 = arith.constant 0 : i32
      %dma_wait3A_163 = tpu.memref_slice %arg4[%dma_wait3A_162] : memref<320000xi32, #tpu.memory_space<hbm>> -> memref<80xi32, #tpu.memory_space<hbm>>
      %dma_wait3A_164 = arith.constant 0 : i32
      %dma_wait3A_165 = tpu.memref_slice %arg4[%dma_wait3A_164] : memref<320000xi32, #tpu.memory_space<hbm>> -> memref<80xi32, #tpu.memory_space<hbm>>
      tpu.wait_dma2 semaphore(%arg20 : memref<!tpu.dma_semaphore, #tpu.memory_space<semaphore_mem>>) src(%dma_wait3A_165 : memref<80xi32, #tpu.memory_space<hbm>>) dst(%arg10 : memref<80xi32, #tpu.memory_space<vmem>>)
      %dma_wait3A_166 = arith.constant 0 : i32
      %dma_wait3A_167 = arith.constant 0 : i32
      %dma_wait3A_168 = tpu.memref_slice %arg14[%dma_wait3A_166, %dma_wait3A_167] : memref<10000x128xf32, #tpu.memory_space<vmem_shared>> -> memref<10000x128xf32, #tpu.memory_space<vmem_shared>>
      tpu.wait_indirect_dma semaphore(%arg22 : memref<!tpu.dma_semaphore, #tpu.memory_space<semaphore_mem>>) src(%arg12 : memref<80x128xf32, #tpu.memory_space<vmem>>) dst(%dma_wait3A_168 : memref<10000x128xf32, #tpu.memory_space<vmem_shared>>)
      %add3A_169 = arith.constant 2 : i32
      %add3A_170 = arith.addi %add3A_155, %add3A_169 : i32
      %dma_start3A_171 = arith.constant 0 : i32
      %dma_start3A_172 = tpu.memref_slice %arg7[%add3A_170, %dma_start3A_171] : memref<125x80xi32, #tpu.memory_space<vmem>> -> memref<1x80xi32, #tpu.memory_space<vmem>>
      %dma_start3A_173 = tpu.memref_squeeze %dma_start3A_172 : memref<1x80xi32, #tpu.memory_space<vmem>> -> memref<80xi32, #tpu.memory_space<vmem>>
      %dma_start3A_174 = arith.constant 0 : i32
      %dma_start3A_175 = arith.constant 0 : i32
      %dma_start3A_176 = tpu.memref_slice %arg2[%dma_start3A_174, %dma_start3A_175] : memref<10000x128xf32, #tpu.memory_space<hbm>> -> memref<10000x128xf32, #tpu.memory_space<hbm>>
      tpu.enqueue_indirect_dma source(%dma_start3A_176 : memref<10000x128xf32, #tpu.memory_space<hbm>>) target(%arg12 : memref<80x128xf32, #tpu.memory_space<vmem>>) offsets(%dma_start3A_173 : memref<80xi32, #tpu.memory_space<vmem>>) semaphore(%arg16 : memref<!tpu.dma_semaphore, #tpu.memory_space<semaphore_mem>>)
      %mul3A_177 = arith.constant 80 : i32
      %mul3A_178 = arith.muli %add3A_170, %mul3A_177 : i32
      %add3A_179 = arith.addi %mul3A_2, %mul3A_178 : i32
      %dma_start3A_180 = tpu.memref_slice %arg4[%add3A_179] : memref<320000xi32, #tpu.memory_space<hbm>> -> memref<80xi32, #tpu.memory_space<hbm>>
      %dma_start3A_181 = tpu.memref_slice %arg4[%add3A_179] : memref<320000xi32, #tpu.memory_space<hbm>> -> memref<80xi32, #tpu.memory_space<hbm>>
      tpu.enqueue_dma source(%dma_start3A_181 : memref<80xi32, #tpu.memory_space<hbm>>) target(%arg9 : memref<80xi32, #tpu.memory_space<vmem>>) target_semaphore(%arg19 : memref<!tpu.dma_semaphore, #tpu.memory_space<semaphore_mem>>)
      %dma_start3A_182 = arith.constant 0 : i32
      %dma_start3A_183 = arith.constant 0 : i32
      %dma_start3A_184 = tpu.memref_slice %arg14[%dma_start3A_182, %dma_start3A_183] : memref<10000x128xf32, #tpu.memory_space<vmem_shared>> -> memref<10000x128xf32, #tpu.memory_space<vmem_shared>>
      tpu.enqueue_indirect_dma source(%arg13 : memref<80x128xf32, #tpu.memory_space<vmem>>) target(%dma_start3A_184 : memref<10000x128xf32, #tpu.memory_space<vmem_shared>>) offsets(%arg10 : memref<80xi32, #tpu.memory_space<vmem>>) semaphore(%arg23 : memref<!tpu.dma_semaphore, #tpu.memory_space<semaphore_mem>>) {add = true}
      %scan3A_185 = arith.constant 0 : i32
      scf.yield %scan3A_185 : i32
    }
    %scan3A_37 = arith.constant 41 : i32
    %dma_wait3A = arith.constant 0 : i32
    %dma_wait3A_38 = arith.constant 0 : i32
    %dma_wait3A_39 = tpu.memref_slice %arg2[%dma_wait3A, %dma_wait3A_38] : memref<10000x128xf32, #tpu.memory_space<hbm>> -> memref<80x128xf32, #tpu.memory_space<hbm>>
    %dma_wait3A_40 = arith.constant 0 : i32
    %dma_wait3A_41 = arith.constant 0 : i32
    %dma_wait3A_42 = tpu.memref_slice %arg2[%dma_wait3A_40, %dma_wait3A_41] : memref<10000x128xf32, #tpu.memory_space<hbm>> -> memref<80x128xf32, #tpu.memory_space<hbm>>
    tpu.wait_dma2 semaphore(%arg15 : memref<!tpu.dma_semaphore, #tpu.memory_space<semaphore_mem>>) src(%dma_wait3A_42 : memref<80x128xf32, #tpu.memory_space<hbm>>) dst(%arg11 : memref<80x128xf32, #tpu.memory_space<vmem>>)
    %dma_wait3A_43 = arith.constant 0 : i32
    %dma_wait3A_44 = tpu.memref_slice %arg4[%dma_wait3A_43] : memref<320000xi32, #tpu.memory_space<hbm>> -> memref<80xi32, #tpu.memory_space<hbm>>
    %dma_wait3A_45 = arith.constant 0 : i32
    %dma_wait3A_46 = tpu.memref_slice %arg4[%dma_wait3A_45] : memref<320000xi32, #tpu.memory_space<hbm>> -> memref<80xi32, #tpu.memory_space<hbm>>
    tpu.wait_dma2 semaphore(%arg18 : memref<!tpu.dma_semaphore, #tpu.memory_space<semaphore_mem>>) src(%dma_wait3A_46 : memref<80xi32, #tpu.memory_space<hbm>>) dst(%arg8 : memref<80xi32, #tpu.memory_space<vmem>>)
    %dma_wait3A_47 = arith.constant 0 : i32
    %dma_wait3A_48 = arith.constant 0 : i32
    %dma_wait3A_49 = tpu.memref_slice %arg14[%dma_wait3A_47, %dma_wait3A_48] : memref<10000x128xf32, #tpu.memory_space<vmem_shared>> -> memref<10000x128xf32, #tpu.memory_space<vmem_shared>>
    tpu.wait_indirect_dma semaphore(%arg23 : memref<!tpu.dma_semaphore, #tpu.memory_space<semaphore_mem>>) src(%arg13 : memref<80x128xf32, #tpu.memory_space<vmem>>) dst(%dma_wait3A_49 : memref<10000x128xf32, #tpu.memory_space<vmem_shared>>)
    %dma_start3A_50 = arith.constant 0 : i32
    %dma_start3A_51 = arith.constant 0 : i32
    %dma_start3A_52 = tpu.memref_slice %arg14[%dma_start3A_50, %dma_start3A_51] : memref<10000x128xf32, #tpu.memory_space<vmem_shared>> -> memref<10000x128xf32, #tpu.memory_space<vmem_shared>>
    tpu.enqueue_indirect_dma source(%arg11 : memref<80x128xf32, #tpu.memory_space<vmem>>) target(%dma_start3A_52 : memref<10000x128xf32, #tpu.memory_space<vmem_shared>>) offsets(%arg8 : memref<80xi32, #tpu.memory_space<vmem>>) semaphore(%arg21 : memref<!tpu.dma_semaphore, #tpu.memory_space<semaphore_mem>>) {add = true}
    %dma_wait3A_53 = arith.constant 0 : i32
    %dma_wait3A_54 = arith.constant 0 : i32
    %dma_wait3A_55 = tpu.memref_slice %arg2[%dma_wait3A_53, %dma_wait3A_54] : memref<10000x128xf32, #tpu.memory_space<hbm>> -> memref<80x128xf32, #tpu.memory_space<hbm>>
    %dma_wait3A_56 = arith.constant 0 : i32
    %dma_wait3A_57 = arith.constant 0 : i32
    %dma_wait3A_58 = tpu.memref_slice %arg2[%dma_wait3A_56, %dma_wait3A_57] : memref<10000x128xf32, #tpu.memory_space<hbm>> -> memref<80x128xf32, #tpu.memory_space<hbm>>
    tpu.wait_dma2 semaphore(%arg16 : memref<!tpu.dma_semaphore, #tpu.memory_space<semaphore_mem>>) src(%dma_wait3A_58 : memref<80x128xf32, #tpu.memory_space<hbm>>) dst(%arg12 : memref<80x128xf32, #tpu.memory_space<vmem>>)
    %dma_wait3A_59 = arith.constant 0 : i32
    %dma_wait3A_60 = tpu.memref_slice %arg4[%dma_wait3A_59] : memref<320000xi32, #tpu.memory_space<hbm>> -> memref<80xi32, #tpu.memory_space<hbm>>
    %dma_wait3A_61 = arith.constant 0 : i32
    %dma_wait3A_62 = tpu.memref_slice %arg4[%dma_wait3A_61] : memref<320000xi32, #tpu.memory_space<hbm>> -> memref<80xi32, #tpu.memory_space<hbm>>
    tpu.wait_dma2 semaphore(%arg19 : memref<!tpu.dma_semaphore, #tpu.memory_space<semaphore_mem>>) src(%dma_wait3A_62 : memref<80xi32, #tpu.memory_space<hbm>>) dst(%arg9 : memref<80xi32, #tpu.memory_space<vmem>>)
    %dma_wait3A_63 = arith.constant 0 : i32
    %dma_wait3A_64 = arith.constant 0 : i32
    %dma_wait3A_65 = tpu.memref_slice %arg14[%dma_wait3A_63, %dma_wait3A_64] : memref<10000x128xf32, #tpu.memory_space<vmem_shared>> -> memref<10000x128xf32, #tpu.memory_space<vmem_shared>>
    tpu.wait_indirect_dma semaphore(%arg21 : memref<!tpu.dma_semaphore, #tpu.memory_space<semaphore_mem>>) src(%arg11 : memref<80x128xf32, #tpu.memory_space<vmem>>) dst(%dma_wait3A_65 : memref<10000x128xf32, #tpu.memory_space<vmem_shared>>)
    %dma_start3A_66 = arith.constant 0 : i32
    %dma_start3A_67 = arith.constant 0 : i32
    %dma_start3A_68 = tpu.memref_slice %arg14[%dma_start3A_66, %dma_start3A_67] : memref<10000x128xf32, #tpu.memory_space<vmem_shared>> -> memref<10000x128xf32, #tpu.memory_space<vmem_shared>>
    tpu.enqueue_indirect_dma source(%arg12 : memref<80x128xf32, #tpu.memory_space<vmem>>) target(%dma_start3A_68 : memref<10000x128xf32, #tpu.memory_space<vmem_shared>>) offsets(%arg9 : memref<80xi32, #tpu.memory_space<vmem>>) semaphore(%arg22 : memref<!tpu.dma_semaphore, #tpu.memory_space<semaphore_mem>>) {add = true}
    %dma_wait3A_69 = arith.constant 0 : i32
    %dma_wait3A_70 = arith.constant 0 : i32
    %dma_wait3A_71 = tpu.memref_slice %arg14[%dma_wait3A_69, %dma_wait3A_70] : memref<10000x128xf32, #tpu.memory_space<vmem_shared>> -> memref<10000x128xf32, #tpu.memory_space<vmem_shared>>
    tpu.wait_indirect_dma semaphore(%arg22 : memref<!tpu.dma_semaphore, #tpu.memory_space<semaphore_mem>>) src(%arg12 : memref<80x128xf32, #tpu.memory_space<vmem>>) dst(%dma_wait3A_71 : memref<10000x128xf32, #tpu.memory_space<vmem_shared>>)
    %barrier3A_72 = arith.constant 0 : index
    tpu.barrier barrier_id(%barrier3A_72)
    %lt3A_73 = arith.constant 15 : i32
    %lt3A_74 = arith.cmpi slt, %arg1, %lt3A_73 : i32
    %convert_element_type3A_75 = arith.extui %lt3A_74 : i1 to i32
    %cond3A_76 = arith.constant 0 : i32
    %cond3A_77 = arith.cmpi ne, %convert_element_type3A_75, %cond3A_76 : i32
    scf.if %cond3A_77 {
      %mul3A_83 = arith.constant 10000 : i32
      %mul3A_84 = arith.muli %arg0, %mul3A_83 : i32
      %add3A_85 = arith.addi %mul3A_84, %mul3A_4 : i32
      "tpu.region"() ({
        %run_scoped3A = tpu.sem_alloc : memref<!tpu.dma_semaphore, #tpu.memory_space<semaphore_mem>>
        %dma_start3A_86 = arith.constant 0 : i32
        %dma_start3A_87 = tpu.memref_slice %arg6[%add3A_85, %dma_start3A_86] : memref<20000x128xf32, #tpu.memory_space<hbm>> -> memref<624x128xf32, #tpu.memory_space<hbm>>
        %dma_start3A_88 = arith.constant 0 : i32
        %dma_start3A_89 = tpu.memref_slice %arg14[%mul3A_4, %dma_start3A_88] : memref<10000x128xf32, #tpu.memory_space<vmem_shared>> -> memref<624x128xf32, #tpu.memory_space<vmem_shared>>
        tpu.enqueue_dma source(%dma_start3A_89 : memref<624x128xf32, #tpu.memory_space<vmem_shared>>) target(%dma_start3A_87 : memref<624x128xf32, #tpu.memory_space<hbm>>) target_semaphore(%run_scoped3A : memref<!tpu.dma_semaphore, #tpu.memory_space<semaphore_mem>>)
        %dma_wait3A_90 = arith.constant 0 : i32
        %dma_wait3A_91 = tpu.memref_slice %arg6[%add3A_85, %dma_wait3A_90] : memref<20000x128xf32, #tpu.memory_space<hbm>> -> memref<624x128xf32, #tpu.memory_space<hbm>>
        %dma_wait3A_92 = arith.constant 0 : i32
        %dma_wait3A_93 = tpu.memref_slice %arg14[%mul3A_4, %dma_wait3A_92] : memref<10000x128xf32, #tpu.memory_space<vmem_shared>> -> memref<624x128xf32, #tpu.memory_space<vmem_shared>>
        tpu.wait_dma2 semaphore(%run_scoped3A : memref<!tpu.dma_semaphore, #tpu.memory_space<semaphore_mem>>) src(%dma_wait3A_93 : memref<624x128xf32, #tpu.memory_space<vmem_shared>>) dst(%dma_wait3A_91 : memref<624x128xf32, #tpu.memory_space<hbm>>)
        tpu.yield
      }) : () -> ()
    } else {
    }
    %eq3A_78 = arith.constant 15 : i32
    %eq3A_79 = arith.cmpi eq, %arg1, %eq3A_78 : i32
    %convert_element_type3A_80 = arith.extui %eq3A_79 : i1 to i32
    %cond3A_81 = arith.constant 0 : i32
    %cond3A_82 = arith.cmpi ne, %convert_element_type3A_80, %cond3A_81 : i32
    scf.if %cond3A_82 {
      %mul3A_83 = arith.constant 10000 : i32
      %mul3A_84 = arith.muli %arg0, %mul3A_83 : i32
      %add3A_85 = arith.addi %mul3A_84, %mul3A_4 : i32
      "tpu.region"() ({
        %run_scoped3A = tpu.sem_alloc : memref<!tpu.dma_semaphore, #tpu.memory_space<semaphore_mem>>
        %dma_start3A_86 = arith.constant 0 : i32
        %dma_start3A_87 = tpu.memref_slice %arg6[%add3A_85, %dma_start3A_86] : memref<20000x128xf32, #tpu.memory_space<hbm>> -> memref<640x128xf32, #tpu.memory_space<hbm>>
        %dma_start3A_88 = arith.constant 0 : i32
        %dma_start3A_89 = tpu.memref_slice %arg14[%mul3A_4, %dma_start3A_88] : memref<10000x128xf32, #tpu.memory_space<vmem_shared>> -> memref<640x128xf32, #tpu.memory_space<vmem_shared>>
        tpu.enqueue_dma source(%dma_start3A_89 : memref<640x128xf32, #tpu.memory_space<vmem_shared>>) target(%dma_start3A_87 : memref<640x128xf32, #tpu.memory_space<hbm>>) target_semaphore(%run_scoped3A : memref<!tpu.dma_semaphore, #tpu.memory_space<semaphore_mem>>)
        %dma_wait3A_90 = arith.constant 0 : i32
        %dma_wait3A_91 = tpu.memref_slice %arg6[%add3A_85, %dma_wait3A_90] : memref<20000x128xf32, #tpu.memory_space<hbm>> -> memref<640x128xf32, #tpu.memory_space<hbm>>
        %dma_wait3A_92 = arith.constant 0 : i32
        %dma_wait3A_93 = tpu.memref_slice %arg14[%mul3A_4, %dma_wait3A_92] : memref<10000x128xf32, #tpu.memory_space<vmem_shared>> -> memref<640x128xf32, #tpu.memory_space<vmem_shared>>
        tpu.wait_dma2 semaphore(%run_scoped3A : memref<!tpu.dma_semaphore, #tpu.memory_space<semaphore_mem>>) src(%dma_wait3A_93 : memref<640x128xf32, #tpu.memory_space<vmem_shared>>) dst(%dma_wait3A_91 : memref<640x128xf32, #tpu.memory_space<hbm>>)
        tpu.yield
      }) : () -> ()
    } else {
    }
    return
  }
}

#map = affine_map<(d0, d1) -> (0, 0)>
#map1 = affine_map<(d0, d1) -> (0, 0, 0)>
#map2 = affine_map<(d0, d1) -> (0)>
module attributes {stable_mosaic.version = 14 : i64} {
  func.func @_sc_agg_body(%arg0: i32, %arg1: i32, %arg2: memref<10000x128xf32, #tpu.memory_space<hbm>>, %arg3: memref<32x125x80xi32, #tpu.memory_space<hbm>>, %arg4: memref<320000xi32, #tpu.memory_space<hbm>>, %arg5: memref<10000x128xf32, #tpu.memory_space<hbm>>, %arg6: memref<20000x128xf32, #tpu.memory_space<hbm>>, %arg7: memref<125x80xi32, #tpu.memory_space<vmem>>, %arg8: memref<80xi32, #tpu.memory_space<vmem>>, %arg9: memref<80xi32, #tpu.memory_space<vmem>>, %arg10: memref<80xi32, #tpu.memory_space<vmem>>, %arg11: memref<80x128xf32, #tpu.memory_space<vmem>>, %arg12: memref<80x128xf32, #tpu.memory_space<vmem>>, %arg13: memref<80x128xf32, #tpu.memory_space<vmem>>, %arg14: memref<10000x128xf32, #tpu.memory_space<vmem_shared>>, %arg15: memref<!tpu.dma_semaphore, #tpu.memory_space<semaphore_mem>>, %arg16: memref<!tpu.dma_semaphore, #tpu.memory_space<semaphore_mem>>, %arg17: memref<!tpu.dma_semaphore, #tpu.memory_space<semaphore_mem>>, %arg18: memref<!tpu.dma_semaphore, #tpu.memory_space<semaphore_mem>>, %arg19: memref<!tpu.dma_semaphore, #tpu.memory_space<semaphore_mem>>, %arg20: memref<!tpu.dma_semaphore, #tpu.memory_space<semaphore_mem>>, %arg21: memref<!tpu.dma_semaphore, #tpu.memory_space<semaphore_mem>>, %arg22: memref<!tpu.dma_semaphore, #tpu.memory_space<semaphore_mem>>, %arg23: memref<!tpu.dma_semaphore, #tpu.memory_space<semaphore_mem>>) attributes {dimension_semantics = [#tpu.dimension_semantics<core_parallel>, #tpu.dimension_semantics<subcore_parallel>], iteration_bounds = array<i64: 2, 16>, scalar_prefetch = 0 : i64, scratch_operands = 17 : i64, tpu.core_type = #tpu.core_type<sc_vector_subcore>, window_params = [{transform_indices = #map}, {transform_indices = #map1}, {transform_indices = #map2}, {transform_indices = #map}, {transform_indices = #map}]} {
    %mul3A = arith.constant 16 : i32
    %mul3A_0 = arith.muli %arg0, %mul3A : i32
    %add3A = arith.addi %mul3A_0, %arg1 : i32
    %mul3A_1 = arith.constant 10000 : i32
    %mul3A_2 = arith.muli %add3A, %mul3A_1 : i32
    %mul3A_3 = arith.constant 624 : i32
    %mul3A_4 = arith.muli %arg1, %mul3A_3 : i32
    %lt3A = arith.constant 15 : i32
    %lt3A_5 = arith.cmpi slt, %arg1, %lt3A : i32
    %convert_element_type3A = arith.extui %lt3A_5 : i1 to i32
    %cond3A = arith.constant 0 : i32
    %cond3A_6 = arith.cmpi ne, %convert_element_type3A, %cond3A : i32
    scf.if %cond3A_6 {
      "tpu.region"() ({
        %run_scoped3A = tpu.sem_alloc : memref<!tpu.dma_semaphore, #tpu.memory_space<semaphore_mem>>
        %dma_start3A_83 = arith.constant 0 : i32
        %dma_start3A_84 = tpu.memref_slice %arg14[%mul3A_4, %dma_start3A_83] : memref<10000x128xf32, #tpu.memory_space<vmem_shared>> -> memref<624x128xf32, #tpu.memory_space<vmem_shared>>
        %dma_start3A_85 = arith.constant 0 : i32
        %dma_start3A_86 = tpu.memref_slice %arg5[%mul3A_4, %dma_start3A_85] : memref<10000x128xf32, #tpu.memory_space<hbm>> -> memref<624x128xf32, #tpu.memory_space<hbm>>
        tpu.enqueue_dma source(%dma_start3A_86 : memref<624x128xf32, #tpu.memory_space<hbm>>) target(%dma_start3A_84 : memref<624x128xf32, #tpu.memory_space<vmem_shared>>) target_semaphore(%run_scoped3A : memref<!tpu.dma_semaphore, #tpu.memory_space<semaphore_mem>>)
        %dma_wait3A_87 = arith.constant 0 : i32
        %dma_wait3A_88 = tpu.memref_slice %arg14[%mul3A_4, %dma_wait3A_87] : memref<10000x128xf32, #tpu.memory_space<vmem_shared>> -> memref<624x128xf32, #tpu.memory_space<vmem_shared>>
        %dma_wait3A_89 = arith.constant 0 : i32
        %dma_wait3A_90 = tpu.memref_slice %arg5[%mul3A_4, %dma_wait3A_89] : memref<10000x128xf32, #tpu.memory_space<hbm>> -> memref<624x128xf32, #tpu.memory_space<hbm>>
        tpu.wait_dma2 semaphore(%run_scoped3A : memref<!tpu.dma_semaphore, #tpu.memory_space<semaphore_mem>>) src(%dma_wait3A_90 : memref<624x128xf32, #tpu.memory_space<hbm>>) dst(%dma_wait3A_88 : memref<624x128xf32, #tpu.memory_space<vmem_shared>>)
        tpu.yield
      }) : () -> ()
    } else {
    }
    %eq3A = arith.constant 15 : i32
    %eq3A_7 = arith.cmpi eq, %arg1, %eq3A : i32
    %convert_element_type3A_8 = arith.extui %eq3A_7 : i1 to i32
    %cond3A_9 = arith.constant 0 : i32
    %cond3A_10 = arith.cmpi ne, %convert_element_type3A_8, %cond3A_9 : i32
    scf.if %cond3A_10 {
      "tpu.region"() ({
        %run_scoped3A = tpu.sem_alloc : memref<!tpu.dma_semaphore, #tpu.memory_space<semaphore_mem>>
        %dma_start3A_83 = arith.constant 0 : i32
        %dma_start3A_84 = tpu.memref_slice %arg14[%mul3A_4, %dma_start3A_83] : memref<10000x128xf32, #tpu.memory_space<vmem_shared>> -> memref<640x128xf32, #tpu.memory_space<vmem_shared>>
        %dma_start3A_85 = arith.constant 0 : i32
        %dma_start3A_86 = tpu.memref_slice %arg5[%mul3A_4, %dma_start3A_85] : memref<10000x128xf32, #tpu.memory_space<hbm>> -> memref<640x128xf32, #tpu.memory_space<hbm>>
        tpu.enqueue_dma source(%dma_start3A_86 : memref<640x128xf32, #tpu.memory_space<hbm>>) target(%dma_start3A_84 : memref<640x128xf32, #tpu.memory_space<vmem_shared>>) target_semaphore(%run_scoped3A : memref<!tpu.dma_semaphore, #tpu.memory_space<semaphore_mem>>)
        %dma_wait3A_87 = arith.constant 0 : i32
        %dma_wait3A_88 = tpu.memref_slice %arg14[%mul3A_4, %dma_wait3A_87] : memref<10000x128xf32, #tpu.memory_space<vmem_shared>> -> memref<640x128xf32, #tpu.memory_space<vmem_shared>>
        %dma_wait3A_89 = arith.constant 0 : i32
        %dma_wait3A_90 = tpu.memref_slice %arg5[%mul3A_4, %dma_wait3A_89] : memref<10000x128xf32, #tpu.memory_space<hbm>> -> memref<640x128xf32, #tpu.memory_space<hbm>>
        tpu.wait_dma2 semaphore(%run_scoped3A : memref<!tpu.dma_semaphore, #tpu.memory_space<semaphore_mem>>) src(%dma_wait3A_90 : memref<640x128xf32, #tpu.memory_space<hbm>>) dst(%dma_wait3A_88 : memref<640x128xf32, #tpu.memory_space<vmem_shared>>)
        tpu.yield
      }) : () -> ()
    } else {
    }
    "tpu.region"() ({
      %run_scoped3A = tpu.sem_alloc : memref<!tpu.dma_semaphore, #tpu.memory_space<semaphore_mem>>
      %dma_start3A_83 = arith.constant 0 : i32
      %dma_start3A_84 = arith.constant 0 : i32
      %dma_start3A_85 = tpu.memref_slice %arg3[%add3A, %dma_start3A_83, %dma_start3A_84] : memref<32x125x80xi32, #tpu.memory_space<hbm>> -> memref<1x125x80xi32, #tpu.memory_space<hbm>>
      %dma_start3A_86 = tpu.memref_squeeze %dma_start3A_85 : memref<1x125x80xi32, #tpu.memory_space<hbm>> -> memref<125x80xi32, #tpu.memory_space<hbm>>
      %dma_start3A_87 = arith.constant 0 : i32
      %dma_start3A_88 = arith.constant 0 : i32
      %dma_start3A_89 = tpu.memref_slice %arg3[%add3A, %dma_start3A_87, %dma_start3A_88] : memref<32x125x80xi32, #tpu.memory_space<hbm>> -> memref<1x125x80xi32, #tpu.memory_space<hbm>>
      %dma_start3A_90 = tpu.memref_squeeze %dma_start3A_89 : memref<1x125x80xi32, #tpu.memory_space<hbm>> -> memref<125x80xi32, #tpu.memory_space<hbm>>
      tpu.enqueue_dma source(%dma_start3A_90 : memref<125x80xi32, #tpu.memory_space<hbm>>) target(%arg7 : memref<125x80xi32, #tpu.memory_space<vmem>>) target_semaphore(%run_scoped3A : memref<!tpu.dma_semaphore, #tpu.memory_space<semaphore_mem>>)
      %dma_wait3A_91 = arith.constant 0 : i32
      %dma_wait3A_92 = arith.constant 0 : i32
      %dma_wait3A_93 = tpu.memref_slice %arg3[%add3A, %dma_wait3A_91, %dma_wait3A_92] : memref<32x125x80xi32, #tpu.memory_space<hbm>> -> memref<1x125x80xi32, #tpu.memory_space<hbm>>
      %dma_wait3A_94 = tpu.memref_squeeze %dma_wait3A_93 : memref<1x125x80xi32, #tpu.memory_space<hbm>> -> memref<125x80xi32, #tpu.memory_space<hbm>>
      %dma_wait3A_95 = arith.constant 0 : i32
      %dma_wait3A_96 = arith.constant 0 : i32
      %dma_wait3A_97 = tpu.memref_slice %arg3[%add3A, %dma_wait3A_95, %dma_wait3A_96] : memref<32x125x80xi32, #tpu.memory_space<hbm>> -> memref<1x125x80xi32, #tpu.memory_space<hbm>>
      %dma_wait3A_98 = tpu.memref_squeeze %dma_wait3A_97 : memref<1x125x80xi32, #tpu.memory_space<hbm>> -> memref<125x80xi32, #tpu.memory_space<hbm>>
      tpu.wait_dma2 semaphore(%run_scoped3A : memref<!tpu.dma_semaphore, #tpu.memory_space<semaphore_mem>>) src(%dma_wait3A_98 : memref<125x80xi32, #tpu.memory_space<hbm>>) dst(%arg7 : memref<125x80xi32, #tpu.memory_space<vmem>>)
      tpu.yield
    }) : () -> ()
    %barrier3A = arith.constant 0 : index
    tpu.barrier barrier_id(%barrier3A)
    %dma_start3A = arith.constant 0 : i32
    %dma_start3A_11 = arith.constant 0 : i32
    %dma_start3A_12 = tpu.memref_slice %arg7[%dma_start3A, %dma_start3A_11] : memref<125x80xi32, #tpu.memory_space<vmem>> -> memref<1x80xi32, #tpu.memory_space<vmem>>
    %dma_start3A_13 = tpu.memref_squeeze %dma_start3A_12 : memref<1x80xi32, #tpu.memory_space<vmem>> -> memref<80xi32, #tpu.memory_space<vmem>>
    %dma_start3A_14 = arith.constant 0 : i32
    %dma_start3A_15 = arith.constant 0 : i32
    %dma_start3A_16 = tpu.memref_slice %arg2[%dma_start3A_14, %dma_start3A_15] : memref<10000x128xf32, #tpu.memory_space<hbm>> -> memref<10000x128xf32, #tpu.memory_space<hbm>>
    tpu.enqueue_indirect_dma source(%dma_start3A_16 : memref<10000x128xf32, #tpu.memory_space<hbm>>) target(%arg11 : memref<80x128xf32, #tpu.memory_space<vmem>>) offsets(%dma_start3A_13 : memref<80xi32, #tpu.memory_space<vmem>>) semaphore(%arg15 : memref<!tpu.dma_semaphore, #tpu.memory_space<semaphore_mem>>)
    %add3A_17 = arith.constant 0 : i32
    %add3A_18 = arith.addi %mul3A_2, %add3A_17 : i32
    %dma_start3A_19 = tpu.memref_slice %arg4[%add3A_18] : memref<320000xi32, #tpu.memory_space<hbm>> -> memref<80xi32, #tpu.memory_space<hbm>>
    %dma_start3A_20 = tpu.memref_slice %arg4[%add3A_18] : memref<320000xi32, #tpu.memory_space<hbm>> -> memref<80xi32, #tpu.memory_space<hbm>>
    tpu.enqueue_dma source(%dma_start3A_20 : memref<80xi32, #tpu.memory_space<hbm>>) target(%arg8 : memref<80xi32, #tpu.memory_space<vmem>>) target_semaphore(%arg18 : memref<!tpu.dma_semaphore, #tpu.memory_space<semaphore_mem>>)
    %dma_start3A_21 = arith.constant 1 : i32
    %dma_start3A_22 = arith.constant 0 : i32
    %dma_start3A_23 = tpu.memref_slice %arg7[%dma_start3A_21, %dma_start3A_22] : memref<125x80xi32, #tpu.memory_space<vmem>> -> memref<1x80xi32, #tpu.memory_space<vmem>>
    %dma_start3A_24 = tpu.memref_squeeze %dma_start3A_23 : memref<1x80xi32, #tpu.memory_space<vmem>> -> memref<80xi32, #tpu.memory_space<vmem>>
    %dma_start3A_25 = arith.constant 0 : i32
    %dma_start3A_26 = arith.constant 0 : i32
    %dma_start3A_27 = tpu.memref_slice %arg2[%dma_start3A_25, %dma_start3A_26] : memref<10000x128xf32, #tpu.memory_space<hbm>> -> memref<10000x128xf32, #tpu.memory_space<hbm>>
    tpu.enqueue_indirect_dma source(%dma_start3A_27 : memref<10000x128xf32, #tpu.memory_space<hbm>>) target(%arg12 : memref<80x128xf32, #tpu.memory_space<vmem>>) offsets(%dma_start3A_24 : memref<80xi32, #tpu.memory_space<vmem>>) semaphore(%arg16 : memref<!tpu.dma_semaphore, #tpu.memory_space<semaphore_mem>>)
    %add3A_28 = arith.constant 80 : i32
    %add3A_29 = arith.addi %mul3A_2, %add3A_28 : i32
    %dma_start3A_30 = tpu.memref_slice %arg4[%add3A_29] : memref<320000xi32, #tpu.memory_space<hbm>> -> memref<80xi32, #tpu.memory_space<hbm>>
    %dma_start3A_31 = tpu.memref_slice %arg4[%add3A_29] : memref<320000xi32, #tpu.memory_space<hbm>> -> memref<80xi32, #tpu.memory_space<hbm>>
    tpu.enqueue_dma source(%dma_start3A_31 : memref<80xi32, #tpu.memory_space<hbm>>) target(%arg9 : memref<80xi32, #tpu.memory_space<vmem>>) target_semaphore(%arg19 : memref<!tpu.dma_semaphore, #tpu.memory_space<semaphore_mem>>)
    %scan3A = arith.constant 0 : i32
    %scan3A_32 = arith.constant 0 : i32
    %scan3A_33 = arith.constant 41 : i32
    %scan3A_34 = arith.addi %scan3A_32, %scan3A_33 : i32
    %scan3A_35 = arith.constant 1 : i32
    %scan3A_36 = scf.for %scan3A_83 = %scan3A_32 to %scan3A_34 step %scan3A_35 iter_args(%scan3A_84 = %scan3A) -> (i32)  : i32 {
      %mul3A_85 = arith.constant 3 : i32
      %mul3A_86 = arith.muli %mul3A_85, %scan3A_83 : i32
      %add3A_87 = arith.constant 0 : i32
      %add3A_88 = arith.addi %mul3A_86, %add3A_87 : i32
      %dma_wait3A_89 = arith.constant 0 : i32
      %dma_wait3A_90 = arith.constant 0 : i32
      %dma_wait3A_91 = tpu.memref_slice %arg2[%dma_wait3A_89, %dma_wait3A_90] : memref<10000x128xf32, #tpu.memory_space<hbm>> -> memref<80x128xf32, #tpu.memory_space<hbm>>
      %dma_wait3A_92 = arith.constant 0 : i32
      %dma_wait3A_93 = arith.constant 0 : i32
      %dma_wait3A_94 = tpu.memref_slice %arg2[%dma_wait3A_92, %dma_wait3A_93] : memref<10000x128xf32, #tpu.memory_space<hbm>> -> memref<80x128xf32, #tpu.memory_space<hbm>>
      tpu.wait_dma2 semaphore(%arg15 : memref<!tpu.dma_semaphore, #tpu.memory_space<semaphore_mem>>) src(%dma_wait3A_94 : memref<80x128xf32, #tpu.memory_space<hbm>>) dst(%arg11 : memref<80x128xf32, #tpu.memory_space<vmem>>)
      %dma_wait3A_95 = arith.constant 0 : i32
      %dma_wait3A_96 = tpu.memref_slice %arg4[%dma_wait3A_95] : memref<320000xi32, #tpu.memory_space<hbm>> -> memref<80xi32, #tpu.memory_space<hbm>>
      %dma_wait3A_97 = arith.constant 0 : i32
      %dma_wait3A_98 = tpu.memref_slice %arg4[%dma_wait3A_97] : memref<320000xi32, #tpu.memory_space<hbm>> -> memref<80xi32, #tpu.memory_space<hbm>>
      tpu.wait_dma2 semaphore(%arg18 : memref<!tpu.dma_semaphore, #tpu.memory_space<semaphore_mem>>) src(%dma_wait3A_98 : memref<80xi32, #tpu.memory_space<hbm>>) dst(%arg8 : memref<80xi32, #tpu.memory_space<vmem>>)
      %gt3A = arith.constant 0 : i32
      %gt3A_99 = arith.cmpi sgt, %scan3A_83, %gt3A : i32
      %convert_element_type3A_100 = arith.extui %gt3A_99 : i1 to i32
      %cond3A_101 = arith.constant 0 : i32
      %cond3A_102 = arith.cmpi ne, %convert_element_type3A_100, %cond3A_101 : i32
      scf.if %cond3A_102 {
        %dma_wait3A_186 = arith.constant 0 : i32
        %dma_wait3A_187 = arith.constant 0 : i32
        %dma_wait3A_188 = tpu.memref_slice %arg14[%dma_wait3A_186, %dma_wait3A_187] : memref<10000x128xf32, #tpu.memory_space<vmem_shared>> -> memref<10000x128xf32, #tpu.memory_space<vmem_shared>>
        tpu.wait_indirect_dma semaphore(%arg23 : memref<!tpu.dma_semaphore, #tpu.memory_space<semaphore_mem>>) src(%arg13 : memref<80x128xf32, #tpu.memory_space<vmem>>) dst(%dma_wait3A_188 : memref<10000x128xf32, #tpu.memory_space<vmem_shared>>)
      } else {
      }
      %add3A_103 = arith.constant 2 : i32
      %add3A_104 = arith.addi %add3A_88, %add3A_103 : i32
      %dma_start3A_105 = arith.constant 0 : i32
      %dma_start3A_106 = tpu.memref_slice %arg7[%add3A_104, %dma_start3A_105] : memref<125x80xi32, #tpu.memory_space<vmem>> -> memref<1x80xi32, #tpu.memory_space<vmem>>
      %dma_start3A_107 = tpu.memref_squeeze %dma_start3A_106 : memref<1x80xi32, #tpu.memory_space<vmem>> -> memref<80xi32, #tpu.memory_space<vmem>>
      %dma_start3A_108 = arith.constant 0 : i32
      %dma_start3A_109 = arith.constant 0 : i32
      %dma_start3A_110 = tpu.memref_slice %arg2[%dma_start3A_108, %dma_start3A_109] : memref<10000x128xf32, #tpu.memory_space<hbm>> -> memref<10000x128xf32, #tpu.memory_space<hbm>>
      tpu.enqueue_indirect_dma source(%dma_start3A_110 : memref<10000x128xf32, #tpu.memory_space<hbm>>) target(%arg13 : memref<80x128xf32, #tpu.memory_space<vmem>>) offsets(%dma_start3A_107 : memref<80xi32, #tpu.memory_space<vmem>>) semaphore(%arg17 : memref<!tpu.dma_semaphore, #tpu.memory_space<semaphore_mem>>)
      %mul3A_111 = arith.constant 80 : i32
      %mul3A_112 = arith.muli %add3A_104, %mul3A_111 : i32
      %add3A_113 = arith.addi %mul3A_2, %mul3A_112 : i32
      %dma_start3A_114 = tpu.memref_slice %arg4[%add3A_113] : memref<320000xi32, #tpu.memory_space<hbm>> -> memref<80xi32, #tpu.memory_space<hbm>>
      %dma_start3A_115 = tpu.memref_slice %arg4[%add3A_113] : memref<320000xi32, #tpu.memory_space<hbm>> -> memref<80xi32, #tpu.memory_space<hbm>>
      tpu.enqueue_dma source(%dma_start3A_115 : memref<80xi32, #tpu.memory_space<hbm>>) target(%arg10 : memref<80xi32, #tpu.memory_space<vmem>>) target_semaphore(%arg20 : memref<!tpu.dma_semaphore, #tpu.memory_space<semaphore_mem>>)
      %dma_start3A_116 = arith.constant 0 : i32
      %dma_start3A_117 = arith.constant 0 : i32
      %dma_start3A_118 = tpu.memref_slice %arg14[%dma_start3A_116, %dma_start3A_117] : memref<10000x128xf32, #tpu.memory_space<vmem_shared>> -> memref<10000x128xf32, #tpu.memory_space<vmem_shared>>
      tpu.enqueue_indirect_dma source(%arg11 : memref<80x128xf32, #tpu.memory_space<vmem>>) target(%dma_start3A_118 : memref<10000x128xf32, #tpu.memory_space<vmem_shared>>) offsets(%arg8 : memref<80xi32, #tpu.memory_space<vmem>>) semaphore(%arg21 : memref<!tpu.dma_semaphore, #tpu.memory_space<semaphore_mem>>) {add = true}
      %mul3A_119 = arith.constant 3 : i32
      %mul3A_120 = arith.muli %mul3A_119, %scan3A_83 : i32
      %add3A_121 = arith.constant 1 : i32
      %add3A_122 = arith.addi %mul3A_120, %add3A_121 : i32
      %dma_wait3A_123 = arith.constant 0 : i32
      %dma_wait3A_124 = arith.constant 0 : i32
      %dma_wait3A_125 = tpu.memref_slice %arg2[%dma_wait3A_123, %dma_wait3A_124] : memref<10000x128xf32, #tpu.memory_space<hbm>> -> memref<80x128xf32, #tpu.memory_space<hbm>>
      %dma_wait3A_126 = arith.constant 0 : i32
      %dma_wait3A_127 = arith.constant 0 : i32
      %dma_wait3A_128 = tpu.memref_slice %arg2[%dma_wait3A_126, %dma_wait3A_127] : memref<10000x128xf32, #tpu.memory_space<hbm>> -> memref<80x128xf32, #tpu.memory_space<hbm>>
      tpu.wait_dma2 semaphore(%arg16 : memref<!tpu.dma_semaphore, #tpu.memory_space<semaphore_mem>>) src(%dma_wait3A_128 : memref<80x128xf32, #tpu.memory_space<hbm>>) dst(%arg12 : memref<80x128xf32, #tpu.memory_space<vmem>>)
      %dma_wait3A_129 = arith.constant 0 : i32
      %dma_wait3A_130 = tpu.memref_slice %arg4[%dma_wait3A_129] : memref<320000xi32, #tpu.memory_space<hbm>> -> memref<80xi32, #tpu.memory_space<hbm>>
      %dma_wait3A_131 = arith.constant 0 : i32
      %dma_wait3A_132 = tpu.memref_slice %arg4[%dma_wait3A_131] : memref<320000xi32, #tpu.memory_space<hbm>> -> memref<80xi32, #tpu.memory_space<hbm>>
      tpu.wait_dma2 semaphore(%arg19 : memref<!tpu.dma_semaphore, #tpu.memory_space<semaphore_mem>>) src(%dma_wait3A_132 : memref<80xi32, #tpu.memory_space<hbm>>) dst(%arg9 : memref<80xi32, #tpu.memory_space<vmem>>)
      %dma_wait3A_133 = arith.constant 0 : i32
      %dma_wait3A_134 = arith.constant 0 : i32
      %dma_wait3A_135 = tpu.memref_slice %arg14[%dma_wait3A_133, %dma_wait3A_134] : memref<10000x128xf32, #tpu.memory_space<vmem_shared>> -> memref<10000x128xf32, #tpu.memory_space<vmem_shared>>
      tpu.wait_indirect_dma semaphore(%arg21 : memref<!tpu.dma_semaphore, #tpu.memory_space<semaphore_mem>>) src(%arg11 : memref<80x128xf32, #tpu.memory_space<vmem>>) dst(%dma_wait3A_135 : memref<10000x128xf32, #tpu.memory_space<vmem_shared>>)
      %add3A_136 = arith.constant 2 : i32
      %add3A_137 = arith.addi %add3A_122, %add3A_136 : i32
      %dma_start3A_138 = arith.constant 0 : i32
      %dma_start3A_139 = tpu.memref_slice %arg7[%add3A_137, %dma_start3A_138] : memref<125x80xi32, #tpu.memory_space<vmem>> -> memref<1x80xi32, #tpu.memory_space<vmem>>
      %dma_start3A_140 = tpu.memref_squeeze %dma_start3A_139 : memref<1x80xi32, #tpu.memory_space<vmem>> -> memref<80xi32, #tpu.memory_space<vmem>>
      %dma_start3A_141 = arith.constant 0 : i32
      %dma_start3A_142 = arith.constant 0 : i32
      %dma_start3A_143 = tpu.memref_slice %arg2[%dma_start3A_141, %dma_start3A_142] : memref<10000x128xf32, #tpu.memory_space<hbm>> -> memref<10000x128xf32, #tpu.memory_space<hbm>>
      tpu.enqueue_indirect_dma source(%dma_start3A_143 : memref<10000x128xf32, #tpu.memory_space<hbm>>) target(%arg11 : memref<80x128xf32, #tpu.memory_space<vmem>>) offsets(%dma_start3A_140 : memref<80xi32, #tpu.memory_space<vmem>>) semaphore(%arg15 : memref<!tpu.dma_semaphore, #tpu.memory_space<semaphore_mem>>)
      %mul3A_144 = arith.constant 80 : i32
      %mul3A_145 = arith.muli %add3A_137, %mul3A_144 : i32
      %add3A_146 = arith.addi %mul3A_2, %mul3A_145 : i32
      %dma_start3A_147 = tpu.memref_slice %arg4[%add3A_146] : memref<320000xi32, #tpu.memory_space<hbm>> -> memref<80xi32, #tpu.memory_space<hbm>>
      %dma_start3A_148 = tpu.memref_slice %arg4[%add3A_146] : memref<320000xi32, #tpu.memory_space<hbm>> -> memref<80xi32, #tpu.memory_space<hbm>>
      tpu.enqueue_dma source(%dma_start3A_148 : memref<80xi32, #tpu.memory_space<hbm>>) target(%arg8 : memref<80xi32, #tpu.memory_space<vmem>>) target_semaphore(%arg18 : memref<!tpu.dma_semaphore, #tpu.memory_space<semaphore_mem>>)
      %dma_start3A_149 = arith.constant 0 : i32
      %dma_start3A_150 = arith.constant 0 : i32
      %dma_start3A_151 = tpu.memref_slice %arg14[%dma_start3A_149, %dma_start3A_150] : memref<10000x128xf32, #tpu.memory_space<vmem_shared>> -> memref<10000x128xf32, #tpu.memory_space<vmem_shared>>
      tpu.enqueue_indirect_dma source(%arg12 : memref<80x128xf32, #tpu.memory_space<vmem>>) target(%dma_start3A_151 : memref<10000x128xf32, #tpu.memory_space<vmem_shared>>) offsets(%arg9 : memref<80xi32, #tpu.memory_space<vmem>>) semaphore(%arg22 : memref<!tpu.dma_semaphore, #tpu.memory_space<semaphore_mem>>) {add = true}
      %mul3A_152 = arith.constant 3 : i32
      %mul3A_153 = arith.muli %mul3A_152, %scan3A_83 : i32
      %add3A_154 = arith.constant 2 : i32
      %add3A_155 = arith.addi %mul3A_153, %add3A_154 : i32
      %dma_wait3A_156 = arith.constant 0 : i32
      %dma_wait3A_157 = arith.constant 0 : i32
      %dma_wait3A_158 = tpu.memref_slice %arg2[%dma_wait3A_156, %dma_wait3A_157] : memref<10000x128xf32, #tpu.memory_space<hbm>> -> memref<80x128xf32, #tpu.memory_space<hbm>>
      %dma_wait3A_159 = arith.constant 0 : i32
      %dma_wait3A_160 = arith.constant 0 : i32
      %dma_wait3A_161 = tpu.memref_slice %arg2[%dma_wait3A_159, %dma_wait3A_160] : memref<10000x128xf32, #tpu.memory_space<hbm>> -> memref<80x128xf32, #tpu.memory_space<hbm>>
      tpu.wait_dma2 semaphore(%arg17 : memref<!tpu.dma_semaphore, #tpu.memory_space<semaphore_mem>>) src(%dma_wait3A_161 : memref<80x128xf32, #tpu.memory_space<hbm>>) dst(%arg13 : memref<80x128xf32, #tpu.memory_space<vmem>>)
      %dma_wait3A_162 = arith.constant 0 : i32
      %dma_wait3A_163 = tpu.memref_slice %arg4[%dma_wait3A_162] : memref<320000xi32, #tpu.memory_space<hbm>> -> memref<80xi32, #tpu.memory_space<hbm>>
      %dma_wait3A_164 = arith.constant 0 : i32
      %dma_wait3A_165 = tpu.memref_slice %arg4[%dma_wait3A_164] : memref<320000xi32, #tpu.memory_space<hbm>> -> memref<80xi32, #tpu.memory_space<hbm>>
      tpu.wait_dma2 semaphore(%arg20 : memref<!tpu.dma_semaphore, #tpu.memory_space<semaphore_mem>>) src(%dma_wait3A_165 : memref<80xi32, #tpu.memory_space<hbm>>) dst(%arg10 : memref<80xi32, #tpu.memory_space<vmem>>)
      %dma_wait3A_166 = arith.constant 0 : i32
      %dma_wait3A_167 = arith.constant 0 : i32
      %dma_wait3A_168 = tpu.memref_slice %arg14[%dma_wait3A_166, %dma_wait3A_167] : memref<10000x128xf32, #tpu.memory_space<vmem_shared>> -> memref<10000x128xf32, #tpu.memory_space<vmem_shared>>
      tpu.wait_indirect_dma semaphore(%arg22 : memref<!tpu.dma_semaphore, #tpu.memory_space<semaphore_mem>>) src(%arg12 : memref<80x128xf32, #tpu.memory_space<vmem>>) dst(%dma_wait3A_168 : memref<10000x128xf32, #tpu.memory_space<vmem_shared>>)
      %add3A_169 = arith.constant 2 : i32
      %add3A_170 = arith.addi %add3A_155, %add3A_169 : i32
      %dma_start3A_171 = arith.constant 0 : i32
      %dma_start3A_172 = tpu.memref_slice %arg7[%add3A_170, %dma_start3A_171] : memref<125x80xi32, #tpu.memory_space<vmem>> -> memref<1x80xi32, #tpu.memory_space<vmem>>
      %dma_start3A_173 = tpu.memref_squeeze %dma_start3A_172 : memref<1x80xi32, #tpu.memory_space<vmem>> -> memref<80xi32, #tpu.memory_space<vmem>>
      %dma_start3A_174 = arith.constant 0 : i32
      %dma_start3A_175 = arith.constant 0 : i32
      %dma_start3A_176 = tpu.memref_slice %arg2[%dma_start3A_174, %dma_start3A_175] : memref<10000x128xf32, #tpu.memory_space<hbm>> -> memref<10000x128xf32, #tpu.memory_space<hbm>>
      tpu.enqueue_indirect_dma source(%dma_start3A_176 : memref<10000x128xf32, #tpu.memory_space<hbm>>) target(%arg12 : memref<80x128xf32, #tpu.memory_space<vmem>>) offsets(%dma_start3A_173 : memref<80xi32, #tpu.memory_space<vmem>>) semaphore(%arg16 : memref<!tpu.dma_semaphore, #tpu.memory_space<semaphore_mem>>)
      %mul3A_177 = arith.constant 80 : i32
      %mul3A_178 = arith.muli %add3A_170, %mul3A_177 : i32
      %add3A_179 = arith.addi %mul3A_2, %mul3A_178 : i32
      %dma_start3A_180 = tpu.memref_slice %arg4[%add3A_179] : memref<320000xi32, #tpu.memory_space<hbm>> -> memref<80xi32, #tpu.memory_space<hbm>>
      %dma_start3A_181 = tpu.memref_slice %arg4[%add3A_179] : memref<320000xi32, #tpu.memory_space<hbm>> -> memref<80xi32, #tpu.memory_space<hbm>>
      tpu.enqueue_dma source(%dma_start3A_181 : memref<80xi32, #tpu.memory_space<hbm>>) target(%arg9 : memref<80xi32, #tpu.memory_space<vmem>>) target_semaphore(%arg19 : memref<!tpu.dma_semaphore, #tpu.memory_space<semaphore_mem>>)
      %dma_start3A_182 = arith.constant 0 : i32
      %dma_start3A_183 = arith.constant 0 : i32
      %dma_start3A_184 = tpu.memref_slice %arg14[%dma_start3A_182, %dma_start3A_183] : memref<10000x128xf32, #tpu.memory_space<vmem_shared>> -> memref<10000x128xf32, #tpu.memory_space<vmem_shared>>
      tpu.enqueue_indirect_dma source(%arg13 : memref<80x128xf32, #tpu.memory_space<vmem>>) target(%dma_start3A_184 : memref<10000x128xf32, #tpu.memory_space<vmem_shared>>) offsets(%arg10 : memref<80xi32, #tpu.memory_space<vmem>>) semaphore(%arg23 : memref<!tpu.dma_semaphore, #tpu.memory_space<semaphore_mem>>) {add = true}
      %scan3A_185 = arith.constant 0 : i32
      scf.yield %scan3A_185 : i32
    }
    %scan3A_37 = arith.constant 41 : i32
    %dma_wait3A = arith.constant 0 : i32
    %dma_wait3A_38 = arith.constant 0 : i32
    %dma_wait3A_39 = tpu.memref_slice %arg2[%dma_wait3A, %dma_wait3A_38] : memref<10000x128xf32, #tpu.memory_space<hbm>> -> memref<80x128xf32, #tpu.memory_space<hbm>>
    %dma_wait3A_40 = arith.constant 0 : i32
    %dma_wait3A_41 = arith.constant 0 : i32
    %dma_wait3A_42 = tpu.memref_slice %arg2[%dma_wait3A_40, %dma_wait3A_41] : memref<10000x128xf32, #tpu.memory_space<hbm>> -> memref<80x128xf32, #tpu.memory_space<hbm>>
    tpu.wait_dma2 semaphore(%arg15 : memref<!tpu.dma_semaphore, #tpu.memory_space<semaphore_mem>>) src(%dma_wait3A_42 : memref<80x128xf32, #tpu.memory_space<hbm>>) dst(%arg11 : memref<80x128xf32, #tpu.memory_space<vmem>>)
    %dma_wait3A_43 = arith.constant 0 : i32
    %dma_wait3A_44 = tpu.memref_slice %arg4[%dma_wait3A_43] : memref<320000xi32, #tpu.memory_space<hbm>> -> memref<80xi32, #tpu.memory_space<hbm>>
    %dma_wait3A_45 = arith.constant 0 : i32
    %dma_wait3A_46 = tpu.memref_slice %arg4[%dma_wait3A_45] : memref<320000xi32, #tpu.memory_space<hbm>> -> memref<80xi32, #tpu.memory_space<hbm>>
    tpu.wait_dma2 semaphore(%arg18 : memref<!tpu.dma_semaphore, #tpu.memory_space<semaphore_mem>>) src(%dma_wait3A_46 : memref<80xi32, #tpu.memory_space<hbm>>) dst(%arg8 : memref<80xi32, #tpu.memory_space<vmem>>)
    %dma_wait3A_47 = arith.constant 0 : i32
    %dma_wait3A_48 = arith.constant 0 : i32
    %dma_wait3A_49 = tpu.memref_slice %arg14[%dma_wait3A_47, %dma_wait3A_48] : memref<10000x128xf32, #tpu.memory_space<vmem_shared>> -> memref<10000x128xf32, #tpu.memory_space<vmem_shared>>
    tpu.wait_indirect_dma semaphore(%arg23 : memref<!tpu.dma_semaphore, #tpu.memory_space<semaphore_mem>>) src(%arg13 : memref<80x128xf32, #tpu.memory_space<vmem>>) dst(%dma_wait3A_49 : memref<10000x128xf32, #tpu.memory_space<vmem_shared>>)
    %dma_start3A_50 = arith.constant 0 : i32
    %dma_start3A_51 = arith.constant 0 : i32
    %dma_start3A_52 = tpu.memref_slice %arg14[%dma_start3A_50, %dma_start3A_51] : memref<10000x128xf32, #tpu.memory_space<vmem_shared>> -> memref<10000x128xf32, #tpu.memory_space<vmem_shared>>
    tpu.enqueue_indirect_dma source(%arg11 : memref<80x128xf32, #tpu.memory_space<vmem>>) target(%dma_start3A_52 : memref<10000x128xf32, #tpu.memory_space<vmem_shared>>) offsets(%arg8 : memref<80xi32, #tpu.memory_space<vmem>>) semaphore(%arg21 : memref<!tpu.dma_semaphore, #tpu.memory_space<semaphore_mem>>) {add = true}
    %dma_wait3A_53 = arith.constant 0 : i32
    %dma_wait3A_54 = arith.constant 0 : i32
    %dma_wait3A_55 = tpu.memref_slice %arg2[%dma_wait3A_53, %dma_wait3A_54] : memref<10000x128xf32, #tpu.memory_space<hbm>> -> memref<80x128xf32, #tpu.memory_space<hbm>>
    %dma_wait3A_56 = arith.constant 0 : i32
    %dma_wait3A_57 = arith.constant 0 : i32
    %dma_wait3A_58 = tpu.memref_slice %arg2[%dma_wait3A_56, %dma_wait3A_57] : memref<10000x128xf32, #tpu.memory_space<hbm>> -> memref<80x128xf32, #tpu.memory_space<hbm>>
    tpu.wait_dma2 semaphore(%arg16 : memref<!tpu.dma_semaphore, #tpu.memory_space<semaphore_mem>>) src(%dma_wait3A_58 : memref<80x128xf32, #tpu.memory_space<hbm>>) dst(%arg12 : memref<80x128xf32, #tpu.memory_space<vmem>>)
    %dma_wait3A_59 = arith.constant 0 : i32
    %dma_wait3A_60 = tpu.memref_slice %arg4[%dma_wait3A_59] : memref<320000xi32, #tpu.memory_space<hbm>> -> memref<80xi32, #tpu.memory_space<hbm>>
    %dma_wait3A_61 = arith.constant 0 : i32
    %dma_wait3A_62 = tpu.memref_slice %arg4[%dma_wait3A_61] : memref<320000xi32, #tpu.memory_space<hbm>> -> memref<80xi32, #tpu.memory_space<hbm>>
    tpu.wait_dma2 semaphore(%arg19 : memref<!tpu.dma_semaphore, #tpu.memory_space<semaphore_mem>>) src(%dma_wait3A_62 : memref<80xi32, #tpu.memory_space<hbm>>) dst(%arg9 : memref<80xi32, #tpu.memory_space<vmem>>)
    %dma_wait3A_63 = arith.constant 0 : i32
    %dma_wait3A_64 = arith.constant 0 : i32
    %dma_wait3A_65 = tpu.memref_slice %arg14[%dma_wait3A_63, %dma_wait3A_64] : memref<10000x128xf32, #tpu.memory_space<vmem_shared>> -> memref<10000x128xf32, #tpu.memory_space<vmem_shared>>
    tpu.wait_indirect_dma semaphore(%arg21 : memref<!tpu.dma_semaphore, #tpu.memory_space<semaphore_mem>>) src(%arg11 : memref<80x128xf32, #tpu.memory_space<vmem>>) dst(%dma_wait3A_65 : memref<10000x128xf32, #tpu.memory_space<vmem_shared>>)
    %dma_start3A_66 = arith.constant 0 : i32
    %dma_start3A_67 = arith.constant 0 : i32
    %dma_start3A_68 = tpu.memref_slice %arg14[%dma_start3A_66, %dma_start3A_67] : memref<10000x128xf32, #tpu.memory_space<vmem_shared>> -> memref<10000x128xf32, #tpu.memory_space<vmem_shared>>
    tpu.enqueue_indirect_dma source(%arg12 : memref<80x128xf32, #tpu.memory_space<vmem>>) target(%dma_start3A_68 : memref<10000x128xf32, #tpu.memory_space<vmem_shared>>) offsets(%arg9 : memref<80xi32, #tpu.memory_space<vmem>>) semaphore(%arg22 : memref<!tpu.dma_semaphore, #tpu.memory_space<semaphore_mem>>) {add = true}
    %dma_wait3A_69 = arith.constant 0 : i32
    %dma_wait3A_70 = arith.constant 0 : i32
    %dma_wait3A_71 = tpu.memref_slice %arg14[%dma_wait3A_69, %dma_wait3A_70] : memref<10000x128xf32, #tpu.memory_space<vmem_shared>> -> memref<10000x128xf32, #tpu.memory_space<vmem_shared>>
    tpu.wait_indirect_dma semaphore(%arg22 : memref<!tpu.dma_semaphore, #tpu.memory_space<semaphore_mem>>) src(%arg12 : memref<80x128xf32, #tpu.memory_space<vmem>>) dst(%dma_wait3A_71 : memref<10000x128xf32, #tpu.memory_space<vmem_shared>>)
    %barrier3A_72 = arith.constant 0 : index
    tpu.barrier barrier_id(%barrier3A_72)
    %lt3A_73 = arith.constant 15 : i32
    %lt3A_74 = arith.cmpi slt, %arg1, %lt3A_73 : i32
    %convert_element_type3A_75 = arith.extui %lt3A_74 : i1 to i32
    %cond3A_76 = arith.constant 0 : i32
    %cond3A_77 = arith.cmpi ne, %convert_element_type3A_75, %cond3A_76 : i32
    scf.if %cond3A_77 {
      %mul3A_83 = arith.constant 10000 : i32
      %mul3A_84 = arith.muli %arg0, %mul3A_83 : i32
      %add3A_85 = arith.addi %mul3A_84, %mul3A_4 : i32
      "tpu.region"() ({
        %run_scoped3A = tpu.sem_alloc : memref<!tpu.dma_semaphore, #tpu.memory_space<semaphore_mem>>
        %dma_start3A_86 = arith.constant 0 : i32
        %dma_start3A_87 = tpu.memref_slice %arg6[%add3A_85, %dma_start3A_86] : memref<20000x128xf32, #tpu.memory_space<hbm>> -> memref<624x128xf32, #tpu.memory_space<hbm>>
        %dma_start3A_88 = arith.constant 0 : i32
        %dma_start3A_89 = tpu.memref_slice %arg14[%mul3A_4, %dma_start3A_88] : memref<10000x128xf32, #tpu.memory_space<vmem_shared>> -> memref<624x128xf32, #tpu.memory_space<vmem_shared>>
        tpu.enqueue_dma source(%dma_start3A_89 : memref<624x128xf32, #tpu.memory_space<vmem_shared>>) target(%dma_start3A_87 : memref<624x128xf32, #tpu.memory_space<hbm>>) target_semaphore(%run_scoped3A : memref<!tpu.dma_semaphore, #tpu.memory_space<semaphore_mem>>)
        %dma_wait3A_90 = arith.constant 0 : i32
        %dma_wait3A_91 = tpu.memref_slice %arg6[%add3A_85, %dma_wait3A_90] : memref<20000x128xf32, #tpu.memory_space<hbm>> -> memref<624x128xf32, #tpu.memory_space<hbm>>
        %dma_wait3A_92 = arith.constant 0 : i32
        %dma_wait3A_93 = tpu.memref_slice %arg14[%mul3A_4, %dma_wait3A_92] : memref<10000x128xf32, #tpu.memory_space<vmem_shared>> -> memref<624x128xf32, #tpu.memory_space<vmem_shared>>
        tpu.wait_dma2 semaphore(%run_scoped3A : memref<!tpu.dma_semaphore, #tpu.memory_space<semaphore_mem>>) src(%dma_wait3A_93 : memref<624x128xf32, #tpu.memory_space<vmem_shared>>) dst(%dma_wait3A_91 : memref<624x128xf32, #tpu.memory_space<hbm>>)
        tpu.yield
      }) : () -> ()
    } else {
    }
    %eq3A_78 = arith.constant 15 : i32
    %eq3A_79 = arith.cmpi eq, %arg1, %eq3A_78 : i32
    %convert_element_type3A_80 = arith.extui %eq3A_79 : i1 to i32
    %cond3A_81 = arith.constant 0 : i32
    %cond3A_82 = arith.cmpi ne, %convert_element_type3A_80, %cond3A_81 : i32
    scf.if %cond3A_82 {
      %mul3A_83 = arith.constant 10000 : i32
      %mul3A_84 = arith.muli %arg0, %mul3A_83 : i32
      %add3A_85 = arith.addi %mul3A_84, %mul3A_4 : i32
      "tpu.region"() ({
        %run_scoped3A = tpu.sem_alloc : memref<!tpu.dma_semaphore, #tpu.memory_space<semaphore_mem>>
        %dma_start3A_86 = arith.constant 0 : i32
        %dma_start3A_87 = tpu.memref_slice %arg6[%add3A_85, %dma_start3A_86] : memref<20000x128xf32, #tpu.memory_space<hbm>> -> memref<640x128xf32, #tpu.memory_space<hbm>>
        %dma_start3A_88 = arith.constant 0 : i32
        %dma_start3A_89 = tpu.memref_slice %arg14[%mul3A_4, %dma_start3A_88] : memref<10000x128xf32, #tpu.memory_space<vmem_shared>> -> memref<640x128xf32, #tpu.memory_space<vmem_shared>>
        tpu.enqueue_dma source(%dma_start3A_89 : memref<640x128xf32, #tpu.memory_space<vmem_shared>>) target(%dma_start3A_87 : memref<640x128xf32, #tpu.memory_space<hbm>>) target_semaphore(%run_scoped3A : memref<!tpu.dma_semaphore, #tpu.memory_space<semaphore_mem>>)
        %dma_wait3A_90 = arith.constant 0 : i32
        %dma_wait3A_91 = tpu.memref_slice %arg6[%add3A_85, %dma_wait3A_90] : memref<20000x128xf32, #tpu.memory_space<hbm>> -> memref<640x128xf32, #tpu.memory_space<hbm>>
        %dma_wait3A_92 = arith.constant 0 : i32
        %dma_wait3A_93 = tpu.memref_slice %arg14[%mul3A_4, %dma_wait3A_92] : memref<10000x128xf32, #tpu.memory_space<vmem_shared>> -> memref<640x128xf32, #tpu.memory_space<vmem_shared>>
        tpu.wait_dma2 semaphore(%run_scoped3A : memref<!tpu.dma_semaphore, #tpu.memory_space<semaphore_mem>>) src(%dma_wait3A_93 : memref<640x128xf32, #tpu.memory_space<vmem_shared>>) dst(%dma_wait3A_91 : memref<640x128xf32, #tpu.memory_space<hbm>>)
        tpu.yield
      }) : () -> ()
    } else {
    }
    return
  }
}

#map = affine_map<(d0, d1) -> (0)>
#map1 = affine_map<(d0, d1) -> (0, 0)>
module attributes {stable_mosaic.version = 14 : i64} {
  func.func @_sc_degree_body(%arg0: i32, %arg1: i32, %arg2: memref<320000xi32, #tpu.memory_space<hbm>>, %arg3: memref<10000x128xf32, #tpu.memory_space<hbm>>, %arg4: memref<20000x128xf32, #tpu.memory_space<hbm>>, %arg5: memref<80xi32, #tpu.memory_space<vmem>>, %arg6: memref<80xi32, #tpu.memory_space<vmem>>, %arg7: memref<80xi32, #tpu.memory_space<vmem>>, %arg8: memref<80x128xf32, #tpu.memory_space<vmem>>, %arg9: memref<10000x128xf32, #tpu.memory_space<vmem_shared>>, %arg10: memref<!tpu.dma_semaphore, #tpu.memory_space<semaphore_mem>>, %arg11: memref<!tpu.dma_semaphore, #tpu.memory_space<semaphore_mem>>, %arg12: memref<!tpu.dma_semaphore, #tpu.memory_space<semaphore_mem>>, %arg13: memref<!tpu.dma_semaphore, #tpu.memory_space<semaphore_mem>>, %arg14: memref<!tpu.dma_semaphore, #tpu.memory_space<semaphore_mem>>, %arg15: memref<!tpu.dma_semaphore, #tpu.memory_space<semaphore_mem>>) attributes {dimension_semantics = [#tpu.dimension_semantics<core_parallel>, #tpu.dimension_semantics<subcore_parallel>], iteration_bounds = array<i64: 2, 16>, scalar_prefetch = 0 : i64, scratch_operands = 11 : i64, tpu.core_type = #tpu.core_type<sc_vector_subcore>, window_params = [{transform_indices = #map}, {transform_indices = #map1}, {transform_indices = #map1}]} {
    %mul3A = arith.constant 16 : i32
    %mul3A_0 = arith.muli %arg0, %mul3A : i32
    %add3A = arith.addi %mul3A_0, %arg1 : i32
    %mul3A_1 = arith.constant 10000 : i32
    %mul3A_2 = arith.muli %add3A, %mul3A_1 : i32
    %broadcast_in_dim3A = arith.constant 1.000000e+00 : f32
    %broadcast_in_dim3A_3 = vector.broadcast %broadcast_in_dim3A : f32 to vector<16xf32>
    %scan3A = arith.constant 0 : i32
    %scan3A_4 = arith.constant 0 : i32
    %scan3A_5 = arith.constant 80 : i32
    %scan3A_6 = arith.addi %scan3A_4, %scan3A_5 : i32
    %scan3A_7 = arith.constant 1 : i32
    %scan3A_8 = scf.for %scan3A_65 = %scan3A_4 to %scan3A_6 step %scan3A_7 iter_args(%scan3A_66 = %scan3A) -> (i32)  : i32 {
      %swap3A = arith.index_cast %scan3A_65 : i32 to index
      %swap3A_67 = arith.constant 0 : index
      %swap3A_68 = tpu.vector_load %arg8[%swap3A, %swap3A_67] {strides = array<i32>} : memref<80x128xf32, #tpu.memory_space<vmem>>, vector<1x16xf32>,
      %swap3A_69 = vector.shape_cast %swap3A_68 : vector<1x16xf32> to vector<16xf32>
      %swap3A_70 = vector.shape_cast %broadcast_in_dim3A_3 : vector<16xf32> to vector<1x16xf32>
      tpu.vector_store %arg8[%swap3A, %swap3A_67], %swap3A_70 {strides = array<i32>} : memref<80x128xf32, #tpu.memory_space<vmem>>, vector<1x16xf32>,
      %swap3A_71 = arith.index_cast %scan3A_65 : i32 to index
      %swap3A_72 = arith.constant 16 : index
      %swap3A_73 = tpu.vector_load %arg8[%swap3A_71, %swap3A_72] {strides = array<i32>} : memref<80x128xf32, #tpu.memory_space<vmem>>, vector<1x16xf32>,
      %swap3A_74 = vector.shape_cast %swap3A_73 : vector<1x16xf32> to vector<16xf32>
      %swap3A_75 = vector.shape_cast %broadcast_in_dim3A_3 : vector<16xf32> to vector<1x16xf32>
      tpu.vector_store %arg8[%swap3A_71, %swap3A_72], %swap3A_75 {strides = array<i32>} : memref<80x128xf32, #tpu.memory_space<vmem>>, vector<1x16xf32>,
      %swap3A_76 = arith.index_cast %scan3A_65 : i32 to index
      %swap3A_77 = arith.constant 32 : index
      %swap3A_78 = tpu.vector_load %arg8[%swap3A_76, %swap3A_77] {strides = array<i32>} : memref<80x128xf32, #tpu.memory_space<vmem>>, vector<1x16xf32>,
      %swap3A_79 = vector.shape_cast %swap3A_78 : vector<1x16xf32> to vector<16xf32>
      %swap3A_80 = vector.shape_cast %broadcast_in_dim3A_3 : vector<16xf32> to vector<1x16xf32>
      tpu.vector_store %arg8[%swap3A_76, %swap3A_77], %swap3A_80 {strides = array<i32>} : memref<80x128xf32, #tpu.memory_space<vmem>>, vector<1x16xf32>,
      %swap3A_81 = arith.index_cast %scan3A_65 : i32 to index
      %swap3A_82 = arith.constant 48 : index
      %swap3A_83 = tpu.vector_load %arg8[%swap3A_81, %swap3A_82] {strides = array<i32>} : memref<80x128xf32, #tpu.memory_space<vmem>>, vector<1x16xf32>,
      %swap3A_84 = vector.shape_cast %swap3A_83 : vector<1x16xf32> to vector<16xf32>
      %swap3A_85 = vector.shape_cast %broadcast_in_dim3A_3 : vector<16xf32> to vector<1x16xf32>
      tpu.vector_store %arg8[%swap3A_81, %swap3A_82], %swap3A_85 {strides = array<i32>} : memref<80x128xf32, #tpu.memory_space<vmem>>, vector<1x16xf32>,
      %swap3A_86 = arith.index_cast %scan3A_65 : i32 to index
      %swap3A_87 = arith.constant 64 : index
      %swap3A_88 = tpu.vector_load %arg8[%swap3A_86, %swap3A_87] {strides = array<i32>} : memref<80x128xf32, #tpu.memory_space<vmem>>, vector<1x16xf32>,
      %swap3A_89 = vector.shape_cast %swap3A_88 : vector<1x16xf32> to vector<16xf32>
      %swap3A_90 = vector.shape_cast %broadcast_in_dim3A_3 : vector<16xf32> to vector<1x16xf32>
      tpu.vector_store %arg8[%swap3A_86, %swap3A_87], %swap3A_90 {strides = array<i32>} : memref<80x128xf32, #tpu.memory_space<vmem>>, vector<1x16xf32>,
      %swap3A_91 = arith.index_cast %scan3A_65 : i32 to index
      %swap3A_92 = arith.constant 80 : index
      %swap3A_93 = tpu.vector_load %arg8[%swap3A_91, %swap3A_92] {strides = array<i32>} : memref<80x128xf32, #tpu.memory_space<vmem>>, vector<1x16xf32>,
      %swap3A_94 = vector.shape_cast %swap3A_93 : vector<1x16xf32> to vector<16xf32>
      %swap3A_95 = vector.shape_cast %broadcast_in_dim3A_3 : vector<16xf32> to vector<1x16xf32>
      tpu.vector_store %arg8[%swap3A_91, %swap3A_92], %swap3A_95 {strides = array<i32>} : memref<80x128xf32, #tpu.memory_space<vmem>>, vector<1x16xf32>,
      %swap3A_96 = arith.index_cast %scan3A_65 : i32 to index
      %swap3A_97 = arith.constant 96 : index
      %swap3A_98 = tpu.vector_load %arg8[%swap3A_96, %swap3A_97] {strides = array<i32>} : memref<80x128xf32, #tpu.memory_space<vmem>>, vector<1x16xf32>,
      %swap3A_99 = vector.shape_cast %swap3A_98 : vector<1x16xf32> to vector<16xf32>
      %swap3A_100 = vector.shape_cast %broadcast_in_dim3A_3 : vector<16xf32> to vector<1x16xf32>
      tpu.vector_store %arg8[%swap3A_96, %swap3A_97], %swap3A_100 {strides = array<i32>} : memref<80x128xf32, #tpu.memory_space<vmem>>, vector<1x16xf32>,
      %swap3A_101 = arith.index_cast %scan3A_65 : i32 to index
      %swap3A_102 = arith.constant 112 : index
      %swap3A_103 = tpu.vector_load %arg8[%swap3A_101, %swap3A_102] {strides = array<i32>} : memref<80x128xf32, #tpu.memory_space<vmem>>, vector<1x16xf32>,
      %swap3A_104 = vector.shape_cast %swap3A_103 : vector<1x16xf32> to vector<16xf32>
      %swap3A_105 = vector.shape_cast %broadcast_in_dim3A_3 : vector<16xf32> to vector<1x16xf32>
      tpu.vector_store %arg8[%swap3A_101, %swap3A_102], %swap3A_105 {strides = array<i32>} : memref<80x128xf32, #tpu.memory_space<vmem>>, vector<1x16xf32>,
      %scan3A_106 = arith.constant 0 : i32
      scf.yield %scan3A_106 : i32
    }
    %scan3A_9 = arith.constant 80 : i32
    %mul3A_10 = arith.constant 624 : i32
    %mul3A_11 = arith.muli %arg1, %mul3A_10 : i32
    %lt3A = arith.constant 15 : i32
    %lt3A_12 = arith.cmpi slt, %arg1, %lt3A : i32
    %convert_element_type3A = arith.extui %lt3A_12 : i1 to i32
    %cond3A = arith.constant 0 : i32
    %cond3A_13 = arith.cmpi ne, %convert_element_type3A, %cond3A : i32
    scf.if %cond3A_13 {
      "tpu.region"() ({
        %run_scoped3A = tpu.sem_alloc : memref<!tpu.dma_semaphore, #tpu.memory_space<semaphore_mem>>
        %dma_start3A_65 = arith.constant 0 : i32
        %dma_start3A_66 = tpu.memref_slice %arg9[%mul3A_11, %dma_start3A_65] : memref<10000x128xf32, #tpu.memory_space<vmem_shared>> -> memref<624x128xf32, #tpu.memory_space<vmem_shared>>
        %dma_start3A_67 = arith.constant 0 : i32
        %dma_start3A_68 = tpu.memref_slice %arg3[%mul3A_11, %dma_start3A_67] : memref<10000x128xf32, #tpu.memory_space<hbm>> -> memref<624x128xf32, #tpu.memory_space<hbm>>
        tpu.enqueue_dma source(%dma_start3A_68 : memref<624x128xf32, #tpu.memory_space<hbm>>) target(%dma_start3A_66 : memref<624x128xf32, #tpu.memory_space<vmem_shared>>) target_semaphore(%run_scoped3A : memref<!tpu.dma_semaphore, #tpu.memory_space<semaphore_mem>>)
        %dma_wait3A_69 = arith.constant 0 : i32
        %dma_wait3A_70 = tpu.memref_slice %arg9[%mul3A_11, %dma_wait3A_69] : memref<10000x128xf32, #tpu.memory_space<vmem_shared>> -> memref<624x128xf32, #tpu.memory_space<vmem_shared>>
        %dma_wait3A_71 = arith.constant 0 : i32
        %dma_wait3A_72 = tpu.memref_slice %arg3[%mul3A_11, %dma_wait3A_71] : memref<10000x128xf32, #tpu.memory_space<hbm>> -> memref<624x128xf32, #tpu.memory_space<hbm>>
        tpu.wait_dma2 semaphore(%run_scoped3A : memref<!tpu.dma_semaphore, #tpu.memory_space<semaphore_mem>>) src(%dma_wait3A_72 : memref<624x128xf32, #tpu.memory_space<hbm>>) dst(%dma_wait3A_70 : memref<624x128xf32, #tpu.memory_space<vmem_shared>>)
        tpu.yield
      }) : () -> ()
    } else {
    }
    %eq3A = arith.constant 15 : i32
    %eq3A_14 = arith.cmpi eq, %arg1, %eq3A : i32
    %convert_element_type3A_15 = arith.extui %eq3A_14 : i1 to i32
    %cond3A_16 = arith.constant 0 : i32
    %cond3A_17 = arith.cmpi ne, %convert_element_type3A_15, %cond3A_16 : i32
    scf.if %cond3A_17 {
      "tpu.region"() ({
        %run_scoped3A = tpu.sem_alloc : memref<!tpu.dma_semaphore, #tpu.memory_space<semaphore_mem>>
        %dma_start3A_65 = arith.constant 0 : i32
        %dma_start3A_66 = tpu.memref_slice %arg9[%mul3A_11, %dma_start3A_65] : memref<10000x128xf32, #tpu.memory_space<vmem_shared>> -> memref<640x128xf32, #tpu.memory_space<vmem_shared>>
        %dma_start3A_67 = arith.constant 0 : i32
        %dma_start3A_68 = tpu.memref_slice %arg3[%mul3A_11, %dma_start3A_67] : memref<10000x128xf32, #tpu.memory_space<hbm>> -> memref<640x128xf32, #tpu.memory_space<hbm>>
        tpu.enqueue_dma source(%dma_start3A_68 : memref<640x128xf32, #tpu.memory_space<hbm>>) target(%dma_start3A_66 : memref<640x128xf32, #tpu.memory_space<vmem_shared>>) target_semaphore(%run_scoped3A : memref<!tpu.dma_semaphore, #tpu.memory_space<semaphore_mem>>)
        %dma_wait3A_69 = arith.constant 0 : i32
        %dma_wait3A_70 = tpu.memref_slice %arg9[%mul3A_11, %dma_wait3A_69] : memref<10000x128xf32, #tpu.memory_space<vmem_shared>> -> memref<640x128xf32, #tpu.memory_space<vmem_shared>>
        %dma_wait3A_71 = arith.constant 0 : i32
        %dma_wait3A_72 = tpu.memref_slice %arg3[%mul3A_11, %dma_wait3A_71] : memref<10000x128xf32, #tpu.memory_space<hbm>> -> memref<640x128xf32, #tpu.memory_space<hbm>>
        tpu.wait_dma2 semaphore(%run_scoped3A : memref<!tpu.dma_semaphore, #tpu.memory_space<semaphore_mem>>) src(%dma_wait3A_72 : memref<640x128xf32, #tpu.memory_space<hbm>>) dst(%dma_wait3A_70 : memref<640x128xf32, #tpu.memory_space<vmem_shared>>)
        tpu.yield
      }) : () -> ()
    } else {
    }
    %barrier3A = arith.constant 0 : index
    tpu.barrier barrier_id(%barrier3A)
    %add3A_18 = arith.constant 0 : i32
    %add3A_19 = arith.addi %mul3A_2, %add3A_18 : i32
    %dma_start3A = tpu.memref_slice %arg2[%add3A_19] : memref<320000xi32, #tpu.memory_space<hbm>> -> memref<80xi32, #tpu.memory_space<hbm>>
    %dma_start3A_20 = tpu.memref_slice %arg2[%add3A_19] : memref<320000xi32, #tpu.memory_space<hbm>> -> memref<80xi32, #tpu.memory_space<hbm>>
    tpu.enqueue_dma source(%dma_start3A_20 : memref<80xi32, #tpu.memory_space<hbm>>) target(%arg5 : memref<80xi32, #tpu.memory_space<vmem>>) target_semaphore(%arg10 : memref<!tpu.dma_semaphore, #tpu.memory_space<semaphore_mem>>)
    %add3A_21 = arith.constant 80 : i32
    %add3A_22 = arith.addi %mul3A_2, %add3A_21 : i32
    %dma_start3A_23 = tpu.memref_slice %arg2[%add3A_22] : memref<320000xi32, #tpu.memory_space<hbm>> -> memref<80xi32, #tpu.memory_space<hbm>>
    %dma_start3A_24 = tpu.memref_slice %arg2[%add3A_22] : memref<320000xi32, #tpu.memory_space<hbm>> -> memref<80xi32, #tpu.memory_space<hbm>>
    tpu.enqueue_dma source(%dma_start3A_24 : memref<80xi32, #tpu.memory_space<hbm>>) target(%arg6 : memref<80xi32, #tpu.memory_space<vmem>>) target_semaphore(%arg11 : memref<!tpu.dma_semaphore, #tpu.memory_space<semaphore_mem>>)
    %scan3A_25 = arith.constant 0 : i32
    %scan3A_26 = arith.constant 0 : i32
    %scan3A_27 = arith.constant 41 : i32
    %scan3A_28 = arith.addi %scan3A_26, %scan3A_27 : i32
    %scan3A_29 = arith.constant 1 : i32
    %scan3A_30 = scf.for %scan3A_65 = %scan3A_26 to %scan3A_28 step %scan3A_29 iter_args(%scan3A_66 = %scan3A_25) -> (i32)  : i32 {
      %mul3A_67 = arith.constant 3 : i32
      %mul3A_68 = arith.muli %mul3A_67, %scan3A_65 : i32
      %add3A_69 = arith.constant 0 : i32
      %add3A_70 = arith.addi %mul3A_68, %add3A_69 : i32
      %dma_wait3A_71 = arith.constant 0 : i32
      %dma_wait3A_72 = tpu.memref_slice %arg2[%dma_wait3A_71] : memref<320000xi32, #tpu.memory_space<hbm>> -> memref<80xi32, #tpu.memory_space<hbm>>
      %dma_wait3A_73 = arith.constant 0 : i32
      %dma_wait3A_74 = tpu.memref_slice %arg2[%dma_wait3A_73] : memref<320000xi32, #tpu.memory_space<hbm>> -> memref<80xi32, #tpu.memory_space<hbm>>
      tpu.wait_dma2 semaphore(%arg10 : memref<!tpu.dma_semaphore, #tpu.memory_space<semaphore_mem>>) src(%dma_wait3A_74 : memref<80xi32, #tpu.memory_space<hbm>>) dst(%arg5 : memref<80xi32, #tpu.memory_space<vmem>>)
      %gt3A = arith.constant 0 : i32
      %gt3A_75 = arith.cmpi sgt, %scan3A_65, %gt3A : i32
      %convert_element_type3A_76 = arith.extui %gt3A_75 : i1 to i32
      %cond3A_77 = arith.constant 0 : i32
      %cond3A_78 = arith.cmpi ne, %convert_element_type3A_76, %cond3A_77 : i32
      scf.if %cond3A_78 {
        %dma_wait3A_132 = arith.constant 0 : i32
        %dma_wait3A_133 = arith.constant 0 : i32
        %dma_wait3A_134 = tpu.memref_slice %arg9[%dma_wait3A_132, %dma_wait3A_133] : memref<10000x128xf32, #tpu.memory_space<vmem_shared>> -> memref<10000x128xf32, #tpu.memory_space<vmem_shared>>
        tpu.wait_indirect_dma semaphore(%arg15 : memref<!tpu.dma_semaphore, #tpu.memory_space<semaphore_mem>>) src(%arg8 : memref<80x128xf32, #tpu.memory_space<vmem>>) dst(%dma_wait3A_134 : memref<10000x128xf32, #tpu.memory_space<vmem_shared>>)
      } else {
      }
      %add3A_79 = arith.constant 2 : i32
      %add3A_80 = arith.addi %add3A_70, %add3A_79 : i32
      %mul3A_81 = arith.constant 80 : i32
      %mul3A_82 = arith.muli %add3A_80, %mul3A_81 : i32
      %add3A_83 = arith.addi %mul3A_2, %mul3A_82 : i32
      %dma_start3A_84 = tpu.memref_slice %arg2[%add3A_83] : memref<320000xi32, #tpu.memory_space<hbm>> -> memref<80xi32, #tpu.memory_space<hbm>>
      %dma_start3A_85 = tpu.memref_slice %arg2[%add3A_83] : memref<320000xi32, #tpu.memory_space<hbm>> -> memref<80xi32, #tpu.memory_space<hbm>>
      tpu.enqueue_dma source(%dma_start3A_85 : memref<80xi32, #tpu.memory_space<hbm>>) target(%arg7 : memref<80xi32, #tpu.memory_space<vmem>>) target_semaphore(%arg12 : memref<!tpu.dma_semaphore, #tpu.memory_space<semaphore_mem>>)
      %dma_start3A_86 = arith.constant 0 : i32
      %dma_start3A_87 = arith.constant 0 : i32
      %dma_start3A_88 = tpu.memref_slice %arg9[%dma_start3A_86, %dma_start3A_87] : memref<10000x128xf32, #tpu.memory_space<vmem_shared>> -> memref<10000x128xf32, #tpu.memory_space<vmem_shared>>
      tpu.enqueue_indirect_dma source(%arg8 : memref<80x128xf32, #tpu.memory_space<vmem>>) target(%dma_start3A_88 : memref<10000x128xf32, #tpu.memory_space<vmem_shared>>) offsets(%arg5 : memref<80xi32, #tpu.memory_space<vmem>>) semaphore(%arg13 : memref<!tpu.dma_semaphore, #tpu.memory_space<semaphore_mem>>) {add = true}
      %mul3A_89 = arith.constant 3 : i32
      %mul3A_90 = arith.muli %mul3A_89, %scan3A_65 : i32
      %add3A_91 = arith.constant 1 : i32
      %add3A_92 = arith.addi %mul3A_90, %add3A_91 : i32
      %dma_wait3A_93 = arith.constant 0 : i32
      %dma_wait3A_94 = tpu.memref_slice %arg2[%dma_wait3A_93] : memref<320000xi32, #tpu.memory_space<hbm>> -> memref<80xi32, #tpu.memory_space<hbm>>
      %dma_wait3A_95 = arith.constant 0 : i32
      %dma_wait3A_96 = tpu.memref_slice %arg2[%dma_wait3A_95] : memref<320000xi32, #tpu.memory_space<hbm>> -> memref<80xi32, #tpu.memory_space<hbm>>
      tpu.wait_dma2 semaphore(%arg11 : memref<!tpu.dma_semaphore, #tpu.memory_space<semaphore_mem>>) src(%dma_wait3A_96 : memref<80xi32, #tpu.memory_space<hbm>>) dst(%arg6 : memref<80xi32, #tpu.memory_space<vmem>>)
      %dma_wait3A_97 = arith.constant 0 : i32
      %dma_wait3A_98 = arith.constant 0 : i32
      %dma_wait3A_99 = tpu.memref_slice %arg9[%dma_wait3A_97, %dma_wait3A_98] : memref<10000x128xf32, #tpu.memory_space<vmem_shared>> -> memref<10000x128xf32, #tpu.memory_space<vmem_shared>>
      tpu.wait_indirect_dma semaphore(%arg13 : memref<!tpu.dma_semaphore, #tpu.memory_space<semaphore_mem>>) src(%arg8 : memref<80x128xf32, #tpu.memory_space<vmem>>) dst(%dma_wait3A_99 : memref<10000x128xf32, #tpu.memory_space<vmem_shared>>)
      %add3A_100 = arith.constant 2 : i32
      %add3A_101 = arith.addi %add3A_92, %add3A_100 : i32
      %mul3A_102 = arith.constant 80 : i32
      %mul3A_103 = arith.muli %add3A_101, %mul3A_102 : i32
      %add3A_104 = arith.addi %mul3A_2, %mul3A_103 : i32
      %dma_start3A_105 = tpu.memref_slice %arg2[%add3A_104] : memref<320000xi32, #tpu.memory_space<hbm>> -> memref<80xi32, #tpu.memory_space<hbm>>
      %dma_start3A_106 = tpu.memref_slice %arg2[%add3A_104] : memref<320000xi32, #tpu.memory_space<hbm>> -> memref<80xi32, #tpu.memory_space<hbm>>
      tpu.enqueue_dma source(%dma_start3A_106 : memref<80xi32, #tpu.memory_space<hbm>>) target(%arg5 : memref<80xi32, #tpu.memory_space<vmem>>) target_semaphore(%arg10 : memref<!tpu.dma_semaphore, #tpu.memory_space<semaphore_mem>>)
      %dma_start3A_107 = arith.constant 0 : i32
      %dma_start3A_108 = arith.constant 0 : i32
      %dma_start3A_109 = tpu.memref_slice %arg9[%dma_start3A_107, %dma_start3A_108] : memref<10000x128xf32, #tpu.memory_space<vmem_shared>> -> memref<10000x128xf32, #tpu.memory_space<vmem_shared>>
      tpu.enqueue_indirect_dma source(%arg8 : memref<80x128xf32, #tpu.memory_space<vmem>>) target(%dma_start3A_109 : memref<10000x128xf32, #tpu.memory_space<vmem_shared>>) offsets(%arg6 : memref<80xi32, #tpu.memory_space<vmem>>) semaphore(%arg14 : memref<!tpu.dma_semaphore, #tpu.memory_space<semaphore_mem>>) {add = true}
      %mul3A_110 = arith.constant 3 : i32
      %mul3A_111 = arith.muli %mul3A_110, %scan3A_65 : i32
      %add3A_112 = arith.constant 2 : i32
      %add3A_113 = arith.addi %mul3A_111, %add3A_112 : i32
      %dma_wait3A_114 = arith.constant 0 : i32
      %dma_wait3A_115 = tpu.memref_slice %arg2[%dma_wait3A_114] : memref<320000xi32, #tpu.memory_space<hbm>> -> memref<80xi32, #tpu.memory_space<hbm>>
      %dma_wait3A_116 = arith.constant 0 : i32
      %dma_wait3A_117 = tpu.memref_slice %arg2[%dma_wait3A_116] : memref<320000xi32, #tpu.memory_space<hbm>> -> memref<80xi32, #tpu.memory_space<hbm>>
      tpu.wait_dma2 semaphore(%arg12 : memref<!tpu.dma_semaphore, #tpu.memory_space<semaphore_mem>>) src(%dma_wait3A_117 : memref<80xi32, #tpu.memory_space<hbm>>) dst(%arg7 : memref<80xi32, #tpu.memory_space<vmem>>)
      %dma_wait3A_118 = arith.constant 0 : i32
      %dma_wait3A_119 = arith.constant 0 : i32
      %dma_wait3A_120 = tpu.memref_slice %arg9[%dma_wait3A_118, %dma_wait3A_119] : memref<10000x128xf32, #tpu.memory_space<vmem_shared>> -> memref<10000x128xf32, #tpu.memory_space<vmem_shared>>
      tpu.wait_indirect_dma semaphore(%arg14 : memref<!tpu.dma_semaphore, #tpu.memory_space<semaphore_mem>>) src(%arg8 : memref<80x128xf32, #tpu.memory_space<vmem>>) dst(%dma_wait3A_120 : memref<10000x128xf32, #tpu.memory_space<vmem_shared>>)
      %add3A_121 = arith.constant 2 : i32
      %add3A_122 = arith.addi %add3A_113, %add3A_121 : i32
      %mul3A_123 = arith.constant 80 : i32
      %mul3A_124 = arith.muli %add3A_122, %mul3A_123 : i32
      %add3A_125 = arith.addi %mul3A_2, %mul3A_124 : i32
      %dma_start3A_126 = tpu.memref_slice %arg2[%add3A_125] : memref<320000xi32, #tpu.memory_space<hbm>> -> memref<80xi32, #tpu.memory_space<hbm>>
      %dma_start3A_127 = tpu.memref_slice %arg2[%add3A_125] : memref<320000xi32, #tpu.memory_space<hbm>> -> memref<80xi32, #tpu.memory_space<hbm>>
      tpu.enqueue_dma source(%dma_start3A_127 : memref<80xi32, #tpu.memory_space<hbm>>) target(%arg6 : memref<80xi32, #tpu.memory_space<vmem>>) target_semaphore(%arg11 : memref<!tpu.dma_semaphore, #tpu.memory_space<semaphore_mem>>)
      %dma_start3A_128 = arith.constant 0 : i32
      %dma_start3A_129 = arith.constant 0 : i32
      %dma_start3A_130 = tpu.memref_slice %arg9[%dma_start3A_128, %dma_start3A_129] : memref<10000x128xf32, #tpu.memory_space<vmem_shared>> -> memref<10000x128xf32, #tpu.memory_space<vmem_shared>>
      tpu.enqueue_indirect_dma source(%arg8 : memref<80x128xf32, #tpu.memory_space<vmem>>) target(%dma_start3A_130 : memref<10000x128xf32, #tpu.memory_space<vmem_shared>>) offsets(%arg7 : memref<80xi32, #tpu.memory_space<vmem>>) semaphore(%arg15 : memref<!tpu.dma_semaphore, #tpu.memory_space<semaphore_mem>>) {add = true}
      %scan3A_131 = arith.constant 0 : i32
      scf.yield %scan3A_131 : i32
    }
    %scan3A_31 = arith.constant 41 : i32
    %dma_wait3A = arith.constant 0 : i32
    %dma_wait3A_32 = tpu.memref_slice %arg2[%dma_wait3A] : memref<320000xi32, #tpu.memory_space<hbm>> -> memref<80xi32, #tpu.memory_space<hbm>>
    %dma_wait3A_33 = arith.constant 0 : i32
    %dma_wait3A_34 = tpu.memref_slice %arg2[%dma_wait3A_33] : memref<320000xi32, #tpu.memory_space<hbm>> -> memref<80xi32, #tpu.memory_space<hbm>>
    tpu.wait_dma2 semaphore(%arg10 : memref<!tpu.dma_semaphore, #tpu.memory_space<semaphore_mem>>) src(%dma_wait3A_34 : memref<80xi32, #tpu.memory_space<hbm>>) dst(%arg5 : memref<80xi32, #tpu.memory_space<vmem>>)
    %dma_wait3A_35 = arith.constant 0 : i32
    %dma_wait3A_36 = arith.constant 0 : i32
    %dma_wait3A_37 = tpu.memref_slice %arg9[%dma_wait3A_35, %dma_wait3A_36] : memref<10000x128xf32, #tpu.memory_space<vmem_shared>> -> memref<10000x128xf32, #tpu.memory_space<vmem_shared>>
    tpu.wait_indirect_dma semaphore(%arg15 : memref<!tpu.dma_semaphore, #tpu.memory_space<semaphore_mem>>) src(%arg8 : memref<80x128xf32, #tpu.memory_space<vmem>>) dst(%dma_wait3A_37 : memref<10000x128xf32, #tpu.memory_space<vmem_shared>>)
    %dma_start3A_38 = arith.constant 0 : i32
    %dma_start3A_39 = arith.constant 0 : i32
    %dma_start3A_40 = tpu.memref_slice %arg9[%dma_start3A_38, %dma_start3A_39] : memref<10000x128xf32, #tpu.memory_space<vmem_shared>> -> memref<10000x128xf32, #tpu.memory_space<vmem_shared>>
    tpu.enqueue_indirect_dma source(%arg8 : memref<80x128xf32, #tpu.memory_space<vmem>>) target(%dma_start3A_40 : memref<10000x128xf32, #tpu.memory_space<vmem_shared>>) offsets(%arg5 : memref<80xi32, #tpu.memory_space<vmem>>) semaphore(%arg13 : memref<!tpu.dma_semaphore, #tpu.memory_space<semaphore_mem>>) {add = true}
    %dma_wait3A_41 = arith.constant 0 : i32
    %dma_wait3A_42 = tpu.memref_slice %arg2[%dma_wait3A_41] : memref<320000xi32, #tpu.memory_space<hbm>> -> memref<80xi32, #tpu.memory_space<hbm>>
    %dma_wait3A_43 = arith.constant 0 : i32
    %dma_wait3A_44 = tpu.memref_slice %arg2[%dma_wait3A_43] : memref<320000xi32, #tpu.memory_space<hbm>> -> memref<80xi32, #tpu.memory_space<hbm>>
    tpu.wait_dma2 semaphore(%arg11 : memref<!tpu.dma_semaphore, #tpu.memory_space<semaphore_mem>>) src(%dma_wait3A_44 : memref<80xi32, #tpu.memory_space<hbm>>) dst(%arg6 : memref<80xi32, #tpu.memory_space<vmem>>)
    %dma_wait3A_45 = arith.constant 0 : i32
    %dma_wait3A_46 = arith.constant 0 : i32
    %dma_wait3A_47 = tpu.memref_slice %arg9[%dma_wait3A_45, %dma_wait3A_46] : memref<10000x128xf32, #tpu.memory_space<vmem_shared>> -> memref<10000x128xf32, #tpu.memory_space<vmem_shared>>
    tpu.wait_indirect_dma semaphore(%arg13 : memref<!tpu.dma_semaphore, #tpu.memory_space<semaphore_mem>>) src(%arg8 : memref<80x128xf32, #tpu.memory_space<vmem>>) dst(%dma_wait3A_47 : memref<10000x128xf32, #tpu.memory_space<vmem_shared>>)
    %dma_start3A_48 = arith.constant 0 : i32
    %dma_start3A_49 = arith.constant 0 : i32
    %dma_start3A_50 = tpu.memref_slice %arg9[%dma_start3A_48, %dma_start3A_49] : memref<10000x128xf32, #tpu.memory_space<vmem_shared>> -> memref<10000x128xf32, #tpu.memory_space<vmem_shared>>
    tpu.enqueue_indirect_dma source(%arg8 : memref<80x128xf32, #tpu.memory_space<vmem>>) target(%dma_start3A_50 : memref<10000x128xf32, #tpu.memory_space<vmem_shared>>) offsets(%arg6 : memref<80xi32, #tpu.memory_space<vmem>>) semaphore(%arg14 : memref<!tpu.dma_semaphore, #tpu.memory_space<semaphore_mem>>) {add = true}
    %dma_wait3A_51 = arith.constant 0 : i32
    %dma_wait3A_52 = arith.constant 0 : i32
    %dma_wait3A_53 = tpu.memref_slice %arg9[%dma_wait3A_51, %dma_wait3A_52] : memref<10000x128xf32, #tpu.memory_space<vmem_shared>> -> memref<10000x128xf32, #tpu.memory_space<vmem_shared>>
    tpu.wait_indirect_dma semaphore(%arg14 : memref<!tpu.dma_semaphore, #tpu.memory_space<semaphore_mem>>) src(%arg8 : memref<80x128xf32, #tpu.memory_space<vmem>>) dst(%dma_wait3A_53 : memref<10000x128xf32, #tpu.memory_space<vmem_shared>>)
    %barrier3A_54 = arith.constant 0 : index
    tpu.barrier barrier_id(%barrier3A_54)
    %lt3A_55 = arith.constant 15 : i32
    %lt3A_56 = arith.cmpi slt, %arg1, %lt3A_55 : i32
    %convert_element_type3A_57 = arith.extui %lt3A_56 : i1 to i32
    %cond3A_58 = arith.constant 0 : i32
    %cond3A_59 = arith.cmpi ne, %convert_element_type3A_57, %cond3A_58 : i32
    scf.if %cond3A_59 {
      %mul3A_65 = arith.constant 10000 : i32
      %mul3A_66 = arith.muli %arg0, %mul3A_65 : i32
      %add3A_67 = arith.addi %mul3A_66, %mul3A_11 : i32
      "tpu.region"() ({
        %run_scoped3A = tpu.sem_alloc : memref<!tpu.dma_semaphore, #tpu.memory_space<semaphore_mem>>
        %dma_start3A_68 = arith.constant 0 : i32
        %dma_start3A_69 = tpu.memref_slice %arg4[%add3A_67, %dma_start3A_68] : memref<20000x128xf32, #tpu.memory_space<hbm>> -> memref<624x128xf32, #tpu.memory_space<hbm>>
        %dma_start3A_70 = arith.constant 0 : i32
        %dma_start3A_71 = tpu.memref_slice %arg9[%mul3A_11, %dma_start3A_70] : memref<10000x128xf32, #tpu.memory_space<vmem_shared>> -> memref<624x128xf32, #tpu.memory_space<vmem_shared>>
        tpu.enqueue_dma source(%dma_start3A_71 : memref<624x128xf32, #tpu.memory_space<vmem_shared>>) target(%dma_start3A_69 : memref<624x128xf32, #tpu.memory_space<hbm>>) target_semaphore(%run_scoped3A : memref<!tpu.dma_semaphore, #tpu.memory_space<semaphore_mem>>)
        %dma_wait3A_72 = arith.constant 0 : i32
        %dma_wait3A_73 = tpu.memref_slice %arg4[%add3A_67, %dma_wait3A_72] : memref<20000x128xf32, #tpu.memory_space<hbm>> -> memref<624x128xf32, #tpu.memory_space<hbm>>
        %dma_wait3A_74 = arith.constant 0 : i32
        %dma_wait3A_75 = tpu.memref_slice %arg9[%mul3A_11, %dma_wait3A_74] : memref<10000x128xf32, #tpu.memory_space<vmem_shared>> -> memref<624x128xf32, #tpu.memory_space<vmem_shared>>
        tpu.wait_dma2 semaphore(%run_scoped3A : memref<!tpu.dma_semaphore, #tpu.memory_space<semaphore_mem>>) src(%dma_wait3A_75 : memref<624x128xf32, #tpu.memory_space<vmem_shared>>) dst(%dma_wait3A_73 : memref<624x128xf32, #tpu.memory_space<hbm>>)
        tpu.yield
      }) : () -> ()
    } else {
    }
    %eq3A_60 = arith.constant 15 : i32
    %eq3A_61 = arith.cmpi eq, %arg1, %eq3A_60 : i32
    %convert_element_type3A_62 = arith.extui %eq3A_61 : i1 to i32
    %cond3A_63 = arith.constant 0 : i32
    %cond3A_64 = arith.cmpi ne, %convert_element_type3A_62, %cond3A_63 : i32
    scf.if %cond3A_64 {
      %mul3A_65 = arith.constant 10000 : i32
      %mul3A_66 = arith.muli %arg0, %mul3A_65 : i32
      %add3A_67 = arith.addi %mul3A_66, %mul3A_11 : i32
      "tpu.region"() ({
        %run_scoped3A = tpu.sem_alloc : memref<!tpu.dma_semaphore, #tpu.memory_space<semaphore_mem>>
        %dma_start3A_68 = arith.constant 0 : i32
        %dma_start3A_69 = tpu.memref_slice %arg4[%add3A_67, %dma_start3A_68] : memref<20000x128xf32, #tpu.memory_space<hbm>> -> memref<640x128xf32, #tpu.memory_space<hbm>>
        %dma_start3A_70 = arith.constant 0 : i32
        %dma_start3A_71 = tpu.memref_slice %arg9[%mul3A_11, %dma_start3A_70] : memref<10000x128xf32, #tpu.memory_space<vmem_shared>> -> memref<640x128xf32, #tpu.memory_space<vmem_shared>>
        tpu.enqueue_dma source(%dma_start3A_71 : memref<640x128xf32, #tpu.memory_space<vmem_shared>>) target(%dma_start3A_69 : memref<640x128xf32, #tpu.memory_space<hbm>>) target_semaphore(%run_scoped3A : memref<!tpu.dma_semaphore, #tpu.memory_space<semaphore_mem>>)
        %dma_wait3A_72 = arith.constant 0 : i32
        %dma_wait3A_73 = tpu.memref_slice %arg4[%add3A_67, %dma_wait3A_72] : memref<20000x128xf32, #tpu.memory_space<hbm>> -> memref<640x128xf32, #tpu.memory_space<hbm>>
        %dma_wait3A_74 = arith.constant 0 : i32
        %dma_wait3A_75 = tpu.memref_slice %arg9[%mul3A_11, %dma_wait3A_74] : memref<10000x128xf32, #tpu.memory_space<vmem_shared>> -> memref<640x128xf32, #tpu.memory_space<vmem_shared>>
        tpu.wait_dma2 semaphore(%run_scoped3A : memref<!tpu.dma_semaphore, #tpu.memory_space<semaphore_mem>>) src(%dma_wait3A_75 : memref<640x128xf32, #tpu.memory_space<vmem_shared>>) dst(%dma_wait3A_73 : memref<640x128xf32, #tpu.memory_space<hbm>>)
        tpu.yield
      }) : () -> ()
    } else {
    }
    return
  }
}

#map = affine_map<(d0, d1) -> (0, 0)>
#map1 = affine_map<(d0, d1) -> (0, 0, 0)>
#map2 = affine_map<(d0, d1) -> (0)>
module attributes {stable_mosaic.version = 14 : i64} {
  func.func @_sc_agg_body(%arg0: i32, %arg1: i32, %arg2: memref<10000x128xf32, #tpu.memory_space<hbm>>, %arg3: memref<32x125x80xi32, #tpu.memory_space<hbm>>, %arg4: memref<320000xi32, #tpu.memory_space<hbm>>, %arg5: memref<10000x128xf32, #tpu.memory_space<hbm>>, %arg6: memref<20000x128xf32, #tpu.memory_space<hbm>>, %arg7: memref<125x80xi32, #tpu.memory_space<vmem>>, %arg8: memref<80xi32, #tpu.memory_space<vmem>>, %arg9: memref<80xi32, #tpu.memory_space<vmem>>, %arg10: memref<80xi32, #tpu.memory_space<vmem>>, %arg11: memref<80x128xf32, #tpu.memory_space<vmem>>, %arg12: memref<80x128xf32, #tpu.memory_space<vmem>>, %arg13: memref<80x128xf32, #tpu.memory_space<vmem>>, %arg14: memref<10000x128xf32, #tpu.memory_space<vmem_shared>>, %arg15: memref<!tpu.dma_semaphore, #tpu.memory_space<semaphore_mem>>, %arg16: memref<!tpu.dma_semaphore, #tpu.memory_space<semaphore_mem>>, %arg17: memref<!tpu.dma_semaphore, #tpu.memory_space<semaphore_mem>>, %arg18: memref<!tpu.dma_semaphore, #tpu.memory_space<semaphore_mem>>, %arg19: memref<!tpu.dma_semaphore, #tpu.memory_space<semaphore_mem>>, %arg20: memref<!tpu.dma_semaphore, #tpu.memory_space<semaphore_mem>>, %arg21: memref<!tpu.dma_semaphore, #tpu.memory_space<semaphore_mem>>, %arg22: memref<!tpu.dma_semaphore, #tpu.memory_space<semaphore_mem>>, %arg23: memref<!tpu.dma_semaphore, #tpu.memory_space<semaphore_mem>>) attributes {dimension_semantics = [#tpu.dimension_semantics<core_parallel>, #tpu.dimension_semantics<subcore_parallel>], iteration_bounds = array<i64: 2, 16>, scalar_prefetch = 0 : i64, scratch_operands = 17 : i64, tpu.core_type = #tpu.core_type<sc_vector_subcore>, window_params = [{transform_indices = #map}, {transform_indices = #map1}, {transform_indices = #map2}, {transform_indices = #map}, {transform_indices = #map}]} {
    %mul3A = arith.constant 16 : i32
    %mul3A_0 = arith.muli %arg0, %mul3A : i32
    %add3A = arith.addi %mul3A_0, %arg1 : i32
    %mul3A_1 = arith.constant 10000 : i32
    %mul3A_2 = arith.muli %add3A, %mul3A_1 : i32
    %mul3A_3 = arith.constant 624 : i32
    %mul3A_4 = arith.muli %arg1, %mul3A_3 : i32
    %lt3A = arith.constant 15 : i32
    %lt3A_5 = arith.cmpi slt, %arg1, %lt3A : i32
    %convert_element_type3A = arith.extui %lt3A_5 : i1 to i32
    %cond3A = arith.constant 0 : i32
    %cond3A_6 = arith.cmpi ne, %convert_element_type3A, %cond3A : i32
    scf.if %cond3A_6 {
      "tpu.region"() ({
        %run_scoped3A = tpu.sem_alloc : memref<!tpu.dma_semaphore, #tpu.memory_space<semaphore_mem>>
        %dma_start3A_83 = arith.constant 0 : i32
        %dma_start3A_84 = tpu.memref_slice %arg14[%mul3A_4, %dma_start3A_83] : memref<10000x128xf32, #tpu.memory_space<vmem_shared>> -> memref<624x128xf32, #tpu.memory_space<vmem_shared>>
        %dma_start3A_85 = arith.constant 0 : i32
        %dma_start3A_86 = tpu.memref_slice %arg5[%mul3A_4, %dma_start3A_85] : memref<10000x128xf32, #tpu.memory_space<hbm>> -> memref<624x128xf32, #tpu.memory_space<hbm>>
        tpu.enqueue_dma source(%dma_start3A_86 : memref<624x128xf32, #tpu.memory_space<hbm>>) target(%dma_start3A_84 : memref<624x128xf32, #tpu.memory_space<vmem_shared>>) target_semaphore(%run_scoped3A : memref<!tpu.dma_semaphore, #tpu.memory_space<semaphore_mem>>)
        %dma_wait3A_87 = arith.constant 0 : i32
        %dma_wait3A_88 = tpu.memref_slice %arg14[%mul3A_4, %dma_wait3A_87] : memref<10000x128xf32, #tpu.memory_space<vmem_shared>> -> memref<624x128xf32, #tpu.memory_space<vmem_shared>>
        %dma_wait3A_89 = arith.constant 0 : i32
        %dma_wait3A_90 = tpu.memref_slice %arg5[%mul3A_4, %dma_wait3A_89] : memref<10000x128xf32, #tpu.memory_space<hbm>> -> memref<624x128xf32, #tpu.memory_space<hbm>>
        tpu.wait_dma2 semaphore(%run_scoped3A : memref<!tpu.dma_semaphore, #tpu.memory_space<semaphore_mem>>) src(%dma_wait3A_90 : memref<624x128xf32, #tpu.memory_space<hbm>>) dst(%dma_wait3A_88 : memref<624x128xf32, #tpu.memory_space<vmem_shared>>)
        tpu.yield
      }) : () -> ()
    } else {
    }
    %eq3A = arith.constant 15 : i32
    %eq3A_7 = arith.cmpi eq, %arg1, %eq3A : i32
    %convert_element_type3A_8 = arith.extui %eq3A_7 : i1 to i32
    %cond3A_9 = arith.constant 0 : i32
    %cond3A_10 = arith.cmpi ne, %convert_element_type3A_8, %cond3A_9 : i32
    scf.if %cond3A_10 {
      "tpu.region"() ({
        %run_scoped3A = tpu.sem_alloc : memref<!tpu.dma_semaphore, #tpu.memory_space<semaphore_mem>>
        %dma_start3A_83 = arith.constant 0 : i32
        %dma_start3A_84 = tpu.memref_slice %arg14[%mul3A_4, %dma_start3A_83] : memref<10000x128xf32, #tpu.memory_space<vmem_shared>> -> memref<640x128xf32, #tpu.memory_space<vmem_shared>>
        %dma_start3A_85 = arith.constant 0 : i32
        %dma_start3A_86 = tpu.memref_slice %arg5[%mul3A_4, %dma_start3A_85] : memref<10000x128xf32, #tpu.memory_space<hbm>> -> memref<640x128xf32, #tpu.memory_space<hbm>>
        tpu.enqueue_dma source(%dma_start3A_86 : memref<640x128xf32, #tpu.memory_space<hbm>>) target(%dma_start3A_84 : memref<640x128xf32, #tpu.memory_space<vmem_shared>>) target_semaphore(%run_scoped3A : memref<!tpu.dma_semaphore, #tpu.memory_space<semaphore_mem>>)
        %dma_wait3A_87 = arith.constant 0 : i32
        %dma_wait3A_88 = tpu.memref_slice %arg14[%mul3A_4, %dma_wait3A_87] : memref<10000x128xf32, #tpu.memory_space<vmem_shared>> -> memref<640x128xf32, #tpu.memory_space<vmem_shared>>
        %dma_wait3A_89 = arith.constant 0 : i32
        %dma_wait3A_90 = tpu.memref_slice %arg5[%mul3A_4, %dma_wait3A_89] : memref<10000x128xf32, #tpu.memory_space<hbm>> -> memref<640x128xf32, #tpu.memory_space<hbm>>
        tpu.wait_dma2 semaphore(%run_scoped3A : memref<!tpu.dma_semaphore, #tpu.memory_space<semaphore_mem>>) src(%dma_wait3A_90 : memref<640x128xf32, #tpu.memory_space<hbm>>) dst(%dma_wait3A_88 : memref<640x128xf32, #tpu.memory_space<vmem_shared>>)
        tpu.yield
      }) : () -> ()
    } else {
    }
    "tpu.region"() ({
      %run_scoped3A = tpu.sem_alloc : memref<!tpu.dma_semaphore, #tpu.memory_space<semaphore_mem>>
      %dma_start3A_83 = arith.constant 0 : i32
      %dma_start3A_84 = arith.constant 0 : i32
      %dma_start3A_85 = tpu.memref_slice %arg3[%add3A, %dma_start3A_83, %dma_start3A_84] : memref<32x125x80xi32, #tpu.memory_space<hbm>> -> memref<1x125x80xi32, #tpu.memory_space<hbm>>
      %dma_start3A_86 = tpu.memref_squeeze %dma_start3A_85 : memref<1x125x80xi32, #tpu.memory_space<hbm>> -> memref<125x80xi32, #tpu.memory_space<hbm>>
      %dma_start3A_87 = arith.constant 0 : i32
      %dma_start3A_88 = arith.constant 0 : i32
      %dma_start3A_89 = tpu.memref_slice %arg3[%add3A, %dma_start3A_87, %dma_start3A_88] : memref<32x125x80xi32, #tpu.memory_space<hbm>> -> memref<1x125x80xi32, #tpu.memory_space<hbm>>
      %dma_start3A_90 = tpu.memref_squeeze %dma_start3A_89 : memref<1x125x80xi32, #tpu.memory_space<hbm>> -> memref<125x80xi32, #tpu.memory_space<hbm>>
      tpu.enqueue_dma source(%dma_start3A_90 : memref<125x80xi32, #tpu.memory_space<hbm>>) target(%arg7 : memref<125x80xi32, #tpu.memory_space<vmem>>) target_semaphore(%run_scoped3A : memref<!tpu.dma_semaphore, #tpu.memory_space<semaphore_mem>>)
      %dma_wait3A_91 = arith.constant 0 : i32
      %dma_wait3A_92 = arith.constant 0 : i32
      %dma_wait3A_93 = tpu.memref_slice %arg3[%add3A, %dma_wait3A_91, %dma_wait3A_92] : memref<32x125x80xi32, #tpu.memory_space<hbm>> -> memref<1x125x80xi32, #tpu.memory_space<hbm>>
      %dma_wait3A_94 = tpu.memref_squeeze %dma_wait3A_93 : memref<1x125x80xi32, #tpu.memory_space<hbm>> -> memref<125x80xi32, #tpu.memory_space<hbm>>
      %dma_wait3A_95 = arith.constant 0 : i32
      %dma_wait3A_96 = arith.constant 0 : i32
      %dma_wait3A_97 = tpu.memref_slice %arg3[%add3A, %dma_wait3A_95, %dma_wait3A_96] : memref<32x125x80xi32, #tpu.memory_space<hbm>> -> memref<1x125x80xi32, #tpu.memory_space<hbm>>
      %dma_wait3A_98 = tpu.memref_squeeze %dma_wait3A_97 : memref<1x125x80xi32, #tpu.memory_space<hbm>> -> memref<125x80xi32, #tpu.memory_space<hbm>>
      tpu.wait_dma2 semaphore(%run_scoped3A : memref<!tpu.dma_semaphore, #tpu.memory_space<semaphore_mem>>) src(%dma_wait3A_98 : memref<125x80xi32, #tpu.memory_space<hbm>>) dst(%arg7 : memref<125x80xi32, #tpu.memory_space<vmem>>)
      tpu.yield
    }) : () -> ()
    %barrier3A = arith.constant 0 : index
    tpu.barrier barrier_id(%barrier3A)
    %dma_start3A = arith.constant 0 : i32
    %dma_start3A_11 = arith.constant 0 : i32
    %dma_start3A_12 = tpu.memref_slice %arg7[%dma_start3A, %dma_start3A_11] : memref<125x80xi32, #tpu.memory_space<vmem>> -> memref<1x80xi32, #tpu.memory_space<vmem>>
    %dma_start3A_13 = tpu.memref_squeeze %dma_start3A_12 : memref<1x80xi32, #tpu.memory_space<vmem>> -> memref<80xi32, #tpu.memory_space<vmem>>
    %dma_start3A_14 = arith.constant 0 : i32
    %dma_start3A_15 = arith.constant 0 : i32
    %dma_start3A_16 = tpu.memref_slice %arg2[%dma_start3A_14, %dma_start3A_15] : memref<10000x128xf32, #tpu.memory_space<hbm>> -> memref<10000x128xf32, #tpu.memory_space<hbm>>
    tpu.enqueue_indirect_dma source(%dma_start3A_16 : memref<10000x128xf32, #tpu.memory_space<hbm>>) target(%arg11 : memref<80x128xf32, #tpu.memory_space<vmem>>) offsets(%dma_start3A_13 : memref<80xi32, #tpu.memory_space<vmem>>) semaphore(%arg15 : memref<!tpu.dma_semaphore, #tpu.memory_space<semaphore_mem>>)
    %add3A_17 = arith.constant 0 : i32
    %add3A_18 = arith.addi %mul3A_2, %add3A_17 : i32
    %dma_start3A_19 = tpu.memref_slice %arg4[%add3A_18] : memref<320000xi32, #tpu.memory_space<hbm>> -> memref<80xi32, #tpu.memory_space<hbm>>
    %dma_start3A_20 = tpu.memref_slice %arg4[%add3A_18] : memref<320000xi32, #tpu.memory_space<hbm>> -> memref<80xi32, #tpu.memory_space<hbm>>
    tpu.enqueue_dma source(%dma_start3A_20 : memref<80xi32, #tpu.memory_space<hbm>>) target(%arg8 : memref<80xi32, #tpu.memory_space<vmem>>) target_semaphore(%arg18 : memref<!tpu.dma_semaphore, #tpu.memory_space<semaphore_mem>>)
    %dma_start3A_21 = arith.constant 1 : i32
    %dma_start3A_22 = arith.constant 0 : i32
    %dma_start3A_23 = tpu.memref_slice %arg7[%dma_start3A_21, %dma_start3A_22] : memref<125x80xi32, #tpu.memory_space<vmem>> -> memref<1x80xi32, #tpu.memory_space<vmem>>
    %dma_start3A_24 = tpu.memref_squeeze %dma_start3A_23 : memref<1x80xi32, #tpu.memory_space<vmem>> -> memref<80xi32, #tpu.memory_space<vmem>>
    %dma_start3A_25 = arith.constant 0 : i32
    %dma_start3A_26 = arith.constant 0 : i32
    %dma_start3A_27 = tpu.memref_slice %arg2[%dma_start3A_25, %dma_start3A_26] : memref<10000x128xf32, #tpu.memory_space<hbm>> -> memref<10000x128xf32, #tpu.memory_space<hbm>>
    tpu.enqueue_indirect_dma source(%dma_start3A_27 : memref<10000x128xf32, #tpu.memory_space<hbm>>) target(%arg12 : memref<80x128xf32, #tpu.memory_space<vmem>>) offsets(%dma_start3A_24 : memref<80xi32, #tpu.memory_space<vmem>>) semaphore(%arg16 : memref<!tpu.dma_semaphore, #tpu.memory_space<semaphore_mem>>)
    %add3A_28 = arith.constant 80 : i32
    %add3A_29 = arith.addi %mul3A_2, %add3A_28 : i32
    %dma_start3A_30 = tpu.memref_slice %arg4[%add3A_29] : memref<320000xi32, #tpu.memory_space<hbm>> -> memref<80xi32, #tpu.memory_space<hbm>>
    %dma_start3A_31 = tpu.memref_slice %arg4[%add3A_29] : memref<320000xi32, #tpu.memory_space<hbm>> -> memref<80xi32, #tpu.memory_space<hbm>>
    tpu.enqueue_dma source(%dma_start3A_31 : memref<80xi32, #tpu.memory_space<hbm>>) target(%arg9 : memref<80xi32, #tpu.memory_space<vmem>>) target_semaphore(%arg19 : memref<!tpu.dma_semaphore, #tpu.memory_space<semaphore_mem>>)
    %scan3A = arith.constant 0 : i32
    %scan3A_32 = arith.constant 0 : i32
    %scan3A_33 = arith.constant 41 : i32
    %scan3A_34 = arith.addi %scan3A_32, %scan3A_33 : i32
    %scan3A_35 = arith.constant 1 : i32
    %scan3A_36 = scf.for %scan3A_83 = %scan3A_32 to %scan3A_34 step %scan3A_35 iter_args(%scan3A_84 = %scan3A) -> (i32)  : i32 {
      %mul3A_85 = arith.constant 3 : i32
      %mul3A_86 = arith.muli %mul3A_85, %scan3A_83 : i32
      %add3A_87 = arith.constant 0 : i32
      %add3A_88 = arith.addi %mul3A_86, %add3A_87 : i32
      %dma_wait3A_89 = arith.constant 0 : i32
      %dma_wait3A_90 = arith.constant 0 : i32
      %dma_wait3A_91 = tpu.memref_slice %arg2[%dma_wait3A_89, %dma_wait3A_90] : memref<10000x128xf32, #tpu.memory_space<hbm>> -> memref<80x128xf32, #tpu.memory_space<hbm>>
      %dma_wait3A_92 = arith.constant 0 : i32
      %dma_wait3A_93 = arith.constant 0 : i32
      %dma_wait3A_94 = tpu.memref_slice %arg2[%dma_wait3A_92, %dma_wait3A_93] : memref<10000x128xf32, #tpu.memory_space<hbm>> -> memref<80x128xf32, #tpu.memory_space<hbm>>
      tpu.wait_dma2 semaphore(%arg15 : memref<!tpu.dma_semaphore, #tpu.memory_space<semaphore_mem>>) src(%dma_wait3A_94 : memref<80x128xf32, #tpu.memory_space<hbm>>) dst(%arg11 : memref<80x128xf32, #tpu.memory_space<vmem>>)
      %dma_wait3A_95 = arith.constant 0 : i32
      %dma_wait3A_96 = tpu.memref_slice %arg4[%dma_wait3A_95] : memref<320000xi32, #tpu.memory_space<hbm>> -> memref<80xi32, #tpu.memory_space<hbm>>
      %dma_wait3A_97 = arith.constant 0 : i32
      %dma_wait3A_98 = tpu.memref_slice %arg4[%dma_wait3A_97] : memref<320000xi32, #tpu.memory_space<hbm>> -> memref<80xi32, #tpu.memory_space<hbm>>
      tpu.wait_dma2 semaphore(%arg18 : memref<!tpu.dma_semaphore, #tpu.memory_space<semaphore_mem>>) src(%dma_wait3A_98 : memref<80xi32, #tpu.memory_space<hbm>>) dst(%arg8 : memref<80xi32, #tpu.memory_space<vmem>>)
      %gt3A = arith.constant 0 : i32
      %gt3A_99 = arith.cmpi sgt, %scan3A_83, %gt3A : i32
      %convert_element_type3A_100 = arith.extui %gt3A_99 : i1 to i32
      %cond3A_101 = arith.constant 0 : i32
      %cond3A_102 = arith.cmpi ne, %convert_element_type3A_100, %cond3A_101 : i32
      scf.if %cond3A_102 {
        %dma_wait3A_186 = arith.constant 0 : i32
        %dma_wait3A_187 = arith.constant 0 : i32
        %dma_wait3A_188 = tpu.memref_slice %arg14[%dma_wait3A_186, %dma_wait3A_187] : memref<10000x128xf32, #tpu.memory_space<vmem_shared>> -> memref<10000x128xf32, #tpu.memory_space<vmem_shared>>
        tpu.wait_indirect_dma semaphore(%arg23 : memref<!tpu.dma_semaphore, #tpu.memory_space<semaphore_mem>>) src(%arg13 : memref<80x128xf32, #tpu.memory_space<vmem>>) dst(%dma_wait3A_188 : memref<10000x128xf32, #tpu.memory_space<vmem_shared>>)
      } else {
      }
      %add3A_103 = arith.constant 2 : i32
      %add3A_104 = arith.addi %add3A_88, %add3A_103 : i32
      %dma_start3A_105 = arith.constant 0 : i32
      %dma_start3A_106 = tpu.memref_slice %arg7[%add3A_104, %dma_start3A_105] : memref<125x80xi32, #tpu.memory_space<vmem>> -> memref<1x80xi32, #tpu.memory_space<vmem>>
      %dma_start3A_107 = tpu.memref_squeeze %dma_start3A_106 : memref<1x80xi32, #tpu.memory_space<vmem>> -> memref<80xi32, #tpu.memory_space<vmem>>
      %dma_start3A_108 = arith.constant 0 : i32
      %dma_start3A_109 = arith.constant 0 : i32
      %dma_start3A_110 = tpu.memref_slice %arg2[%dma_start3A_108, %dma_start3A_109] : memref<10000x128xf32, #tpu.memory_space<hbm>> -> memref<10000x128xf32, #tpu.memory_space<hbm>>
      tpu.enqueue_indirect_dma source(%dma_start3A_110 : memref<10000x128xf32, #tpu.memory_space<hbm>>) target(%arg13 : memref<80x128xf32, #tpu.memory_space<vmem>>) offsets(%dma_start3A_107 : memref<80xi32, #tpu.memory_space<vmem>>) semaphore(%arg17 : memref<!tpu.dma_semaphore, #tpu.memory_space<semaphore_mem>>)
      %mul3A_111 = arith.constant 80 : i32
      %mul3A_112 = arith.muli %add3A_104, %mul3A_111 : i32
      %add3A_113 = arith.addi %mul3A_2, %mul3A_112 : i32
      %dma_start3A_114 = tpu.memref_slice %arg4[%add3A_113] : memref<320000xi32, #tpu.memory_space<hbm>> -> memref<80xi32, #tpu.memory_space<hbm>>
      %dma_start3A_115 = tpu.memref_slice %arg4[%add3A_113] : memref<320000xi32, #tpu.memory_space<hbm>> -> memref<80xi32, #tpu.memory_space<hbm>>
      tpu.enqueue_dma source(%dma_start3A_115 : memref<80xi32, #tpu.memory_space<hbm>>) target(%arg10 : memref<80xi32, #tpu.memory_space<vmem>>) target_semaphore(%arg20 : memref<!tpu.dma_semaphore, #tpu.memory_space<semaphore_mem>>)
      %dma_start3A_116 = arith.constant 0 : i32
      %dma_start3A_117 = arith.constant 0 : i32
      %dma_start3A_118 = tpu.memref_slice %arg14[%dma_start3A_116, %dma_start3A_117] : memref<10000x128xf32, #tpu.memory_space<vmem_shared>> -> memref<10000x128xf32, #tpu.memory_space<vmem_shared>>
      tpu.enqueue_indirect_dma source(%arg11 : memref<80x128xf32, #tpu.memory_space<vmem>>) target(%dma_start3A_118 : memref<10000x128xf32, #tpu.memory_space<vmem_shared>>) offsets(%arg8 : memref<80xi32, #tpu.memory_space<vmem>>) semaphore(%arg21 : memref<!tpu.dma_semaphore, #tpu.memory_space<semaphore_mem>>) {add = true}
      %mul3A_119 = arith.constant 3 : i32
      %mul3A_120 = arith.muli %mul3A_119, %scan3A_83 : i32
      %add3A_121 = arith.constant 1 : i32
      %add3A_122 = arith.addi %mul3A_120, %add3A_121 : i32
      %dma_wait3A_123 = arith.constant 0 : i32
      %dma_wait3A_124 = arith.constant 0 : i32
      %dma_wait3A_125 = tpu.memref_slice %arg2[%dma_wait3A_123, %dma_wait3A_124] : memref<10000x128xf32, #tpu.memory_space<hbm>> -> memref<80x128xf32, #tpu.memory_space<hbm>>
      %dma_wait3A_126 = arith.constant 0 : i32
      %dma_wait3A_127 = arith.constant 0 : i32
      %dma_wait3A_128 = tpu.memref_slice %arg2[%dma_wait3A_126, %dma_wait3A_127] : memref<10000x128xf32, #tpu.memory_space<hbm>> -> memref<80x128xf32, #tpu.memory_space<hbm>>
      tpu.wait_dma2 semaphore(%arg16 : memref<!tpu.dma_semaphore, #tpu.memory_space<semaphore_mem>>) src(%dma_wait3A_128 : memref<80x128xf32, #tpu.memory_space<hbm>>) dst(%arg12 : memref<80x128xf32, #tpu.memory_space<vmem>>)
      %dma_wait3A_129 = arith.constant 0 : i32
      %dma_wait3A_130 = tpu.memref_slice %arg4[%dma_wait3A_129] : memref<320000xi32, #tpu.memory_space<hbm>> -> memref<80xi32, #tpu.memory_space<hbm>>
      %dma_wait3A_131 = arith.constant 0 : i32
      %dma_wait3A_132 = tpu.memref_slice %arg4[%dma_wait3A_131] : memref<320000xi32, #tpu.memory_space<hbm>> -> memref<80xi32, #tpu.memory_space<hbm>>
      tpu.wait_dma2 semaphore(%arg19 : memref<!tpu.dma_semaphore, #tpu.memory_space<semaphore_mem>>) src(%dma_wait3A_132 : memref<80xi32, #tpu.memory_space<hbm>>) dst(%arg9 : memref<80xi32, #tpu.memory_space<vmem>>)
      %dma_wait3A_133 = arith.constant 0 : i32
      %dma_wait3A_134 = arith.constant 0 : i32
      %dma_wait3A_135 = tpu.memref_slice %arg14[%dma_wait3A_133, %dma_wait3A_134] : memref<10000x128xf32, #tpu.memory_space<vmem_shared>> -> memref<10000x128xf32, #tpu.memory_space<vmem_shared>>
      tpu.wait_indirect_dma semaphore(%arg21 : memref<!tpu.dma_semaphore, #tpu.memory_space<semaphore_mem>>) src(%arg11 : memref<80x128xf32, #tpu.memory_space<vmem>>) dst(%dma_wait3A_135 : memref<10000x128xf32, #tpu.memory_space<vmem_shared>>)
      %add3A_136 = arith.constant 2 : i32
      %add3A_137 = arith.addi %add3A_122, %add3A_136 : i32
      %dma_start3A_138 = arith.constant 0 : i32
      %dma_start3A_139 = tpu.memref_slice %arg7[%add3A_137, %dma_start3A_138] : memref<125x80xi32, #tpu.memory_space<vmem>> -> memref<1x80xi32, #tpu.memory_space<vmem>>
      %dma_start3A_140 = tpu.memref_squeeze %dma_start3A_139 : memref<1x80xi32, #tpu.memory_space<vmem>> -> memref<80xi32, #tpu.memory_space<vmem>>
      %dma_start3A_141 = arith.constant 0 : i32
      %dma_start3A_142 = arith.constant 0 : i32
      %dma_start3A_143 = tpu.memref_slice %arg2[%dma_start3A_141, %dma_start3A_142] : memref<10000x128xf32, #tpu.memory_space<hbm>> -> memref<10000x128xf32, #tpu.memory_space<hbm>>
      tpu.enqueue_indirect_dma source(%dma_start3A_143 : memref<10000x128xf32, #tpu.memory_space<hbm>>) target(%arg11 : memref<80x128xf32, #tpu.memory_space<vmem>>) offsets(%dma_start3A_140 : memref<80xi32, #tpu.memory_space<vmem>>) semaphore(%arg15 : memref<!tpu.dma_semaphore, #tpu.memory_space<semaphore_mem>>)
      %mul3A_144 = arith.constant 80 : i32
      %mul3A_145 = arith.muli %add3A_137, %mul3A_144 : i32
      %add3A_146 = arith.addi %mul3A_2, %mul3A_145 : i32
      %dma_start3A_147 = tpu.memref_slice %arg4[%add3A_146] : memref<320000xi32, #tpu.memory_space<hbm>> -> memref<80xi32, #tpu.memory_space<hbm>>
      %dma_start3A_148 = tpu.memref_slice %arg4[%add3A_146] : memref<320000xi32, #tpu.memory_space<hbm>> -> memref<80xi32, #tpu.memory_space<hbm>>
      tpu.enqueue_dma source(%dma_start3A_148 : memref<80xi32, #tpu.memory_space<hbm>>) target(%arg8 : memref<80xi32, #tpu.memory_space<vmem>>) target_semaphore(%arg18 : memref<!tpu.dma_semaphore, #tpu.memory_space<semaphore_mem>>)
      %dma_start3A_149 = arith.constant 0 : i32
      %dma_start3A_150 = arith.constant 0 : i32
      %dma_start3A_151 = tpu.memref_slice %arg14[%dma_start3A_149, %dma_start3A_150] : memref<10000x128xf32, #tpu.memory_space<vmem_shared>> -> memref<10000x128xf32, #tpu.memory_space<vmem_shared>>
      tpu.enqueue_indirect_dma source(%arg12 : memref<80x128xf32, #tpu.memory_space<vmem>>) target(%dma_start3A_151 : memref<10000x128xf32, #tpu.memory_space<vmem_shared>>) offsets(%arg9 : memref<80xi32, #tpu.memory_space<vmem>>) semaphore(%arg22 : memref<!tpu.dma_semaphore, #tpu.memory_space<semaphore_mem>>) {add = true}
      %mul3A_152 = arith.constant 3 : i32
      %mul3A_153 = arith.muli %mul3A_152, %scan3A_83 : i32
      %add3A_154 = arith.constant 2 : i32
      %add3A_155 = arith.addi %mul3A_153, %add3A_154 : i32
      %dma_wait3A_156 = arith.constant 0 : i32
      %dma_wait3A_157 = arith.constant 0 : i32
      %dma_wait3A_158 = tpu.memref_slice %arg2[%dma_wait3A_156, %dma_wait3A_157] : memref<10000x128xf32, #tpu.memory_space<hbm>> -> memref<80x128xf32, #tpu.memory_space<hbm>>
      %dma_wait3A_159 = arith.constant 0 : i32
      %dma_wait3A_160 = arith.constant 0 : i32
      %dma_wait3A_161 = tpu.memref_slice %arg2[%dma_wait3A_159, %dma_wait3A_160] : memref<10000x128xf32, #tpu.memory_space<hbm>> -> memref<80x128xf32, #tpu.memory_space<hbm>>
      tpu.wait_dma2 semaphore(%arg17 : memref<!tpu.dma_semaphore, #tpu.memory_space<semaphore_mem>>) src(%dma_wait3A_161 : memref<80x128xf32, #tpu.memory_space<hbm>>) dst(%arg13 : memref<80x128xf32, #tpu.memory_space<vmem>>)
      %dma_wait3A_162 = arith.constant 0 : i32
      %dma_wait3A_163 = tpu.memref_slice %arg4[%dma_wait3A_162] : memref<320000xi32, #tpu.memory_space<hbm>> -> memref<80xi32, #tpu.memory_space<hbm>>
      %dma_wait3A_164 = arith.constant 0 : i32
      %dma_wait3A_165 = tpu.memref_slice %arg4[%dma_wait3A_164] : memref<320000xi32, #tpu.memory_space<hbm>> -> memref<80xi32, #tpu.memory_space<hbm>>
      tpu.wait_dma2 semaphore(%arg20 : memref<!tpu.dma_semaphore, #tpu.memory_space<semaphore_mem>>) src(%dma_wait3A_165 : memref<80xi32, #tpu.memory_space<hbm>>) dst(%arg10 : memref<80xi32, #tpu.memory_space<vmem>>)
      %dma_wait3A_166 = arith.constant 0 : i32
      %dma_wait3A_167 = arith.constant 0 : i32
      %dma_wait3A_168 = tpu.memref_slice %arg14[%dma_wait3A_166, %dma_wait3A_167] : memref<10000x128xf32, #tpu.memory_space<vmem_shared>> -> memref<10000x128xf32, #tpu.memory_space<vmem_shared>>
      tpu.wait_indirect_dma semaphore(%arg22 : memref<!tpu.dma_semaphore, #tpu.memory_space<semaphore_mem>>) src(%arg12 : memref<80x128xf32, #tpu.memory_space<vmem>>) dst(%dma_wait3A_168 : memref<10000x128xf32, #tpu.memory_space<vmem_shared>>)
      %add3A_169 = arith.constant 2 : i32
      %add3A_170 = arith.addi %add3A_155, %add3A_169 : i32
      %dma_start3A_171 = arith.constant 0 : i32
      %dma_start3A_172 = tpu.memref_slice %arg7[%add3A_170, %dma_start3A_171] : memref<125x80xi32, #tpu.memory_space<vmem>> -> memref<1x80xi32, #tpu.memory_space<vmem>>
      %dma_start3A_173 = tpu.memref_squeeze %dma_start3A_172 : memref<1x80xi32, #tpu.memory_space<vmem>> -> memref<80xi32, #tpu.memory_space<vmem>>
      %dma_start3A_174 = arith.constant 0 : i32
      %dma_start3A_175 = arith.constant 0 : i32
      %dma_start3A_176 = tpu.memref_slice %arg2[%dma_start3A_174, %dma_start3A_175] : memref<10000x128xf32, #tpu.memory_space<hbm>> -> memref<10000x128xf32, #tpu.memory_space<hbm>>
      tpu.enqueue_indirect_dma source(%dma_start3A_176 : memref<10000x128xf32, #tpu.memory_space<hbm>>) target(%arg12 : memref<80x128xf32, #tpu.memory_space<vmem>>) offsets(%dma_start3A_173 : memref<80xi32, #tpu.memory_space<vmem>>) semaphore(%arg16 : memref<!tpu.dma_semaphore, #tpu.memory_space<semaphore_mem>>)
      %mul3A_177 = arith.constant 80 : i32
      %mul3A_178 = arith.muli %add3A_170, %mul3A_177 : i32
      %add3A_179 = arith.addi %mul3A_2, %mul3A_178 : i32
      %dma_start3A_180 = tpu.memref_slice %arg4[%add3A_179] : memref<320000xi32, #tpu.memory_space<hbm>> -> memref<80xi32, #tpu.memory_space<hbm>>
      %dma_start3A_181 = tpu.memref_slice %arg4[%add3A_179] : memref<320000xi32, #tpu.memory_space<hbm>> -> memref<80xi32, #tpu.memory_space<hbm>>
      tpu.enqueue_dma source(%dma_start3A_181 : memref<80xi32, #tpu.memory_space<hbm>>) target(%arg9 : memref<80xi32, #tpu.memory_space<vmem>>) target_semaphore(%arg19 : memref<!tpu.dma_semaphore, #tpu.memory_space<semaphore_mem>>)
      %dma_start3A_182 = arith.constant 0 : i32
      %dma_start3A_183 = arith.constant 0 : i32
      %dma_start3A_184 = tpu.memref_slice %arg14[%dma_start3A_182, %dma_start3A_183] : memref<10000x128xf32, #tpu.memory_space<vmem_shared>> -> memref<10000x128xf32, #tpu.memory_space<vmem_shared>>
      tpu.enqueue_indirect_dma source(%arg13 : memref<80x128xf32, #tpu.memory_space<vmem>>) target(%dma_start3A_184 : memref<10000x128xf32, #tpu.memory_space<vmem_shared>>) offsets(%arg10 : memref<80xi32, #tpu.memory_space<vmem>>) semaphore(%arg23 : memref<!tpu.dma_semaphore, #tpu.memory_space<semaphore_mem>>) {add = true}
      %scan3A_185 = arith.constant 0 : i32
      scf.yield %scan3A_185 : i32
    }
    %scan3A_37 = arith.constant 41 : i32
    %dma_wait3A = arith.constant 0 : i32
    %dma_wait3A_38 = arith.constant 0 : i32
    %dma_wait3A_39 = tpu.memref_slice %arg2[%dma_wait3A, %dma_wait3A_38] : memref<10000x128xf32, #tpu.memory_space<hbm>> -> memref<80x128xf32, #tpu.memory_space<hbm>>
    %dma_wait3A_40 = arith.constant 0 : i32
    %dma_wait3A_41 = arith.constant 0 : i32
    %dma_wait3A_42 = tpu.memref_slice %arg2[%dma_wait3A_40, %dma_wait3A_41] : memref<10000x128xf32, #tpu.memory_space<hbm>> -> memref<80x128xf32, #tpu.memory_space<hbm>>
    tpu.wait_dma2 semaphore(%arg15 : memref<!tpu.dma_semaphore, #tpu.memory_space<semaphore_mem>>) src(%dma_wait3A_42 : memref<80x128xf32, #tpu.memory_space<hbm>>) dst(%arg11 : memref<80x128xf32, #tpu.memory_space<vmem>>)
    %dma_wait3A_43 = arith.constant 0 : i32
    %dma_wait3A_44 = tpu.memref_slice %arg4[%dma_wait3A_43] : memref<320000xi32, #tpu.memory_space<hbm>> -> memref<80xi32, #tpu.memory_space<hbm>>
    %dma_wait3A_45 = arith.constant 0 : i32
    %dma_wait3A_46 = tpu.memref_slice %arg4[%dma_wait3A_45] : memref<320000xi32, #tpu.memory_space<hbm>> -> memref<80xi32, #tpu.memory_space<hbm>>
    tpu.wait_dma2 semaphore(%arg18 : memref<!tpu.dma_semaphore, #tpu.memory_space<semaphore_mem>>) src(%dma_wait3A_46 : memref<80xi32, #tpu.memory_space<hbm>>) dst(%arg8 : memref<80xi32, #tpu.memory_space<vmem>>)
    %dma_wait3A_47 = arith.constant 0 : i32
    %dma_wait3A_48 = arith.constant 0 : i32
    %dma_wait3A_49 = tpu.memref_slice %arg14[%dma_wait3A_47, %dma_wait3A_48] : memref<10000x128xf32, #tpu.memory_space<vmem_shared>> -> memref<10000x128xf32, #tpu.memory_space<vmem_shared>>
    tpu.wait_indirect_dma semaphore(%arg23 : memref<!tpu.dma_semaphore, #tpu.memory_space<semaphore_mem>>) src(%arg13 : memref<80x128xf32, #tpu.memory_space<vmem>>) dst(%dma_wait3A_49 : memref<10000x128xf32, #tpu.memory_space<vmem_shared>>)
    %dma_start3A_50 = arith.constant 0 : i32
    %dma_start3A_51 = arith.constant 0 : i32
    %dma_start3A_52 = tpu.memref_slice %arg14[%dma_start3A_50, %dma_start3A_51] : memref<10000x128xf32, #tpu.memory_space<vmem_shared>> -> memref<10000x128xf32, #tpu.memory_space<vmem_shared>>
    tpu.enqueue_indirect_dma source(%arg11 : memref<80x128xf32, #tpu.memory_space<vmem>>) target(%dma_start3A_52 : memref<10000x128xf32, #tpu.memory_space<vmem_shared>>) offsets(%arg8 : memref<80xi32, #tpu.memory_space<vmem>>) semaphore(%arg21 : memref<!tpu.dma_semaphore, #tpu.memory_space<semaphore_mem>>) {add = true}
    %dma_wait3A_53 = arith.constant 0 : i32
    %dma_wait3A_54 = arith.constant 0 : i32
    %dma_wait3A_55 = tpu.memref_slice %arg2[%dma_wait3A_53, %dma_wait3A_54] : memref<10000x128xf32, #tpu.memory_space<hbm>> -> memref<80x128xf32, #tpu.memory_space<hbm>>
    %dma_wait3A_56 = arith.constant 0 : i32
    %dma_wait3A_57 = arith.constant 0 : i32
    %dma_wait3A_58 = tpu.memref_slice %arg2[%dma_wait3A_56, %dma_wait3A_57] : memref<10000x128xf32, #tpu.memory_space<hbm>> -> memref<80x128xf32, #tpu.memory_space<hbm>>
    tpu.wait_dma2 semaphore(%arg16 : memref<!tpu.dma_semaphore, #tpu.memory_space<semaphore_mem>>) src(%dma_wait3A_58 : memref<80x128xf32, #tpu.memory_space<hbm>>) dst(%arg12 : memref<80x128xf32, #tpu.memory_space<vmem>>)
    %dma_wait3A_59 = arith.constant 0 : i32
    %dma_wait3A_60 = tpu.memref_slice %arg4[%dma_wait3A_59] : memref<320000xi32, #tpu.memory_space<hbm>> -> memref<80xi32, #tpu.memory_space<hbm>>
    %dma_wait3A_61 = arith.constant 0 : i32
    %dma_wait3A_62 = tpu.memref_slice %arg4[%dma_wait3A_61] : memref<320000xi32, #tpu.memory_space<hbm>> -> memref<80xi32, #tpu.memory_space<hbm>>
    tpu.wait_dma2 semaphore(%arg19 : memref<!tpu.dma_semaphore, #tpu.memory_space<semaphore_mem>>) src(%dma_wait3A_62 : memref<80xi32, #tpu.memory_space<hbm>>) dst(%arg9 : memref<80xi32, #tpu.memory_space<vmem>>)
    %dma_wait3A_63 = arith.constant 0 : i32
    %dma_wait3A_64 = arith.constant 0 : i32
    %dma_wait3A_65 = tpu.memref_slice %arg14[%dma_wait3A_63, %dma_wait3A_64] : memref<10000x128xf32, #tpu.memory_space<vmem_shared>> -> memref<10000x128xf32, #tpu.memory_space<vmem_shared>>
    tpu.wait_indirect_dma semaphore(%arg21 : memref<!tpu.dma_semaphore, #tpu.memory_space<semaphore_mem>>) src(%arg11 : memref<80x128xf32, #tpu.memory_space<vmem>>) dst(%dma_wait3A_65 : memref<10000x128xf32, #tpu.memory_space<vmem_shared>>)
    %dma_start3A_66 = arith.constant 0 : i32
    %dma_start3A_67 = arith.constant 0 : i32
    %dma_start3A_68 = tpu.memref_slice %arg14[%dma_start3A_66, %dma_start3A_67] : memref<10000x128xf32, #tpu.memory_space<vmem_shared>> -> memref<10000x128xf32, #tpu.memory_space<vmem_shared>>
    tpu.enqueue_indirect_dma source(%arg12 : memref<80x128xf32, #tpu.memory_space<vmem>>) target(%dma_start3A_68 : memref<10000x128xf32, #tpu.memory_space<vmem_shared>>) offsets(%arg9 : memref<80xi32, #tpu.memory_space<vmem>>) semaphore(%arg22 : memref<!tpu.dma_semaphore, #tpu.memory_space<semaphore_mem>>) {add = true}
    %dma_wait3A_69 = arith.constant 0 : i32
    %dma_wait3A_70 = arith.constant 0 : i32
    %dma_wait3A_71 = tpu.memref_slice %arg14[%dma_wait3A_69, %dma_wait3A_70] : memref<10000x128xf32, #tpu.memory_space<vmem_shared>> -> memref<10000x128xf32, #tpu.memory_space<vmem_shared>>
    tpu.wait_indirect_dma semaphore(%arg22 : memref<!tpu.dma_semaphore, #tpu.memory_space<semaphore_mem>>) src(%arg12 : memref<80x128xf32, #tpu.memory_space<vmem>>) dst(%dma_wait3A_71 : memref<10000x128xf32, #tpu.memory_space<vmem_shared>>)
    %barrier3A_72 = arith.constant 0 : index
    tpu.barrier barrier_id(%barrier3A_72)
    %lt3A_73 = arith.constant 15 : i32
    %lt3A_74 = arith.cmpi slt, %arg1, %lt3A_73 : i32
    %convert_element_type3A_75 = arith.extui %lt3A_74 : i1 to i32
    %cond3A_76 = arith.constant 0 : i32
    %cond3A_77 = arith.cmpi ne, %convert_element_type3A_75, %cond3A_76 : i32
    scf.if %cond3A_77 {
      %mul3A_83 = arith.constant 10000 : i32
      %mul3A_84 = arith.muli %arg0, %mul3A_83 : i32
      %add3A_85 = arith.addi %mul3A_84, %mul3A_4 : i32
      "tpu.region"() ({
        %run_scoped3A = tpu.sem_alloc : memref<!tpu.dma_semaphore, #tpu.memory_space<semaphore_mem>>
        %dma_start3A_86 = arith.constant 0 : i32
        %dma_start3A_87 = tpu.memref_slice %arg6[%add3A_85, %dma_start3A_86] : memref<20000x128xf32, #tpu.memory_space<hbm>> -> memref<624x128xf32, #tpu.memory_space<hbm>>
        %dma_start3A_88 = arith.constant 0 : i32
        %dma_start3A_89 = tpu.memref_slice %arg14[%mul3A_4, %dma_start3A_88] : memref<10000x128xf32, #tpu.memory_space<vmem_shared>> -> memref<624x128xf32, #tpu.memory_space<vmem_shared>>
        tpu.enqueue_dma source(%dma_start3A_89 : memref<624x128xf32, #tpu.memory_space<vmem_shared>>) target(%dma_start3A_87 : memref<624x128xf32, #tpu.memory_space<hbm>>) target_semaphore(%run_scoped3A : memref<!tpu.dma_semaphore, #tpu.memory_space<semaphore_mem>>)
        %dma_wait3A_90 = arith.constant 0 : i32
        %dma_wait3A_91 = tpu.memref_slice %arg6[%add3A_85, %dma_wait3A_90] : memref<20000x128xf32, #tpu.memory_space<hbm>> -> memref<624x128xf32, #tpu.memory_space<hbm>>
        %dma_wait3A_92 = arith.constant 0 : i32
        %dma_wait3A_93 = tpu.memref_slice %arg14[%mul3A_4, %dma_wait3A_92] : memref<10000x128xf32, #tpu.memory_space<vmem_shared>> -> memref<624x128xf32, #tpu.memory_space<vmem_shared>>
        tpu.wait_dma2 semaphore(%run_scoped3A : memref<!tpu.dma_semaphore, #tpu.memory_space<semaphore_mem>>) src(%dma_wait3A_93 : memref<624x128xf32, #tpu.memory_space<vmem_shared>>) dst(%dma_wait3A_91 : memref<624x128xf32, #tpu.memory_space<hbm>>)
        tpu.yield
      }) : () -> ()
    } else {
    }
    %eq3A_78 = arith.constant 15 : i32
    %eq3A_79 = arith.cmpi eq, %arg1, %eq3A_78 : i32
    %convert_element_type3A_80 = arith.extui %eq3A_79 : i1 to i32
    %cond3A_81 = arith.constant 0 : i32
    %cond3A_82 = arith.cmpi ne, %convert_element_type3A_80, %cond3A_81 : i32
    scf.if %cond3A_82 {
      %mul3A_83 = arith.constant 10000 : i32
      %mul3A_84 = arith.muli %arg0, %mul3A_83 : i32
      %add3A_85 = arith.addi %mul3A_84, %mul3A_4 : i32
      "tpu.region"() ({
        %run_scoped3A = tpu.sem_alloc : memref<!tpu.dma_semaphore, #tpu.memory_space<semaphore_mem>>
        %dma_start3A_86 = arith.constant 0 : i32
        %dma_start3A_87 = tpu.memref_slice %arg6[%add3A_85, %dma_start3A_86] : memref<20000x128xf32, #tpu.memory_space<hbm>> -> memref<640x128xf32, #tpu.memory_space<hbm>>
        %dma_start3A_88 = arith.constant 0 : i32
        %dma_start3A_89 = tpu.memref_slice %arg14[%mul3A_4, %dma_start3A_88] : memref<10000x128xf32, #tpu.memory_space<vmem_shared>> -> memref<640x128xf32, #tpu.memory_space<vmem_shared>>
        tpu.enqueue_dma source(%dma_start3A_89 : memref<640x128xf32, #tpu.memory_space<vmem_shared>>) target(%dma_start3A_87 : memref<640x128xf32, #tpu.memory_space<hbm>>) target_semaphore(%run_scoped3A : memref<!tpu.dma_semaphore, #tpu.memory_space<semaphore_mem>>)
        %dma_wait3A_90 = arith.constant 0 : i32
        %dma_wait3A_91 = tpu.memref_slice %arg6[%add3A_85, %dma_wait3A_90] : memref<20000x128xf32, #tpu.memory_space<hbm>> -> memref<640x128xf32, #tpu.memory_space<hbm>>
        %dma_wait3A_92 = arith.constant 0 : i32
        %dma_wait3A_93 = tpu.memref_slice %arg14[%mul3A_4, %dma_wait3A_92] : memref<10000x128xf32, #tpu.memory_space<vmem_shared>> -> memref<640x128xf32, #tpu.memory_space<vmem_shared>>
        tpu.wait_dma2 semaphore(%run_scoped3A : memref<!tpu.dma_semaphore, #tpu.memory_space<semaphore_mem>>) src(%dma_wait3A_93 : memref<640x128xf32, #tpu.memory_space<vmem_shared>>) dst(%dma_wait3A_91 : memref<640x128xf32, #tpu.memory_space<hbm>>)
        tpu.yield
      }) : () -> ()
    } else {
    }
    return
  }
}

module attributes {stable_mosaic.version = 14 : i64} {
  func.func @_kemb_body(%arg0: i32, %arg1: memref<400x128xf32, #tpu.memory_space<vmem>>, %arg2: memref<128x128xf32, #tpu.memory_space<vmem>>, %arg3: memref<1x128xf32, #tpu.memory_space<vmem>>, %arg4: memref<128x128xf32, #tpu.memory_space<vmem>>, %arg5: memref<400x128xf32, #tpu.memory_space<vmem>>, %arg6: memref<400x128xf32, #tpu.memory_space<vmem>>) attributes {dimension_semantics = [#tpu.dimension_semantics<arbitrary>], iteration_bounds = array<i64: 25>, scalar_prefetch = 0 : i64, scratch_operands = 0 : i64, tpu.core_type = #tpu.core_type<tc>, window_params = [{transform_indices = @transform_0, window_bounds = array<i64: 400, 128>}, {pipeline_mode = #tpu.pipeline_mode<synchronous>, transform_indices = @transform_1, window_bounds = array<i64: 128, 128>}, {pipeline_mode = #tpu.pipeline_mode<synchronous>, transform_indices = @transform_2, window_bounds = array<i64: 1, 128>}, {pipeline_mode = #tpu.pipeline_mode<synchronous>, transform_indices = @transform_3, window_bounds = array<i64: 128, 128>}, {transform_indices = @transform_4, window_bounds = array<i64: 400, 128>}, {transform_indices = @transform_5, window_bounds = array<i64: 400, 128>}]} {
    %get3A = arith.constant 0 : index
    %get3A_0 = arith.constant 0 : index
    %get3A_1 = vector.load %arg1[%get3A, %get3A_0] : memref<400x128xf32, #tpu.memory_space<vmem>>, vector<400x128xf32>
    %get3A_2 = arith.constant 0 : index
    %get3A_3 = arith.constant 0 : index
    %get3A_4 = vector.load %arg2[%get3A_2, %get3A_3] : memref<128x128xf32, #tpu.memory_space<vmem>>, vector<128x128xf32>
    %dot_general3A = arith.constant dense<0.000000e+00> : vector<400x128xf32>
    %dot_general3A_5 = tpu.matmul %get3A_1, %get3A_4, %dot_general3A {dimension_numbers = #tpu.dot_dimension_numbers<[1], [0], [0], [1], [0, 0, 1, 1], [], []>, transpose_lhs_hint = false} : vector<400x128xf32>, vector<128x128xf32>, vector<400x128xf32> -> vector<400x128xf32>
    %get3A_6 = arith.constant 0 : index
    %get3A_7 = arith.constant 0 : index
    %get3A_8 = vector.load %arg3[%get3A_6, %get3A_7] : memref<1x128xf32, #tpu.memory_space<vmem>>, vector<1x128xf32>
    %add3A = vector.broadcast %get3A_8 : vector<1x128xf32> to vector<400x128xf32>
    %add3A_9 = arith.addf %dot_general3A_5, %add3A : vector<400x128xf32>
    %swap3A = arith.constant 0 : index
    %swap3A_10 = arith.constant 0 : index
    %swap3A_11 = vector.load %arg5[%swap3A, %swap3A_10] : memref<400x128xf32, #tpu.memory_space<vmem>>, vector<400x128xf32>
    tpu.vector_store %arg5[%swap3A, %swap3A_10], %add3A_9 {strides = array<i32>} : memref<400x128xf32, #tpu.memory_space<vmem>>, vector<400x128xf32>,
    %get3A_12 = arith.constant 0 : index
    %get3A_13 = arith.constant 0 : index
    %get3A_14 = vector.load %arg4[%get3A_12, %get3A_13] : memref<128x128xf32, #tpu.memory_space<vmem>>, vector<128x128xf32>
    %dot_general3A_15 = arith.constant dense<0.000000e+00> : vector<400x128xf32>
    %dot_general3A_16 = tpu.matmul %add3A_9, %get3A_14, %dot_general3A_15 {dimension_numbers = #tpu.dot_dimension_numbers<[1], [0], [0], [1], [0, 0, 1, 1], [], []>, transpose_lhs_hint = false} : vector<400x128xf32>, vector<128x128xf32>, vector<400x128xf32> -> vector<400x128xf32>
    %swap3A_17 = arith.constant 0 : index
    %swap3A_18 = arith.constant 0 : index
    %swap3A_19 = vector.load %arg6[%swap3A_17, %swap3A_18] : memref<400x128xf32, #tpu.memory_space<vmem>>, vector<400x128xf32>
    tpu.vector_store %arg6[%swap3A_17, %swap3A_18], %dot_general3A_16 {strides = array<i32>} : memref<400x128xf32, #tpu.memory_space<vmem>>, vector<400x128xf32>,
    return
  }
  func.func @transform_0(%arg0: i32) -> (i32, i32) {
    %c0_i32 = arith.constant 0 : i32
    %c0_i32_0 = arith.constant 0 : i32
    return %arg0, %c0_i32 : i32, i32
  }
  func.func @transform_1(%arg0: i32) -> (i32, i32) {
    %c0_i32 = arith.constant 0 : i32
    %c0_i32_0 = arith.constant 0 : i32
    %c0_i32_1 = arith.constant 0 : i32
    return %c0_i32, %c0_i32_0 : i32, i32
  }
  func.func @transform_2(%arg0: i32) -> (i32, i32) {
    %c0_i32 = arith.constant 0 : i32
    %c0_i32_0 = arith.constant 0 : i32
    %c0_i32_1 = arith.constant 0 : i32
    return %c0_i32, %c0_i32_0 : i32, i32
  }
  func.func @transform_3(%arg0: i32) -> (i32, i32) {
    %c0_i32 = arith.constant 0 : i32
    %c0_i32_0 = arith.constant 0 : i32
    %c0_i32_1 = arith.constant 0 : i32
    return %c0_i32, %c0_i32_0 : i32, i32
  }
  func.func @transform_4(%arg0: i32) -> (i32, i32) {
    %c0_i32 = arith.constant 0 : i32
    %c0_i32_0 = arith.constant 0 : i32
    return %arg0, %c0_i32 : i32, i32
  }
  func.func @transform_5(%arg0: i32) -> (i32, i32) {
    %c0_i32 = arith.constant 0 : i32
    %c0_i32_0 = arith.constant 0 : i32
    return %arg0, %c0_i32 : i32, i32
  }
}

module attributes {stable_mosaic.version = 14 : i64} {
  func.func @_k0b_body(%arg0: i32, %arg1: memref<400x128xf32, #tpu.memory_space<vmem>>, %arg2: memref<400x128xf32, #tpu.memory_space<vmem>>, %arg3: memref<400x128xf32, #tpu.memory_space<vmem>>, %arg4: memref<400x128xf32, #tpu.memory_space<vmem>>, %arg5: memref<400x1xf32, #tpu.memory_space<vmem>>) attributes {dimension_semantics = [#tpu.dimension_semantics<arbitrary>], iteration_bounds = array<i64: 25>, scalar_prefetch = 0 : i64, scratch_operands = 0 : i64, tpu.core_type = #tpu.core_type<tc>, window_params = [{transform_indices = @transform_0, window_bounds = array<i64: 400, 128>}, {transform_indices = @transform_1, window_bounds = array<i64: 400, 128>}, {transform_indices = @transform_2, window_bounds = array<i64: 400, 128>}, {transform_indices = @transform_3, window_bounds = array<i64: 400, 128>}, {transform_indices = @transform_4, window_bounds = array<i64: 400, 1>}]} {
    %get3A = arith.constant 0 : index
    %get3A_0 = arith.constant 0 : index
    %get3A_1 = vector.load %arg2[%get3A, %get3A_0] : memref<400x128xf32, #tpu.memory_space<vmem>>, vector<400x1xf32>
    %get3A_2 = arith.constant 0 : index
    %get3A_3 = arith.constant 0 : index
    %get3A_4 = vector.load %arg3[%get3A_2, %get3A_3] : memref<400x128xf32, #tpu.memory_space<vmem>>, vector<400x1xf32>
    %add3A = arith.addf %get3A_1, %get3A_4 : vector<400x1xf32>
    %add3A_5 = arith.constant 1.000000e+00 : f32
    %add3A_6 = vector.broadcast %add3A_5 : f32 to vector<400x1xf32>
    %add3A_7 = arith.addf %add3A, %add3A_6 : vector<400x1xf32>
    %rsqrt3A = math.rsqrt %add3A_7 : vector<400x1xf32>
    %get3A_8 = arith.constant 0 : index
    %get3A_9 = arith.constant 0 : index
    %get3A_10 = vector.load %arg1[%get3A_8, %get3A_9] : memref<400x128xf32, #tpu.memory_space<vmem>>, vector<400x128xf32>
    %mul3A = vector.broadcast %rsqrt3A : vector<400x1xf32> to vector<400x128xf32>
    %mul3A_11 = arith.mulf %mul3A, %get3A_10 : vector<400x128xf32>
    %swap3A = arith.constant 0 : index
    %swap3A_12 = arith.constant 0 : index
    %swap3A_13 = vector.load %arg4[%swap3A, %swap3A_12] : memref<400x128xf32, #tpu.memory_space<vmem>>, vector<400x128xf32>
    tpu.vector_store %arg4[%swap3A, %swap3A_12], %mul3A_11 {strides = array<i32>} : memref<400x128xf32, #tpu.memory_space<vmem>>, vector<400x128xf32>,
    %swap3A_14 = arith.constant 0 : index
    %swap3A_15 = arith.constant 0 : index
    %swap3A_16 = vector.load %arg5[%swap3A_14, %swap3A_15] : memref<400x1xf32, #tpu.memory_space<vmem>>, vector<400x1xf32>
    tpu.vector_store %arg5[%swap3A_14, %swap3A_15], %rsqrt3A {strides = array<i32>} : memref<400x1xf32, #tpu.memory_space<vmem>>, vector<400x1xf32>,
    return
  }
  func.func @transform_0(%arg0: i32) -> (i32, i32) {
    %c0_i32 = arith.constant 0 : i32
    %c0_i32_0 = arith.constant 0 : i32
    return %arg0, %c0_i32 : i32, i32
  }
  func.func @transform_1(%arg0: i32) -> (i32, i32) {
    %c0_i32 = arith.constant 0 : i32
    %c0_i32_0 = arith.constant 0 : i32
    return %arg0, %c0_i32 : i32, i32
  }
  func.func @transform_2(%arg0: i32) -> (i32, i32) {
    %add3A = arith.constant 25 : i32
    %add3A_0 = arith.addi %arg0, %add3A : i32
    %c0_i32 = arith.constant 0 : i32
    %c0_i32_1 = arith.constant 0 : i32
    return %add3A_0, %c0_i32 : i32, i32
  }
  func.func @transform_3(%arg0: i32) -> (i32, i32) {
    %c0_i32 = arith.constant 0 : i32
    %c0_i32_0 = arith.constant 0 : i32
    return %arg0, %c0_i32 : i32, i32
  }
  func.func @transform_4(%arg0: i32) -> (i32, i32) {
    %c0_i32 = arith.constant 0 : i32
    %c0_i32_0 = arith.constant 0 : i32
    return %arg0, %c0_i32 : i32, i32
  }
}

module attributes {stable_mosaic.version = 14 : i64} {
  func.func @_kmid_body(%arg0: i32, %arg1: memref<400x128xf32, #tpu.memory_space<vmem>>, %arg2: memref<400x128xf32, #tpu.memory_space<vmem>>, %arg3: memref<400x128xf32, #tpu.memory_space<vmem>>, %arg4: memref<400x1xf32, #tpu.memory_space<vmem>>, %arg5: memref<128x128xf32, #tpu.memory_space<vmem>>, %arg6: memref<400x128xf32, #tpu.memory_space<vmem>>, %arg7: memref<400x128xf32, #tpu.memory_space<vmem>>) attributes {dimension_semantics = [#tpu.dimension_semantics<arbitrary>], iteration_bounds = array<i64: 25>, scalar_prefetch = 0 : i64, scratch_operands = 0 : i64, tpu.core_type = #tpu.core_type<tc>, window_params = [{transform_indices = @transform_0, window_bounds = array<i64: 400, 128>}, {transform_indices = @transform_1, window_bounds = array<i64: 400, 128>}, {transform_indices = @transform_2, window_bounds = array<i64: 400, 128>}, {transform_indices = @transform_3, window_bounds = array<i64: 400, 1>}, {pipeline_mode = #tpu.pipeline_mode<synchronous>, transform_indices = @transform_4, window_bounds = array<i64: 128, 128>}, {transform_indices = @transform_5, window_bounds = array<i64: 400, 128>}, {transform_indices = @transform_6, window_bounds = array<i64: 400, 128>}]} {
    %get3A = arith.constant 0 : index
    %get3A_0 = arith.constant 0 : index
    %get3A_1 = vector.load %arg4[%get3A, %get3A_0] : memref<400x1xf32, #tpu.memory_space<vmem>>, vector<400x1xf32>
    %get3A_2 = arith.constant 0 : index
    %get3A_3 = arith.constant 0 : index
    %get3A_4 = vector.load %arg1[%get3A_2, %get3A_3] : memref<400x128xf32, #tpu.memory_space<vmem>>, vector<400x128xf32>
    %get3A_5 = arith.constant 0 : index
    %get3A_6 = arith.constant 0 : index
    %get3A_7 = vector.load %arg2[%get3A_5, %get3A_6] : memref<400x128xf32, #tpu.memory_space<vmem>>, vector<400x128xf32>
    %add3A = arith.addf %get3A_4, %get3A_7 : vector<400x128xf32>
    %mul3A = vector.broadcast %get3A_1 : vector<400x1xf32> to vector<400x128xf32>
    %mul3A_8 = arith.mulf %mul3A, %add3A : vector<400x128xf32>
    %get3A_9 = arith.constant 0 : index
    %get3A_10 = arith.constant 0 : index
    %get3A_11 = vector.load %arg3[%get3A_9, %get3A_10] : memref<400x128xf32, #tpu.memory_space<vmem>>, vector<400x128xf32>
    %add3A_12 = arith.addf %mul3A_8, %get3A_11 : vector<400x128xf32>
    %max3A = arith.constant 0.000000e+00 : f32
    %max3A_13 = vector.broadcast %max3A : f32 to vector<400x128xf32>
    %max3A_14 = arith.maximumf %add3A_12, %max3A_13 : vector<400x128xf32>
    %get3A_15 = arith.constant 0 : index
    %get3A_16 = arith.constant 0 : index
    %get3A_17 = vector.load %arg5[%get3A_15, %get3A_16] : memref<128x128xf32, #tpu.memory_space<vmem>>, vector<128x128xf32>
    %dot_general3A = arith.constant dense<0.000000e+00> : vector<400x128xf32>
    %dot_general3A_18 = tpu.matmul %max3A_14, %get3A_17, %dot_general3A {dimension_numbers = #tpu.dot_dimension_numbers<[1], [0], [0], [1], [0, 0, 1, 1], [], []>, transpose_lhs_hint = false} : vector<400x128xf32>, vector<128x128xf32>, vector<400x128xf32> -> vector<400x128xf32>
    %swap3A = arith.constant 0 : index
    %swap3A_19 = arith.constant 0 : index
    %swap3A_20 = vector.load %arg6[%swap3A, %swap3A_19] : memref<400x128xf32, #tpu.memory_space<vmem>>, vector<400x128xf32>
    tpu.vector_store %arg6[%swap3A, %swap3A_19], %max3A_14 {strides = array<i32>} : memref<400x128xf32, #tpu.memory_space<vmem>>, vector<400x128xf32>,
    %mul3A_21 = vector.broadcast %get3A_1 : vector<400x1xf32> to vector<400x128xf32>
    %mul3A_22 = arith.mulf %mul3A_21, %dot_general3A_18 : vector<400x128xf32>
    %swap3A_23 = arith.constant 0 : index
    %swap3A_24 = arith.constant 0 : index
    %swap3A_25 = vector.load %arg7[%swap3A_23, %swap3A_24] : memref<400x128xf32, #tpu.memory_space<vmem>>, vector<400x128xf32>
    tpu.vector_store %arg7[%swap3A_23, %swap3A_24], %mul3A_22 {strides = array<i32>} : memref<400x128xf32, #tpu.memory_space<vmem>>, vector<400x128xf32>,
    return
  }
  func.func @transform_0(%arg0: i32) -> (i32, i32) {
    %c0_i32 = arith.constant 0 : i32
    %c0_i32_0 = arith.constant 0 : i32
    return %arg0, %c0_i32 : i32, i32
  }
  func.func @transform_1(%arg0: i32) -> (i32, i32) {
    %add3A = arith.constant 25 : i32
    %add3A_0 = arith.addi %arg0, %add3A : i32
    %c0_i32 = arith.constant 0 : i32
    %c0_i32_1 = arith.constant 0 : i32
    return %add3A_0, %c0_i32 : i32, i32
  }
  func.func @transform_2(%arg0: i32) -> (i32, i32) {
    %c0_i32 = arith.constant 0 : i32
    %c0_i32_0 = arith.constant 0 : i32
    return %arg0, %c0_i32 : i32, i32
  }
  func.func @transform_3(%arg0: i32) -> (i32, i32) {
    %c0_i32 = arith.constant 0 : i32
    %c0_i32_0 = arith.constant 0 : i32
    return %arg0, %c0_i32 : i32, i32
  }
  func.func @transform_4(%arg0: i32) -> (i32, i32) {
    %c0_i32 = arith.constant 0 : i32
    %c0_i32_0 = arith.constant 0 : i32
    %c0_i32_1 = arith.constant 0 : i32
    return %c0_i32, %c0_i32_0 : i32, i32
  }
  func.func @transform_5(%arg0: i32) -> (i32, i32) {
    %c0_i32 = arith.constant 0 : i32
    %c0_i32_0 = arith.constant 0 : i32
    return %arg0, %c0_i32 : i32, i32
  }
  func.func @transform_6(%arg0: i32) -> (i32, i32) {
    %c0_i32 = arith.constant 0 : i32
    %c0_i32_0 = arith.constant 0 : i32
    return %arg0, %c0_i32 : i32, i32
  }
}

module attributes {stable_mosaic.version = 14 : i64} {
  func.func @_kc_body(%arg0: i32, %arg1: memref<400x128xf32, #tpu.memory_space<vmem>>, %arg2: memref<400x1xf32, #tpu.memory_space<vmem>>, %arg3: memref<128x128xf32, #tpu.memory_space<vmem>>, %arg4: memref<128x128xf32, #tpu.memory_space<vmem>>, %arg5: memref<1x128xf32, #tpu.memory_space<vmem>>, %arg6: memref<400x128xf32, #tpu.memory_space<vmem>>) attributes {dimension_semantics = [#tpu.dimension_semantics<arbitrary>], iteration_bounds = array<i64: 25>, scalar_prefetch = 0 : i64, scratch_operands = 0 : i64, tpu.core_type = #tpu.core_type<tc>, window_params = [{transform_indices = @transform_0, window_bounds = array<i64: 400, 128>}, {transform_indices = @transform_1, window_bounds = array<i64: 400, 1>}, {pipeline_mode = #tpu.pipeline_mode<synchronous>, transform_indices = @transform_2, window_bounds = array<i64: 128, 128>}, {pipeline_mode = #tpu.pipeline_mode<synchronous>, transform_indices = @transform_3, window_bounds = array<i64: 128, 128>}, {pipeline_mode = #tpu.pipeline_mode<synchronous>, transform_indices = @transform_4, window_bounds = array<i64: 1, 128>}, {transform_indices = @transform_5, window_bounds = array<i64: 400, 128>}]} {
    %get3A = arith.constant 0 : index
    %get3A_0 = arith.constant 0 : index
    %get3A_1 = vector.load %arg1[%get3A, %get3A_0] : memref<400x128xf32, #tpu.memory_space<vmem>>, vector<400x128xf32>
    %get3A_2 = arith.constant 0 : index
    %get3A_3 = arith.constant 0 : index
    %get3A_4 = vector.load %arg2[%get3A_2, %get3A_3] : memref<400x1xf32, #tpu.memory_space<vmem>>, vector<400x1xf32>
    %get3A_5 = arith.constant 0 : index
    %get3A_6 = arith.constant 0 : index
    %get3A_7 = vector.load %arg3[%get3A_5, %get3A_6] : memref<128x128xf32, #tpu.memory_space<vmem>>, vector<128x128xf32>
    %dot_general3A = arith.constant dense<0.000000e+00> : vector<400x128xf32>
    %dot_general3A_8 = tpu.matmul %get3A_1, %get3A_7, %dot_general3A {dimension_numbers = #tpu.dot_dimension_numbers<[1], [0], [0], [1], [0, 0, 1, 1], [], []>, transpose_lhs_hint = false} : vector<400x128xf32>, vector<128x128xf32>, vector<400x128xf32> -> vector<400x128xf32>
    %get3A_9 = arith.constant 0 : index
    %get3A_10 = arith.constant 0 : index
    %get3A_11 = vector.load %arg4[%get3A_9, %get3A_10] : memref<128x128xf32, #tpu.memory_space<vmem>>, vector<128x128xf32>
    %dot_general3A_12 = arith.constant dense<0.000000e+00> : vector<400x128xf32>
    %dot_general3A_13 = tpu.matmul %get3A_1, %get3A_11, %dot_general3A_12 {dimension_numbers = #tpu.dot_dimension_numbers<[1], [0], [0], [1], [0, 0, 1, 1], [], []>, transpose_lhs_hint = false} : vector<400x128xf32>, vector<128x128xf32>, vector<400x128xf32> -> vector<400x128xf32>
    %mul3A = arith.mulf %get3A_4, %get3A_4 : vector<400x1xf32>
    %mul3A_14 = vector.broadcast %mul3A : vector<400x1xf32> to vector<400x128xf32>
    %mul3A_15 = arith.mulf %mul3A_14, %dot_general3A_8 : vector<400x128xf32>
    %sub3A = arith.subf %mul3A_15, %dot_general3A_8 : vector<400x128xf32>
    %add3A = arith.addf %sub3A, %dot_general3A_13 : vector<400x128xf32>
    %get3A_16 = arith.constant 0 : index
    %get3A_17 = arith.constant 0 : index
    %get3A_18 = vector.load %arg5[%get3A_16, %get3A_17] : memref<1x128xf32, #tpu.memory_space<vmem>>, vector<1x128xf32>
    %add3A_19 = vector.broadcast %get3A_18 : vector<1x128xf32> to vector<400x128xf32>
    %add3A_20 = arith.addf %add3A, %add3A_19 : vector<400x128xf32>
    %swap3A = arith.constant 0 : index
    %swap3A_21 = arith.constant 0 : index
    %swap3A_22 = vector.load %arg6[%swap3A, %swap3A_21] : memref<400x128xf32, #tpu.memory_space<vmem>>, vector<400x128xf32>
    tpu.vector_store %arg6[%swap3A, %swap3A_21], %add3A_20 {strides = array<i32>} : memref<400x128xf32, #tpu.memory_space<vmem>>, vector<400x128xf32>,
    return
  }
  func.func @transform_0(%arg0: i32) -> (i32, i32) {
    %c0_i32 = arith.constant 0 : i32
    %c0_i32_0 = arith.constant 0 : i32
    return %arg0, %c0_i32 : i32, i32
  }
  func.func @transform_1(%arg0: i32) -> (i32, i32) {
    %c0_i32 = arith.constant 0 : i32
    %c0_i32_0 = arith.constant 0 : i32
    return %arg0, %c0_i32 : i32, i32
  }
  func.func @transform_2(%arg0: i32) -> (i32, i32) {
    %c0_i32 = arith.constant 0 : i32
    %c0_i32_0 = arith.constant 0 : i32
    %c0_i32_1 = arith.constant 0 : i32
    return %c0_i32, %c0_i32_0 : i32, i32
  }
  func.func @transform_3(%arg0: i32) -> (i32, i32) {
    %c0_i32 = arith.constant 0 : i32
    %c0_i32_0 = arith.constant 0 : i32
    %c0_i32_1 = arith.constant 0 : i32
    return %c0_i32, %c0_i32_0 : i32, i32
  }
  func.func @transform_4(%arg0: i32) -> (i32, i32) {
    %c0_i32 = arith.constant 0 : i32
    %c0_i32_0 = arith.constant 0 : i32
    %c0_i32_1 = arith.constant 0 : i32
    return %c0_i32, %c0_i32_0 : i32, i32
  }
  func.func @transform_5(%arg0: i32) -> (i32, i32) {
    %c0_i32 = arith.constant 0 : i32
    %c0_i32_0 = arith.constant 0 : i32
    return %arg0, %c0_i32 : i32, i32
  }
}

module attributes {stable_mosaic.version = 14 : i64} {
  func.func @_k3_body(%arg0: i32, %arg1: memref<400x128xf32, #tpu.memory_space<vmem>>, %arg2: memref<400x128xf32, #tpu.memory_space<vmem>>, %arg3: memref<400x128xf32, #tpu.memory_space<vmem>>, %arg4: memref<400x1xf32, #tpu.memory_space<vmem>>, %arg5: memref<400x1xi32, #tpu.memory_space<vmem>>, %arg6: memref<128x1xf32, #tpu.memory_space<vmem>>, %arg7: memref<1x1xf32, #tpu.memory_space<vmem>>, %arg8: memref<1x64xf32, #tpu.memory_space<vmem>>) attributes {dimension_semantics = [#tpu.dimension_semantics<arbitrary>], iteration_bounds = array<i64: 25>, scalar_prefetch = 0 : i64, scratch_operands = 0 : i64, tpu.core_type = #tpu.core_type<tc>, window_params = [{transform_indices = @transform_0, window_bounds = array<i64: 400, 128>}, {transform_indices = @transform_1, window_bounds = array<i64: 400, 128>}, {transform_indices = @transform_2, window_bounds = array<i64: 400, 128>}, {transform_indices = @transform_3, window_bounds = array<i64: 400, 1>}, {transform_indices = @transform_4, window_bounds = array<i64: 400, 1>}, {pipeline_mode = #tpu.pipeline_mode<synchronous>, transform_indices = @transform_5, window_bounds = array<i64: 128, 1>}, {pipeline_mode = #tpu.pipeline_mode<synchronous>, transform_indices = @transform_6, window_bounds = array<i64: 1, 1>}, {pipeline_mode = #tpu.pipeline_mode<synchronous>, transform_indices = @transform_7, window_bounds = array<i64: 1, 64>}]} {
    %get3A = arith.constant 0 : index
    %get3A_0 = arith.constant 0 : index
    %get3A_1 = vector.load %arg4[%get3A, %get3A_0] : memref<400x1xf32, #tpu.memory_space<vmem>>, vector<400x1xf32>
    %get3A_2 = arith.constant 0 : index
    %get3A_3 = arith.constant 0 : index
    %get3A_4 = vector.load %arg1[%get3A_2, %get3A_3] : memref<400x128xf32, #tpu.memory_space<vmem>>, vector<400x128xf32>
    %get3A_5 = arith.constant 0 : index
    %get3A_6 = arith.constant 0 : index
    %get3A_7 = vector.load %arg2[%get3A_5, %get3A_6] : memref<400x128xf32, #tpu.memory_space<vmem>>, vector<400x128xf32>
    %add3A = arith.addf %get3A_4, %get3A_7 : vector<400x128xf32>
    %mul3A = vector.broadcast %get3A_1 : vector<400x1xf32> to vector<400x128xf32>
    %mul3A_8 = arith.mulf %mul3A, %add3A : vector<400x128xf32>
    %get3A_9 = arith.constant 0 : index
    %get3A_10 = arith.constant 0 : index
    %get3A_11 = vector.load %arg3[%get3A_9, %get3A_10] : memref<400x128xf32, #tpu.memory_space<vmem>>, vector<400x128xf32>
    %add3A_12 = arith.addf %mul3A_8, %get3A_11 : vector<400x128xf32>
    %max3A = arith.constant 0.000000e+00 : f32
    %max3A_13 = vector.broadcast %max3A : f32 to vector<400x128xf32>
    %max3A_14 = arith.maximumf %add3A_12, %max3A_13 : vector<400x128xf32>
    %get3A_15 = arith.constant 0 : index
    %get3A_16 = arith.constant 0 : index
    %get3A_17 = vector.load %arg6[%get3A_15, %get3A_16] : memref<128x1xf32, #tpu.memory_space<vmem>>, vector<128x1xf32>
    %dot_general3A = arith.constant dense<0.000000e+00> : vector<400x1xf32>
    %dot_general3A_18 = tpu.matmul %max3A_14, %get3A_17, %dot_general3A {dimension_numbers = #tpu.dot_dimension_numbers<[1], [0], [0], [1], [0, 0, 1, 1], [], []>, transpose_lhs_hint = false} : vector<400x128xf32>, vector<128x1xf32>, vector<400x1xf32> -> vector<400x1xf32>
    %get3A_19 = arith.constant 0 : index
    %get3A_20 = arith.constant 0 : index
    %get3A_21 = vector.load %arg7[%get3A_19, %get3A_20] : memref<1x1xf32, #tpu.memory_space<vmem>>, vector<1x1xf32>
    %add3A_22 = vector.broadcast %get3A_21 : vector<1x1xf32> to vector<400x1xf32>
    %add3A_23 = arith.addf %dot_general3A_18, %add3A_22 : vector<400x1xf32>
    %iota3A = tpu.iota {dimensions = array<i32: 1>} : vector<400x64xi32>
    %get3A_24 = arith.constant 0 : index
    %get3A_25 = arith.constant 0 : index
    %get3A_26 = vector.load %arg5[%get3A_24, %get3A_25] : memref<400x1xi32, #tpu.memory_space<vmem>>, vector<400x1xi32>
    %eq3A = vector.broadcast %get3A_26 : vector<400x1xi32> to vector<400x64xi32>
    %eq3A_27 = arith.cmpi eq, %eq3A, %iota3A : vector<400x64xi32>
    %convert_element_type3A = arith.extui %eq3A_27 : vector<400x64xi1> to vector<400x64xi32>
    %convert_element_type3A_28 = arith.sitofp %convert_element_type3A : vector<400x64xi32> to vector<400x64xf32>
    %mul3A_29 = vector.broadcast %add3A_23 : vector<400x1xf32> to vector<400x64xf32>
    %mul3A_30 = arith.mulf %convert_element_type3A_28, %mul3A_29 : vector<400x64xf32>
    %reduce_sum3A = arith.constant dense<0.000000e+00> : vector<64xf32>
    %reduce_sum3A_31 = vector.multi_reduction <add>, %mul3A_30, %reduce_sum3A [0] : vector<400x64xf32> to vector<64xf32>
    %broadcast_in_dim3A = vector.shape_cast %reduce_sum3A_31 : vector<64xf32> to vector<1x64xf32>
    %eq3A_32 = arith.constant 0 : i32
    %eq3A_33 = arith.cmpi eq, %arg0, %eq3A_32 : i32
    %convert_element_type3A_34 = arith.extui %eq3A_33 : i1 to i32
    %cond3A = arith.constant 0 : i32
    %cond3A_35 = arith.cmpi ne, %convert_element_type3A_34, %cond3A : i32
    scf.if %cond3A_35 {
      %broadcast_in_dim3A_42 = arith.constant 0.000000e+00 : f32
      %broadcast_in_dim3A_43 = vector.broadcast %broadcast_in_dim3A_42 : f32 to vector<1x64xf32>
      %swap3A_44 = arith.constant 0 : index
      %swap3A_45 = arith.constant 0 : index
      %swap3A_46 = vector.load %arg8[%swap3A_44, %swap3A_45] : memref<1x64xf32, #tpu.memory_space<vmem>>, vector<1x64xf32>
      tpu.vector_store %arg8[%swap3A_44, %swap3A_45], %broadcast_in_dim3A_43 {strides = array<i32>} : memref<1x64xf32, #tpu.memory_space<vmem>>, vector<1x64xf32>,
    } else {
    }
    %get3A_36 = arith.constant 0 : index
    %get3A_37 = arith.constant 0 : index
    %get3A_38 = vector.load %arg8[%get3A_36, %get3A_37] : memref<1x64xf32, #tpu.memory_space<vmem>>, vector<1x64xf32>
    %add3A_39 = arith.addf %get3A_38, %broadcast_in_dim3A : vector<1x64xf32>
    %swap3A = arith.constant 0 : index
    %swap3A_40 = arith.constant 0 : index
    %swap3A_41 = vector.load %arg8[%swap3A, %swap3A_40] : memref<1x64xf32, #tpu.memory_space<vmem>>, vector<1x64xf32>
    tpu.vector_store %arg8[%swap3A, %swap3A_40], %add3A_39 {strides = array<i32>} : memref<1x64xf32, #tpu.memory_space<vmem>>, vector<1x64xf32>,
    return
  }
  func.func @transform_0(%arg0: i32) -> (i32, i32) {
    %c0_i32 = arith.constant 0 : i32
    %c0_i32_0 = arith.constant 0 : i32
    return %arg0, %c0_i32 : i32, i32
  }
  func.func @transform_1(%arg0: i32) -> (i32, i32) {
    %add3A = arith.constant 25 : i32
    %add3A_0 = arith.addi %arg0, %add3A : i32
    %c0_i32 = arith.constant 0 : i32
    %c0_i32_1 = arith.constant 0 : i32
    return %add3A_0, %c0_i32 : i32, i32
  }
  func.func @transform_2(%arg0: i32) -> (i32, i32) {
    %c0_i32 = arith.constant 0 : i32
    %c0_i32_0 = arith.constant 0 : i32
    return %arg0, %c0_i32 : i32, i32
  }
  func.func @transform_3(%arg0: i32) -> (i32, i32) {
    %c0_i32 = arith.constant 0 : i32
    %c0_i32_0 = arith.constant 0 : i32
    return %arg0, %c0_i32 : i32, i32
  }
  func.func @transform_4(%arg0: i32) -> (i32, i32) {
    %c0_i32 = arith.constant 0 : i32
    %c0_i32_0 = arith.constant 0 : i32
    return %arg0, %c0_i32 : i32, i32
  }
  func.func @transform_5(%arg0: i32) -> (i32, i32) {
    %c0_i32 = arith.constant 0 : i32
    %c0_i32_0 = arith.constant 0 : i32
    %c0_i32_1 = arith.constant 0 : i32
    return %c0_i32, %c0_i32_0 : i32, i32
  }
  func.func @transform_6(%arg0: i32) -> (i32, i32) {
    %c0_i32 = arith.constant 0 : i32
    %c0_i32_0 = arith.constant 0 : i32
    %c0_i32_1 = arith.constant 0 : i32
    return %c0_i32, %c0_i32_0 : i32, i32
  }
  func.func @transform_7(%arg0: i32) -> (i32, i32) {
    %c0_i32 = arith.constant 0 : i32
    %c0_i32_0 = arith.constant 0 : i32
    %c0_i32_1 = arith.constant 0 : i32
    return %c0_i32, %c0_i32_0 : i32, i32
  }
}

</mosaic_0001>

<sc_bundles>
// kernel: kernel.14.cloned.1.call-start
scs
__scs_entry_jumppad:
0x0: {  	(pc) =	sbr.rel $0x88, $3  }
0x1: {  	(tag) =	ssettag $0x0;
	lr =	simm.s32 $0x1  }
0x2: {  	[smem:$0x3F96] =	sst lr;
	_ =	strace $0xD0000000  }
0x3: {  	_ = 	snop  }
0x4: {  	_ = 	snop  }
0x5: {  	_ = 	snop  }
0x6: {  	_ = 	snop  }
0x7: {  	_ = 	snop  }
__scs_overlays_trampoline_lowered:
0x8: {  	[smem:$0x3FA5] =	sst s0  }
0x9: {  	[smem:$0x3FA6] =	sst s1  }
0xa: {  	[smem:$0x3FA7] =	sst s2  }
0xb: {  	[smem:$0x3FA8] =	sst s3  }
0xc: {  	[smem:$0x3FA9] =	sst s4  }
0xd: {  	[smem:$0x3FAA] =	sst s5  }
0xe: {  	[smem:$0x3FAB] =	sst s6  }
0xf: {  	[smem:$0x3FAC] =	sst s7  }
0x10: {  	[smem:$0x3FAD] =	sst s8  }
0x11: {  	[smem:$0x3FAE] =	sst s9;
	s0 =	simm.s32 @!p0 $0x0  }
0x12: {  	s1 =	sld [smem:$0x3F94];
	s0 =	simm.s32 @p0 $0x1  }
0x13: {  	[smem:$0x3FAF] =	sst s0;
	s0 =	simm.s32 @!p1 $0x0  }
0x14: {  	s2 =	sld [smem:$0x3F93];
	s0 =	simm.s32 @p1 $0x1  }
0x15: {  	[smem:$0x3FB0] =	sst s0;
	s0 =	simm.s32 @!p2 $0x0  }
0x16: {  	s3 =	sld [smem:$0x3FDB];
	s0 =	simm.s32 @p2 $0x1  }
0x17: {  	s4 =	simm.s32 $0x1BF5;
	[smem:$0x3FB2] =	sst s0  }
0x18: {  	s0 =	sld [smem:$0x3F95];
	_ =	swait.ge [sflag:s4], $0x0  }
0x19: {  	s7 =	sld [smem:$0x3F96]  }
0x1a: {  	s8 =	sadd.s32 $0xFFFFE003, lr  }
0x1b: {  	s9 =	sadd.s32 $0xFFFFFEF7, lr;
	s5 =	simm.s32 $0xFFFFFFFF;
	p2 =	slt.u32 s8, $0xFFFFF086  }
0x1c: {  	p1 =	slt.u32 s9, $0xF7A;
	s5 =	simm.s32 @!p2 $0x0  }
0x1d: {  	s5 =	simm.s32 @p1 $0x1;
	p0 =	seq.s32 s7, s2  }
0x1e: {  	s7 =	smul.u32 @!p0 $0xF7A, s2;
	p2 =	seq.s32 @!p0 s5, $0x0  }
0x1f: {  	s9 =	smul.u32 $0xF7A, s1;
	s8 =	simm.s32 @!p0 $0x1BF5;
	p2 =	por !p2, p0  }
0x20: {  	[sflag:s8] =	ssyncset.s32 @!p0 $0xFFFFF086;
	s6 =	sadd.s32 @!p0 s3, s7;
	s7 =	simm.s32 @!p0 $0x108  }
0x21: {  	s3 =	sadd.s32 s3, s9;
	s6 =	sadd.s32 @!p0 $0x88, s6;
	s7 =	simm.s32 @p2 $0x1082  }
0x22: {  	[simem:s7], [sflag:s8] =	dma.local @!p0 [hbm:s6], $0xF7A  }
0x23: {  	s9 =	sor.u32 $0xD0000000, s2;
	s6 =	simm.s32 $0x108;
	_ =	swait.ge @!p0 [sflag:s8], $0x0  }
0x24: {  	s3 =	sadd.s32 $0x88, s3;
	s6 =	simm.s32 @!p1 $0x1082;
	[sflag:s4] =	ssyncset.s32 $0xFFFFF086  }
0x25: {  	[simem:s6], [sflag:s4] =	dma.local [hbm:s3], $0xF7A  }
0x26: {  	[smem:$0x3F96] =	sst s1;
	(tag) =	ssettag s2;
	_ =	strace s9  }
0x27: {  	s1 =	sld [smem:$0x3FA6]  }
0x28: {  	s2 =	sld [smem:$0x3FA7]  }
0x29: {  	s4 =	sld [smem:$0x3FA9]  }
0x2a: {  	p0 =	seq.s32 s5, $0x0;
	s5 =	sld [smem:$0x3FAA]  }
0x2b: {  	s6 =	sld [smem:$0x3FAB]  }
0x2c: {  	s7 =	sld [smem:$0x3FAC]  }
0x2d: {  	s3 =	simm.s32 $0x108;
	s8 =	sld [smem:$0x3FAD]  }
0x2e: {  	s3 =	simm.s32 @!p0 $0x1082;
	s9 =	sld [smem:$0x3FAE]  }
0x2f: {  	lr =	sadd.s32 s0, s3;
	s0 =	sld [smem:$0x3FA5]  }
0x30: {  	s3 =	sld [smem:$0x3FA8]  }
0x31: {  	[smem:$0x3FB1] =	sst s10  }
0x32: {  	s10 =	sld [smem:$0x3FAF];
	_ =	sdelay $0x3  }
0x33: {  	p0 =	seq.s32 s10, $0x1;
	s10 =	sld [smem:$0x3FB1];
	_ =	sdelay $0x3  }
0x34: {  	[smem:$0x3FB1] =	sst s10  }
0x35: {  	s10 =	sld [smem:$0x3FB0];
	_ =	sdelay $0x3  }
0x36: {  	p1 =	seq.s32 s10, $0x1;
	s10 =	sld [smem:$0x3FB1];
	_ =	sdelay $0x3  }
0x37: {  	[smem:$0x3FB1] =	sst s10  }
0x38: {  	s10 =	sld [smem:$0x3FB2]  }
0x39: {  	_ = 	snop;
	(pc) =	sbr.ind lr, $3  }
0x3a: {  	_ = 	snop  }
0x3b: {  	_ = 	snop  }
0x3c: {  	p2 =	seq.s32 s10, $0x1;
	s10 =	sld [smem:$0x3FB1]  }
0x3d: {  	_ =	shalt  }
0x3e: {  	_ =	shalt  }
0x3f: {  	_ =	shalt  }
0x40: {  	_ =	shalt  }
0x41: {  	_ =	shalt  }
0x42: {  	_ =	shalt  }
0x43: {  	_ =	shalt  }
0x44: {  	_ =	shalt  }
0x45: {  	_ =	shalt  }
0x46: {  	_ =	shalt  }
0x47: {  	_ =	shalt  }
0x48: {  	_ =	shalt  }
0x49: {  	_ =	shalt  }
0x4a: {  	_ =	shalt  }
0x4b: {  	_ =	shalt  }
0x4c: {  	_ =	shalt  }
0x4d: {  	_ =	shalt  }
0x4e: {  	_ =	shalt  }
0x4f: {  	_ =	shalt  }
0x50: {  	_ =	shalt  }
0x51: {  	_ =	shalt  }
0x52: {  	_ =	shalt  }
0x53: {  	_ =	shalt  }
0x54: {  	_ =	shalt  }
0x55: {  	_ =	shalt  }
0x56: {  	_ =	shalt  }
0x57: {  	_ =	shalt  }
0x58: {  	_ =	shalt  }
0x59: {  	_ =	shalt  }
0x5a: {  	_ =	shalt  }
0x5b: {  	_ =	shalt  }
0x5c: {  	_ =	shalt  }
0x5d: {  	_ =	shalt  }
0x5e: {  	_ =	shalt  }
0x5f: {  	_ =	shalt  }
0x60: {  	_ =	shalt  }
0x61: {  	_ =	shalt  }
0x62: {  	_ =	shalt  }
0x63: {  	_ =	shalt  }
0x64: {  	_ =	shalt  }
0x65: {  	_ =	shalt  }
0x66: {  	_ =	shalt  }
0x67: {  	_ =	shalt  }
0x68: {  	_ =	shalt  }
0x69: {  	_ =	shalt  }
0x6a: {  	_ =	shalt  }
0x6b: {  	_ =	shalt  }
0x6c: {  	_ =	shalt  }
0x6d: {  	_ =	shalt  }
0x6e: {  	_ =	shalt  }
0x6f: {  	_ =	shalt  }
0x70: {  	_ =	shalt  }
0x71: {  	_ =	shalt  }
0x72: {  	_ =	shalt  }
0x73: {  	_ =	shalt  }
0x74: {  	_ =	shalt  }
0x75: {  	_ =	shalt  }
0x76: {  	_ =	shalt  }
0x77: {  	_ =	shalt  }
0x78: {  	_ =	shalt  }
0x79: {  	_ =	shalt  }
0x7a: {  	_ =	shalt  }
0x7b: {  	_ =	shalt  }
0x7c: {  	_ =	shalt  }
0x7d: {  	_ =	shalt  }
0x7e: {  	_ =	shalt  }
0x7f: {  	_ =	shalt  }
0x80: {  	_ =	shalt  }
0x81: {  	_ =	shalt  }
0x82: {  	_ =	shalt  }
0x83: {  	_ =	shalt  }
0x84: {  	_ =	shalt  }
0x85: {  	_ =	shalt  }
0x86: {  	_ =	shalt  }
0x87: {  	_ =	shalt  }
.Lfunc_end0:
.L_simem_size_0:
called_computation_lowered:
.L_overlay_start_0:
0x88: {  	s2 =	sld [smem:$0x3FD9]  }
0x89: {  	s3 =	sld [smem:$0x3FFE];
	_ =	sdelay $0x1  }
0x8a: {  	s1 =	srdreg.scid  }
0x8b: {  	s0 =	sand.u32 $0x1, s1  }
0x8c: {  	s16 =	sshll.u32 s0, $0xA;
	s2 =	sadd.s32 s3, s2  }
0x8d: {  	s2 =	sadd.s32 s2, s16  }
0x8e: {  	[smem:$0x3FBD] =	sst s2  }
0x8f: {  	_ = 	snop  }
0x90: {  	(tm) =	ssettm $0x1  }
0x91: {  	s17 =	sld [smem:$0x3FFB];
	_ =	sdelay $0x3  }
0x92: {  	_ =	strace s17  }
0x93: {  	s2 =	sld [smem:$0x3FFC];
	_ =	sdelay $0x3  }
0x94: {  	_ =	strace s2  }
0x95: {  	s2 =	sld [smem:$0x3FFD];
	_ =	sdelay $0x3  }
0x96: {  	_ =	strace s2  }
0x97: {  	_ =	strace $0x8FFFFFFF  }
0x98: {  	s18 =	sld [smem:$0x3FDB];
	_ =	sdelay $0x1  }
0x99: {  	s19 =	simm.s32 $_scs_section_size  }
0x9a: {  	s4 =	simm.s32 $_size__tile_overlayer_lowered;
	s5 =	simm.s32 $_tile_overlayer_lowered  }
0x9b: {  	s22 =	simm.s32 $0x1BFF;
	s21 =	sshll.u32 s5, $0x1;
	s2 =	sadd.s32 s19, s18  }
0x9c: {  	s6 =	simm.s32 $0x0;
	s20 =	sshll.u32 s4, $0x1;
	s4 =	sadd.s32 s21, s2  }
0x9d: {  	[timem:s6], [sflag:s22] =	dma.local [hbm:s4], s20  }
0x9e: {  	_ =	swait.ge [sflag:s22], s20  }
0x9f: {  	s3 =	ssub.s32 $0x0, s20;
	[sflag:s22] =	ssyncset.done $0x0  }
0xa0: {  	[sflag:s22] =	ssyncadd.s32 s3;
	_ =	sdelay $0x1  }
0xa1: {  	s23 =	simm.s32 $0x1B8B  }
0xa2: {  	_ =	swait.ge [sflag:s23], $0x1  }
0xa3: {  	[sflag:s23] =	ssyncset.done $0x0  }
0xa4: {  	s25 =	simm.s32 $0x1B8E;
	s24 =	sld [smem:$0x3FFE];
	[sflag:s23] =	ssyncadd.s32 $0xFFFFFFFF  }
0xa5: {  	s26 =	simm.s32 $execute0_lowered;
	[smem:$0x3FD2] =	sst s25  }
0xa6: {  	s4 =	sshll.u32 s26, $0x1;
	_ =	strace $0x80000046;
	[dreg:$0x1] =	wrdreg $0xFFFFFFFF  }
0xa7: {  	s28 =	simm.s32 $_size_execute0_lowered;
	s2 =	sadd.s32 s2, s4;
	[dreg:$0x0] =	wrdreg $0x0  }
0xa8: {  	s4 =	sshll.u32 s28, $0x1;
	[dreg:$0x2] =	wrdreg s2  }
0xa9: {  	[dreg:$0x3] =	wrdreg s4  }
0xaa: {  	[dreg:$0x4] =	wrdreg $0xC0  }
0xab: {  	_ =	task [dreg:s6], $0x5FFFF  }
0xac: {  	[dreg:$0x1] =	wrdreg $0xFFFFFFFF  }
0xad: {  	[dreg:$0x0] =	wrdreg $0x60  }
0xae: {  	[dreg:$0x2] =	wrdreg s24  }
0xaf: {  	[dreg:$0x3] =	wrdreg $0x29800  }
0xb0: {  	[dreg:$0x4] =	wrdreg $0x9  }
0xb1: {  	_ =	task.clear_ibuf [dreg:s6], $0x5FFFF;
	_ =	strace $0x90000046  }
0xb2: {  	s29 =	simm.s32 $0x9;
	_ =	strace $0x80000048  }
0xb3: {  	_ =	swait.ge [sflag:s29], $0x1  }
0xb4: {  	[sflag:s29] =	ssyncadd.s32 $0xFFFFFFFF  }
0xb5: {  	_ =	strace $0x90000048  }
0xb6: {  	_ =	sfence  }
0xb7: {  	s30 =	sld [smem:$0x0];
	_ =	sdelay $0x2  }
0xb8: {  	s31 =	sshll.u32 s1, $0xD;
	s1 =	sshrl.u32 s1, $0x2  }
0xb9: {  	s3 =	sand.u32 $0x4000, s31;
	s1 =	sadd.s32 s1, s30  }
0xba: {  	s0 =	sor.u32 s3, s0;
	s1 =	sshll.u32 s1, $0x11  }
0xbb: {  	s0 =	sor.u32 s1, s0  }
0xbc: {  	s0 =	sadd.s32 $0x8F2B, s0  }
0xbd: {  	[sflag:s0] =	ssyncadd.remote.s32 $0x1  }
0xbe: {  	_ =	sfence.sel $0xFFFF  }
0xbf: {  	[dreg:$0x0] =	wrdreg $0xFFFFFFFF;
	(pc) =	sbr.abs _section_cstart, $3  }
0xc0: {  	[dreg:$0x1] =	wrdreg $0xFFFFFFFF  }
0xc1: {  	_ =	task.clear_ibuf [dreg:s6], $0x2FFFF;
	_ =	strace $0x9FFFFFFF  }
0xc2: {  	(tm) =	ssettm $0x7FFFFFFF  }
0xc3: {  	_ =	shalt  }
tec
execute0_lowered:
.L_overlay_start_1:
0x0: {  	(tag) =	ssettag $0x1  }
0x1: {  	s0 =	rddreg [dreg:$0x0]  }
0x2: {  	s2 =	rddreg [dreg:$0x1];
	s3 =	simm.s32 $0x0;
	s19 =	stileid.u32  }
0x3: {  	s4 =	srdreg.scid;
	s28 =	simm.s32 $0x5;
	s29 =	simm.s32 $0x6  }
0x4: {  	s30 =	simm.s32 $0x0;
	[smem:$0x7FF] =	sst s3;
	s1 =	smul.u32 $0x2700, s19  }
0x5: {  	s18 =	sadd.s32 $0x2E00, s0;
	s4 =	sand.u32 $0x1, s4;
	s7 =	smul.u32 $0x4E000, s19  }
0x6: {  	s11 =	sadd.s32 $0x33E00, s0;
	s21 =	sadd.s32 $0x124800, s2;
	s25 =	smul.u32 $0x2710, s19  }
0x7: {  	p0 =	seq.s32 s19, $0xF;
	_ =	strace $0x80000047;
	s16 =	smul.u32 $0x27100, s4  }
0x8: {  	s6 =	sshll.u32 s4, $0x4;
	s8 =	ssub.s32 $0x2, s4;
	s4 =	smul.u32 $0x138800, s4  }
0x9: {  	[dreg:$0x5] =	wrdreg s21;
	s21 =	simm.s32 $0x100;
	s5 =	sadd.s32 s1, s0  }
0xa: {  	s6 =	sor.u32 s19, s6;
	s9 =	sshrl.u32 s8, $0x1;
	s7 =	sshrl.u32 s7, $0x2  }
0xb: {  	s19 =	simm.s32 $0x80;
	s6 =	smul.u32 $0x2710, s6;
	s12 =	ssub.s32 s8, s9  }
0xc: {  	s7 =	sadd.s32 s7, s2;
	s5 =	sadd.s32 $0xCC00, s5;
	s22 =	sadd.s32 s1, s16  }
0xd: {  	s23 =	sshrl.u32 s4, $0x3;
	s26 =	sadd.s32 s25, s16;
	[dreg:$0x3] =	wrdreg s7  }
0xe: {  	s25 =	simm.s32 $0x4;
	[dreg:$0x4] =	wrdreg s5;
	s7 =	sadd.s32 $0x31500, s0  }
0xf: {  	s10 =	sadd.s32 s11, s22;
	s24 =	sadd.s32 s11, s23;
	s12 =	smax.u32 s12, $0x1  }
0x10: {  	s1 =	sadd.s32 $0x230, s26;
	s31 =	sadd.s32 $0x1E0, s26;
	s0 =	sadd.s32 $0x190, s26  }
0x11: {  	s22 =	simm.s32 $0x50;
	s23 =	simm.s32 $0x180;
	s26 =	simm.s32 $0x3  }
0x12: {  	s20 =	sshrl.u32 s6, $0x3;
	s11 =	sadd.s32 $0x24900, s24;
	s1 =	sshrl.u32 s1, $0x3  }
0x13: {  	s4 =	sshrl.u32 s31, $0x3;
	s0 =	sshrl.u32 s0, $0x3;
	s24 =	simm.s32 $0x2  }
0x14: {  	s8 =	sadd.s32 s18, s20;
	s16 =	sadd.s32 s1, s18;
	s17 =	sadd.s32 s4, s18  }
0x15: {  	s18 =	sadd.s32 s0, s18;
	s20 =	simm.s32 $0x1;
	s9 =	sadd.s32 $0xA, s8  }
0x16: {  	v0 =	vimm.f32 $1.000000000e+00;
	s13 =	sadd.s32 $0x14, s8;
	s14 =	sadd.s32 $0x1E, s8;
	s15 =	sadd.s32 $0x28, s8  }
.LBB2_1:
0x17: {  	s0 =	simm.s32 $0x0;
	s1 =	simm.s32 $0x200  }
.LBB2_2:
0x18: {  	p1 =	sne.s32 s1, $0x9E00;
	[tilespmem:s0+$0x1F0] =	vst v0  }
0x19: {  	[tilespmem:s0+$0x180] =	vst v0  }
0x1a: {  	[tilespmem:s0+$0x190] =	vst v0  }
.Ltmp0:
0x1b: {  	[tilespmem:s0+$0x1A0] =	vst v0;
	(pc) =	sbr.rel @p1 .LBB2_2-.Ltmp0, $4  }
0x1c: {  	[tilespmem:s0+$0x1B0] =	vst v0  }
0x1d: {  	[tilespmem:s0+$0x1C0] =	vst v0  }
0x1e: {  	[tilespmem:s0+$0x1D0] =	vst v0  }
0x1f: {  	[tilespmem:s0+$0x1E0] =	vst v0;
	s0 =	sshra.s32 s1, $0x2;
	s1 =	sadd.s32 $0x200, s1  }
0x20: {  	[tilespmem:s0+$0x1F0] =	vst v0  }
0x21: {  	[tilespmem:s0+$0x180] =	vst v0  }
0x22: {  	[tilespmem:s0+$0x190] =	vst v0  }
0x23: {  	[tilespmem:s0+$0x1A0] =	vst v0  }
0x24: {  	[tilespmem:s0+$0x1B0] =	vst v0  }
0x25: {  	[tilespmem:s0+$0x1C0] =	vst v0  }
0x26: {  	[tilespmem:s0+$0x1D0] =	vst v0  }
0x27: {  	[tilespmem:s0+$0x1E0] =	vst v0;
	s0 =	rddreg [dreg:$0x5]  }
0x28: {  	s31 =	sshrl.u32 @p0 s0, $0x3;
	s0 =	simm.s32 @p0 $0x1FC7  }
0x29: {  	[spmem:s31], [sflag:s0] =	dma.local @p0 [hbm:s7], $0x2800  }
0x2a: {  	s0 =	simm.s32 @p0 $0x7  }
0x2b: {  	s1 =	stileid.u32;
	_ =	swait.ge @p0 [sflag:s0], $0x2800  }
0x2c: {  	s1 =	sshll.u32 @!p0 s1, $0x6;
	[sflag:s0] =	ssyncset.done @p0 $0x0  }
0x2d: {  	[sflag:s0] =	ssyncadd.s32 @p0 $0xFFFFD800;
	s0 =	sor.u32 @!p0 $0x1C07, s1;
	s1 =	rddreg [dreg:$0x3]  }
0x2e: {  	s4 =	rddreg [dreg:$0x4];
	s1 =	sshrl.u32 @!p0 s1, $0x3  }
0x2f: {  	[spmem:s1], [sflag:s0] =	dma.local @!p0 [hbm:s4], $0x2700  }
0x30: {  	s4 =	simm.s32 @!p0 $0x7  }
0x31: {  	_ =	swait.ge @!p0 [sflag:s4], $0x2700  }
0x32: {  	[sflag:s4] =	ssyncset.done @!p0 $0x0  }
0x33: {  	[sflag:s4] =	ssyncadd.s32 @!p0 $0xFFFFD900  }
0x34: {  	s5 =	simm.s32 $0x0;
	[bflag:$0x0] =	sbarrier.arrive $0xFFFF  }
0x35: {  	[tilespmem:s5], [sflag:$0x1] =	stream.linear.gather [hbm4b:s8+s5], $0x50, $0x38;
	[tilespmem:$0x16200] =	vst v63  }
0x36: {  	_ = 	snop  }
0x37: {  	[tilespmem:s19], [sflag:$0x2] =	stream.linear.gather [hbm4b:s9+s5], $0x50, $0x38;
	[tilespmem:$0x16200] =	vst v63  }
0x38: {  	_ =	swait.ge [sflag:s20], $0x50  }
0x39: {  	[sflag:s20] =	ssyncset.done $0x0  }
0x3a: {  	[sflag:s20] =	ssyncadd.s32 $0xFFFFFFB0  }
0x3b: {  	[tilespmem:s21], [sflag:$0x3] =	stream.linear.gather [hbm4b:s13+s5], $0x50, $0x38;
	[tilespmem:$0x16200] =	vst v63  }
0x3c: {  	_ = 	snop  }
0x3d: {  	[spmem:s2] =	stream.indirect.scatter.add.f32 [tilespmem:s23], [sflag:$0x4], $0x80, s5, s22, $0xb8;
	[tilespmem:$0x16200] =	vst v63  }
0x3e: {  	_ =	swait.ge [sflag:s24], $0x50  }
0x3f: {  	[sflag:s24] =	ssyncset.done $0x0  }
0x40: {  	[sflag:s24] =	ssyncadd.s32 $0xFFFFFFB0  }
0x41: {  	_ =	swait.ge [sflag:s25], $0x2800  }
0x42: {  	[sflag:s25] =	ssyncset.done $0x0  }
0x43: {  	[sflag:s25] =	ssyncadd.s32 $0xFFFFD800  }
0x44: {  	[tilespmem:s5], [sflag:$0x1] =	stream.linear.gather [hbm4b:s14+s5], $0x50, $0x38;
	[tilespmem:$0x16200] =	vst v63  }
0x45: {  	_ = 	snop  }
0x46: {  	[spmem:s2] =	stream.indirect.scatter.add.f32 [tilespmem:s23], [sflag:$0x5], $0x80, s19, s22, $0xb8;
	[tilespmem:$0x16200] =	vst v63  }
0x47: {  	_ =	swait.ge [sflag:s26], $0x50  }
0x48: {  	[sflag:s26] =	ssyncset.done $0x0  }
0x49: {  	[sflag:s26] =	ssyncadd.s32 $0xFFFFFFB0  }
0x4a: {  	_ =	swait.ge [sflag:s28], $0x2800  }
0x4b: {  	[sflag:s28] =	ssyncset.done $0x0  }
0x4c: {  	[sflag:s28] =	ssyncadd.s32 $0xFFFFD800  }
0x4d: {  	[tilespmem:s19], [sflag:$0x2] =	stream.linear.gather [hbm4b:s15+s5], $0x50, $0x38;
	[tilespmem:$0x16200] =	vst v63  }
0x4e: {  	_ = 	snop  }
0x4f: {  	[spmem:s2] =	stream.indirect.scatter.add.f32 [tilespmem:s23], [sflag:$0x6], $0x80, s21, s22, $0xb8;
	[tilespmem:$0x16200] =	vst v63  }
0x50: {  	_ =	swait.ge [sflag:s20], $0x50  }
0x51: {  	[sflag:s20] =	ssyncset.done $0x0  }
0x52: {  	[sflag:s20] =	ssyncadd.s32 $0xFFFFFFB0  }
0x53: {  	_ =	swait.ge [sflag:s29], $0x2800  }
0x54: {  	[sflag:s29] =	ssyncset.done $0x0  }
0x55: {  	s6 =	sadd.s32 $0x0, s18;
	[sflag:s29] =	ssyncadd.s32 $0xFFFFD800  }
0x56: {  	[tilespmem:s21], [sflag:$0x3] =	stream.linear.gather [hbm4b:s6+s3], $0x50, $0x38;
	[tilespmem:$0x16200] =	vst v63  }
0x57: {  	_ = 	snop  }
0x58: {  	[spmem:s2] =	stream.indirect.scatter.add.f32 [tilespmem:s23], [sflag:$0x4], $0x80, s3, s22, $0xb8;
	[tilespmem:$0x16200] =	vst v63  }
0x59: {  	_ =	swait.ge [sflag:s24], $0x50  }
0x5a: {  	[sflag:s24] =	ssyncset.done $0x0  }
0x5b: {  	[sflag:s24] =	ssyncadd.s32 $0xFFFFFFB0  }
0x5c: {  	_ =	swait.ge [sflag:s25], $0x2800  }
0x5d: {  	[sflag:s25] =	ssyncset.done $0x0  }
0x5e: {  	s5 =	sadd.s32 $0x0, s17;
	[sflag:s25] =	ssyncadd.s32 $0xFFFFD800  }
0x5f: {  	[tilespmem:s3], [sflag:$0x1] =	stream.linear.gather [hbm4b:s5+s3], $0x50, $0x38;
	[tilespmem:$0x16200] =	vst v63  }
0x60: {  	_ = 	snop  }
0x61: {  	[spmem:s2] =	stream.indirect.scatter.add.f32 [tilespmem:s23], [sflag:$0x5], $0x80, s19, s22, $0xb8;
	[tilespmem:$0x16200] =	vst v63  }
0x62: {  	_ =	swait.ge [sflag:s26], $0x50  }
0x63: {  	[sflag:s26] =	ssyncset.done $0x0  }
0x64: {  	[sflag:s26] =	ssyncadd.s32 $0xFFFFFFB0  }
0x65: {  	_ =	swait.ge [sflag:s28], $0x2800  }
0x66: {  	[sflag:s28] =	ssyncset.done $0x0  }
0x67: {  	s4 =	simm.s32 $0x1E;
	s6 =	sadd.s32 $0x0, s16;
	[sflag:s28] =	ssyncadd.s32 $0xFFFFD800  }
0x68: {  	[tilespmem:s19], [sflag:$0x2] =	stream.linear.gather [hbm4b:s6+s3], $0x50, $0x38;
	[tilespmem:$0x16200] =	vst v63  }
.LBB2_4:
0x69: {  	[spmem:s2] =	stream.indirect.scatter.add.f32 [tilespmem:s23], [sflag:$0x6], $0x80, s21, s22, $0xb8;
	[tilespmem:$0x16200] =	vst v63  }
0x6a: {  	s5 =	smov.u32 s4  }
0x6b: {  	p1 =	sne.s32 s4, $0x492;
	s4 =	sadd.s32 $0x1E, s4;
	_ =	swait.ge [sflag:s20], $0x50  }
0x6c: {  	[sflag:s20] =	ssyncset.done $0x0  }
0x6d: {  	[sflag:s20] =	ssyncadd.s32 $0xFFFFFFB0  }
0x6e: {  	_ =	swait.ge [sflag:s29], $0x2800  }
0x6f: {  	[sflag:s29] =	ssyncset.done $0x0  }
0x70: {  	s6 =	sadd.s32 s5, s18;
	[sflag:s29] =	ssyncadd.s32 $0xFFFFD800  }
0x71: {  	[tilespmem:s21], [sflag:$0x3] =	stream.linear.gather [hbm4b:s6+s3], $0x50, $0x38;
	[tilespmem:$0x16200] =	vst v63  }
0x72: {  	_ = 	snop  }
0x73: {  	[spmem:s2] =	stream.indirect.scatter.add.f32 [tilespmem:s23], [sflag:$0x4], $0x80, s3, s22, $0xb8;
	[tilespmem:$0x16200] =	vst v63  }
0x74: {  	_ =	swait.ge [sflag:s24], $0x50  }
0x75: {  	[sflag:s24] =	ssyncset.done $0x0  }
0x76: {  	[sflag:s24] =	ssyncadd.s32 $0xFFFFFFB0  }
0x77: {  	_ =	swait.ge [sflag:s25], $0x2800  }
0x78: {  	[sflag:s25] =	ssyncset.done $0x0  }
0x79: {  	s6 =	sadd.s32 s5, s17;
	[sflag:s25] =	ssyncadd.s32 $0xFFFFD800  }
0x7a: {  	[tilespmem:s3], [sflag:$0x1] =	stream.linear.gather [hbm4b:s6+s3], $0x50, $0x38;
	[tilespmem:$0x16200] =	vst v63  }
0x7b: {  	_ = 	snop  }
0x7c: {  	[spmem:s2] =	stream.indirect.scatter.add.f32 [tilespmem:s23], [sflag:$0x5], $0x80, s19, s22, $0xb8;
	[tilespmem:$0x16200] =	vst v63  }
0x7d: {  	_ =	swait.ge [sflag:s26], $0x50  }
0x7e: {  	[sflag:s26] =	ssyncset.done $0x0  }
.Ltmp1:
0x7f: {  	[sflag:s26] =	ssyncadd.s32 $0xFFFFFFB0;
	(pc) =	sbr.rel @p1 .LBB2_4-.Ltmp1, $4  }
0x80: {  	_ =	swait.ge [sflag:s28], $0x2800  }
0x81: {  	[sflag:s28] =	ssyncset.done $0x0  }
0x82: {  	s5 =	sadd.s32 s5, s16;
	[sflag:s28] =	ssyncadd.s32 $0xFFFFD800  }
0x83: {  	[tilespmem:s19], [sflag:$0x2] =	stream.linear.gather [hbm4b:s5+s3], $0x50, $0x38;
	[tilespmem:$0x16200] =	vst v63  }
0x84: {  	[spmem:s2] =	stream.indirect.scatter.add.f32 [tilespmem:s23], [sflag:$0x6], $0x80, s21, s22, $0xb8;
	[tilespmem:$0x16200] =	vst v63  }
0x85: {  	_ =	swait.ge [sflag:s20], $0x50  }
0x86: {  	[sflag:s20] =	ssyncset.done $0x0  }
0x87: {  	[sflag:s20] =	ssyncadd.s32 $0xFFFFFFB0  }
0x88: {  	_ =	swait.ge [sflag:s29], $0x2800  }
0x89: {  	[sflag:s29] =	ssyncset.done $0x0  }
0x8a: {  	[sflag:s29] =	ssyncadd.s32 $0xFFFFD800  }
0x8b: {  	[spmem:s2] =	stream.indirect.scatter.add.f32 [tilespmem:s23], [sflag:$0x4], $0x80, s3, s22, $0xb8;
	[tilespmem:$0x16200] =	vst v63  }
0x8c: {  	_ =	swait.ge [sflag:s24], $0x50  }
0x8d: {  	[sflag:s24] =	ssyncset.done $0x0  }
0x8e: {  	[sflag:s24] =	ssyncadd.s32 $0xFFFFFFB0  }
0x8f: {  	_ =	swait.ge [sflag:s25], $0x2800  }
0x90: {  	[sflag:s25] =	ssyncset.done $0x0  }
0x91: {  	[sflag:s25] =	ssyncadd.s32 $0xFFFFD800  }
0x92: {  	[spmem:s2] =	stream.indirect.scatter.add.f32 [tilespmem:s23], [sflag:$0x5], $0x80, s19, s22, $0xb8;
	[tilespmem:$0x16200] =	vst v63  }
0x93: {  	_ =	swait.ge [sflag:s28], $0x2800  }
0x94: {  	[sflag:s28] =	ssyncset.done $0x0  }
0x95: {  	[sflag:s28] =	ssyncadd.s32 $0xFFFFD800  }
0x96: {  	s4 =	simm.s32 @p0 $0x1FC7;
	[bflag:$0x0] =	sbarrier.arrive $0xFFFF  }
0x97: {  	[hbm:s11], [sflag:s4] =	dma.local @p0 [spmem:s31], $0x2800  }
0x98: {  	s4 =	simm.s32 @p0 $0x7  }
0x99: {  	_ =	swait.ge @p0 [sflag:s4], $0x2800  }
0x9a: {  	s30 =	sadd.s32 $0x1, s30;
	[sflag:s4] =	ssyncset.done @p0 $0x0  }
0x9b: {  	p1 =	sne.s32 s30, s12;
	[sflag:s4] =	ssyncadd.s32 @p0 $0xFFFFD800  }
0x9c: {  	[hbm:s10], [sflag:s0] =	dma.local @!p0 [spmem:s1], $0x2700  }
.Ltmp2:
0x9d: {  	_ = 	snop;
	(pc) =	sbr.rel @p1 .LBB2_1-.Ltmp2, $4  }
0x9e: {  	s0 =	simm.s32 @!p0 $0x7  }
0x9f: {  	_ =	swait.ge @!p0 [sflag:s0], $0x2700  }
0xa0: {  	[sflag:s0] =	ssyncset.done @!p0 $0x0  }
0xa1: {  	[sflag:s0] =	ssyncadd.s32 @!p0 $0xFFFFD900  }
0xa2: {  	_ =	sfence.sel $0x180000  }
0xa3: {  	[bflag:$0x0] =	sbarrier.arrive $0xFFFF  }
0xa4: {  	_ =	strace $0x90000047  }
0xa5: {  	s0 =	stileid.u32;
	[bflag:$0x2] =	sbarrier.arrive $0xFFFF  }
0xa6: {  	p0 =	sne.s32 s0, $0x0;
	s0 =	rddreg [dreg:$0x2]  }
0xa7: {  	s0 =	sadd.s32 @!p0 $0x100000, s0  }
0xa8: {  	[sflag:s0] =	ssyncadd.tile.s32 @!p0 $0x1;
	_ =	shalt  }
.Lfunc_end2:
_tile_overlayer_lowered:
.L_overlay_start_2:
0xa9: {  	(tag) =	ssettag $0x2  }
0xaa: {  	s0 =	rddreg [dreg:$0x0];
	s2 =	stileid.u32  }
0xab: {  	s1 =	rddreg [dreg:$0x1];
	p0 =	sne.s32 s2, $0x0  }
0xac: {  	s3 =	rddreg [dreg:$0x2];
	[bflag:$0x3] =	sbarrier.arrive $0xFFFF;
	s2 =	simm.s32 @!p0 $0x1C07  }
0xad: {  	[timem:s3], [sflag:s2] =	dma.local @!p0 [hbm:s0], s1  }
0xae: {  	s0 =	simm.s32 @!p0 $0x7  }
0xaf: {  	_ =	swait.ge @!p0 [sflag:s0], s1  }
0xb0: {  	s1 =	ssub.s32 @!p0 $0x0, s1;
	[sflag:s0] =	ssyncset.done @!p0 $0x0  }
0xb1: {  	[sflag:s0] =	ssyncadd.s32 @!p0 s1  }
0xb2: {  	[bflag:$0x3] =	sbarrier.arrive $0xFFFF  }
0xb3: {  	_ =	shalt  }

// kernel: kernel.17.cloned.1.call-start
scs
__scs_entry_jumppad:
0x0: {  	(pc) =	sbr.rel $0x88, $3  }
0x1: {  	(tag) =	ssettag $0x0;
	lr =	simm.s32 $0x1  }
0x2: {  	[smem:$0x3F96] =	sst lr;
	_ =	strace $0xD0000000  }
0x3: {  	_ = 	snop  }
0x4: {  	_ = 	snop  }
0x5: {  	_ = 	snop  }
0x6: {  	_ = 	snop  }
0x7: {  	_ = 	snop  }
__scs_overlays_trampoline_lowered:
0x8: {  	[smem:$0x3FA5] =	sst s0  }
0x9: {  	[smem:$0x3FA6] =	sst s1  }
0xa: {  	[smem:$0x3FA7] =	sst s2  }
0xb: {  	[smem:$0x3FA8] =	sst s3  }
0xc: {  	[smem:$0x3FA9] =	sst s4  }
0xd: {  	[smem:$0x3FAA] =	sst s5  }
0xe: {  	[smem:$0x3FAB] =	sst s6  }
0xf: {  	[smem:$0x3FAC] =	sst s7  }
0x10: {  	[smem:$0x3FAD] =	sst s8  }
0x11: {  	[smem:$0x3FAE] =	sst s9;
	s0 =	simm.s32 @!p0 $0x0  }
0x12: {  	s1 =	sld [smem:$0x3F94];
	s0 =	simm.s32 @p0 $0x1  }
0x13: {  	[smem:$0x3FAF] =	sst s0;
	s0 =	simm.s32 @!p1 $0x0  }
0x14: {  	s2 =	sld [smem:$0x3F93];
	s0 =	simm.s32 @p1 $0x1  }
0x15: {  	[smem:$0x3FB0] =	sst s0;
	s0 =	simm.s32 @!p2 $0x0  }
0x16: {  	s3 =	sld [smem:$0x3FDB];
	s0 =	simm.s32 @p2 $0x1  }
0x17: {  	s4 =	simm.s32 $0x1BF5;
	[smem:$0x3FB2] =	sst s0  }
0x18: {  	s0 =	sld [smem:$0x3F95];
	_ =	swait.ge [sflag:s4], $0x0  }
0x19: {  	s7 =	sld [smem:$0x3F96]  }
0x1a: {  	s8 =	sadd.s32 $0xFFFFE003, lr  }
0x1b: {  	s9 =	sadd.s32 $0xFFFFFEF7, lr;
	s5 =	simm.s32 $0xFFFFFFFF;
	p2 =	slt.u32 s8, $0xFFFFF086  }
0x1c: {  	p1 =	slt.u32 s9, $0xF7A;
	s5 =	simm.s32 @!p2 $0x0  }
0x1d: {  	s5 =	simm.s32 @p1 $0x1;
	p0 =	seq.s32 s7, s2  }
0x1e: {  	s7 =	smul.u32 @!p0 $0xF7A, s2;
	p2 =	seq.s32 @!p0 s5, $0x0  }
0x1f: {  	s9 =	smul.u32 $0xF7A, s1;
	s8 =	simm.s32 @!p0 $0x1BF5;
	p2 =	por !p2, p0  }
0x20: {  	[sflag:s8] =	ssyncset.s32 @!p0 $0xFFFFF086;
	s6 =	sadd.s32 @!p0 s3, s7;
	s7 =	simm.s32 @!p0 $0x108  }
0x21: {  	s3 =	sadd.s32 s3, s9;
	s6 =	sadd.s32 @!p0 $0x88, s6;
	s7 =	simm.s32 @p2 $0x1082  }
0x22: {  	[simem:s7], [sflag:s8] =	dma.local @!p0 [hbm:s6], $0xF7A  }
0x23: {  	s9 =	sor.u32 $0xD0000000, s2;
	s6 =	simm.s32 $0x108;
	_ =	swait.ge @!p0 [sflag:s8], $0x0  }
0x24: {  	s3 =	sadd.s32 $0x88, s3;
	s6 =	simm.s32 @!p1 $0x1082;
	[sflag:s4] =	ssyncset.s32 $0xFFFFF086  }
0x25: {  	[simem:s6], [sflag:s4] =	dma.local [hbm:s3], $0xF7A  }
0x26: {  	[smem:$0x3F96] =	sst s1;
	(tag) =	ssettag s2;
	_ =	strace s9  }
0x27: {  	s1 =	sld [smem:$0x3FA6]  }
0x28: {  	s2 =	sld [smem:$0x3FA7]  }
0x29: {  	s4 =	sld [smem:$0x3FA9]  }
0x2a: {  	p0 =	seq.s32 s5, $0x0;
	s5 =	sld [smem:$0x3FAA]  }
0x2b: {  	s6 =	sld [smem:$0x3FAB]  }
0x2c: {  	s7 =	sld [smem:$0x3FAC]  }
0x2d: {  	s3 =	simm.s32 $0x108;
	s8 =	sld [smem:$0x3FAD]  }
0x2e: {  	s3 =	simm.s32 @!p0 $0x1082;
	s9 =	sld [smem:$0x3FAE]  }
0x2f: {  	lr =	sadd.s32 s0, s3;
	s0 =	sld [smem:$0x3FA5]  }
0x30: {  	s3 =	sld [smem:$0x3FA8]  }
0x31: {  	[smem:$0x3FB1] =	sst s10  }
0x32: {  	s10 =	sld [smem:$0x3FAF];
	_ =	sdelay $0x3  }
0x33: {  	p0 =	seq.s32 s10, $0x1;
	s10 =	sld [smem:$0x3FB1];
	_ =	sdelay $0x3  }
0x34: {  	[smem:$0x3FB1] =	sst s10  }
0x35: {  	s10 =	sld [smem:$0x3FB0];
	_ =	sdelay $0x3  }
0x36: {  	p1 =	seq.s32 s10, $0x1;
	s10 =	sld [smem:$0x3FB1];
	_ =	sdelay $0x3  }
0x37: {  	[smem:$0x3FB1] =	sst s10  }
0x38: {  	s10 =	sld [smem:$0x3FB2]  }
0x39: {  	_ = 	snop;
	(pc) =	sbr.ind lr, $3  }
0x3a: {  	_ = 	snop  }
0x3b: {  	_ = 	snop  }
0x3c: {  	p2 =	seq.s32 s10, $0x1;
	s10 =	sld [smem:$0x3FB1]  }
0x3d: {  	_ =	shalt  }
0x3e: {  	_ =	shalt  }
0x3f: {  	_ =	shalt  }
0x40: {  	_ =	shalt  }
0x41: {  	_ =	shalt  }
0x42: {  	_ =	shalt  }
0x43: {  	_ =	shalt  }
0x44: {  	_ =	shalt  }
0x45: {  	_ =	shalt  }
0x46: {  	_ =	shalt  }
0x47: {  	_ =	shalt  }
0x48: {  	_ =	shalt  }
0x49: {  	_ =	shalt  }
0x4a: {  	_ =	shalt  }
0x4b: {  	_ =	shalt  }
0x4c: {  	_ =	shalt  }
0x4d: {  	_ =	shalt  }
0x4e: {  	_ =	shalt  }
0x4f: {  	_ =	shalt  }
0x50: {  	_ =	shalt  }
0x51: {  	_ =	shalt  }
0x52: {  	_ =	shalt  }
0x53: {  	_ =	shalt  }
0x54: {  	_ =	shalt  }
0x55: {  	_ =	shalt  }
0x56: {  	_ =	shalt  }
0x57: {  	_ =	shalt  }
0x58: {  	_ =	shalt  }
0x59: {  	_ =	shalt  }
0x5a: {  	_ =	shalt  }
0x5b: {  	_ =	shalt  }
0x5c: {  	_ =	shalt  }
0x5d: {  	_ =	shalt  }
0x5e: {  	_ =	shalt  }
0x5f: {  	_ =	shalt  }
0x60: {  	_ =	shalt  }
0x61: {  	_ =	shalt  }
0x62: {  	_ =	shalt  }
0x63: {  	_ =	shalt  }
0x64: {  	_ =	shalt  }
0x65: {  	_ =	shalt  }
0x66: {  	_ =	shalt  }
0x67: {  	_ =	shalt  }
0x68: {  	_ =	shalt  }
0x69: {  	_ =	shalt  }
0x6a: {  	_ =	shalt  }
0x6b: {  	_ =	shalt  }
0x6c: {  	_ =	shalt  }
0x6d: {  	_ =	shalt  }
0x6e: {  	_ =	shalt  }
0x6f: {  	_ =	shalt  }
0x70: {  	_ =	shalt  }
0x71: {  	_ =	shalt  }
0x72: {  	_ =	shalt  }
0x73: {  	_ =	shalt  }
0x74: {  	_ =	shalt  }
0x75: {  	_ =	shalt  }
0x76: {  	_ =	shalt  }
0x77: {  	_ =	shalt  }
0x78: {  	_ =	shalt  }
0x79: {  	_ =	shalt  }
0x7a: {  	_ =	shalt  }
0x7b: {  	_ =	shalt  }
0x7c: {  	_ =	shalt  }
0x7d: {  	_ =	shalt  }
0x7e: {  	_ =	shalt  }
0x7f: {  	_ =	shalt  }
0x80: {  	_ =	shalt  }
0x81: {  	_ =	shalt  }
0x82: {  	_ =	shalt  }
0x83: {  	_ =	shalt  }
0x84: {  	_ =	shalt  }
0x85: {  	_ =	shalt  }
0x86: {  	_ =	shalt  }
0x87: {  	_ =	shalt  }
.Lfunc_end0:
.L_simem_size_0:
called_computation.1_lowered:
.L_overlay_start_0:
0x88: {  	s2 =	sld [smem:$0x3FD9]  }
0x89: {  	s3 =	sld [smem:$0x3FFE];
	_ =	sdelay $0x1  }
0x8a: {  	s1 =	srdreg.scid  }
0x8b: {  	s0 =	sand.u32 $0x1, s1  }
0x8c: {  	s16 =	sshll.u32 s0, $0xA;
	s2 =	sadd.s32 s3, s2  }
0x8d: {  	s2 =	sadd.s32 s2, s16  }
0x8e: {  	[smem:$0x3FBD] =	sst s2  }
0x8f: {  	_ = 	snop  }
0x90: {  	(tm) =	ssettm $0x1  }
0x91: {  	s17 =	sld [smem:$0x3FFB];
	_ =	sdelay $0x3  }
0x92: {  	_ =	strace s17  }
0x93: {  	s2 =	sld [smem:$0x3FFC];
	_ =	sdelay $0x3  }
0x94: {  	_ =	strace s2  }
0x95: {  	s2 =	sld [smem:$0x3FFD];
	_ =	sdelay $0x3  }
0x96: {  	_ =	strace s2  }
0x97: {  	_ =	strace $0x8FFFFFFF  }
0x98: {  	s18 =	sld [smem:$0x3FDB];
	_ =	sdelay $0x1  }
0x99: {  	s19 =	simm.s32 $_scs_section_size  }
0x9a: {  	s4 =	simm.s32 $_size__tile_overlayer_lowered;
	s5 =	simm.s32 $_tile_overlayer_lowered  }
0x9b: {  	s22 =	simm.s32 $0x1BFF;
	s21 =	sshll.u32 s5, $0x1;
	s2 =	sadd.s32 s19, s18  }
0x9c: {  	s6 =	simm.s32 $0x0;
	s20 =	sshll.u32 s4, $0x1;
	s4 =	sadd.s32 s21, s2  }
0x9d: {  	[timem:s6], [sflag:s22] =	dma.local [hbm:s4], s20  }
0x9e: {  	_ =	swait.ge [sflag:s22], s20  }
0x9f: {  	s3 =	ssub.s32 $0x0, s20;
	[sflag:s22] =	ssyncset.done $0x0  }
0xa0: {  	[sflag:s22] =	ssyncadd.s32 s3;
	_ =	sdelay $0x1  }
0xa1: {  	s23 =	simm.s32 $0x1B8B  }
0xa2: {  	_ =	swait.ge [sflag:s23], $0x1  }
0xa3: {  	[sflag:s23] =	ssyncset.done $0x0  }
0xa4: {  	s25 =	simm.s32 $0x1B8E;
	s24 =	sld [smem:$0x3FFE];
	[sflag:s23] =	ssyncadd.s32 $0xFFFFFFFF  }
0xa5: {  	s26 =	simm.s32 $execute0_lowered;
	[smem:$0x3FD2] =	sst s25  }
0xa6: {  	s4 =	sshll.u32 s26, $0x1;
	_ =	strace $0x80000049;
	[dreg:$0x1] =	wrdreg $0xFFFFFFFF  }
0xa7: {  	s28 =	simm.s32 $_size_execute0_lowered;
	s2 =	sadd.s32 s2, s4;
	[dreg:$0x0] =	wrdreg $0x0  }
0xa8: {  	s4 =	sshll.u32 s28, $0x1;
	[dreg:$0x2] =	wrdreg s2  }
0xa9: {  	[dreg:$0x3] =	wrdreg s4  }
0xaa: {  	[dreg:$0x4] =	wrdreg $0xC0  }
0xab: {  	_ =	task [dreg:s6], $0x5FFFF  }
0xac: {  	[dreg:$0x1] =	wrdreg $0xFFFFFFFF  }
0xad: {  	[dreg:$0x0] =	wrdreg $0x60  }
0xae: {  	[dreg:$0x2] =	wrdreg s24  }
0xaf: {  	[dreg:$0x3] =	wrdreg $0xB9800  }
0xb0: {  	[dreg:$0x4] =	wrdreg $0x9  }
0xb1: {  	_ =	task.clear_ibuf [dreg:s6], $0x5FFFF;
	_ =	strace $0x90000049  }
0xb2: {  	s29 =	simm.s32 $0x9;
	_ =	strace $0x8000004B  }
0xb3: {  	_ =	swait.ge [sflag:s29], $0x1  }
0xb4: {  	[sflag:s29] =	ssyncadd.s32 $0xFFFFFFFF  }
0xb5: {  	_ =	strace $0x9000004B  }
0xb6: {  	_ =	sfence  }
0xb7: {  	s30 =	sld [smem:$0x0];
	_ =	sdelay $0x2  }
0xb8: {  	s31 =	sshll.u32 s1, $0xD;
	s1 =	sshrl.u32 s1, $0x2  }
0xb9: {  	s3 =	sand.u32 $0x4000, s31;
	s1 =	sadd.s32 s1, s30  }
0xba: {  	s0 =	sor.u32 s3, s0;
	s1 =	sshll.u32 s1, $0x11  }
0xbb: {  	s0 =	sor.u32 s1, s0  }
0xbc: {  	s0 =	sadd.s32 $0x8F2B, s0  }
0xbd: {  	[sflag:s0] =	ssyncadd.remote.s32 $0x1  }
0xbe: {  	_ =	sfence.sel $0xFFFF  }
0xbf: {  	[dreg:$0x0] =	wrdreg $0xFFFFFFFF;
	(pc) =	sbr.abs _section_cstart, $3  }
0xc0: {  	[dreg:$0x1] =	wrdreg $0xFFFFFFFF  }
0xc1: {  	_ =	task.clear_ibuf [dreg:s6], $0x2FFFF;
	_ =	strace $0x9FFFFFFF  }
0xc2: {  	(tm) =	ssettm $0x7FFFFFFF  }
0xc3: {  	_ =	shalt  }
tec
execute0_lowered:
.L_overlay_start_1:
0x0: {  	(tag) =	ssettag $0x1  }
0x1: {  	s0 =	rddreg [dreg:$0x0]  }
0x2: {  	s1 =	rddreg [dreg:$0x1];
	s2 =	srdreg.scid;
	s3 =	simm.s32 $0x0  }
0x3: {  	s14 =	stileid.u32;
	s28 =	simm.s32 $0x4080;
	s29 =	simm.s32 $0x1  }
0x4: {  	s30 =	simm.s32 $0x4;
	s31 =	simm.s32 $0x5;
	s7 =	smul.u32 $0x2700, s14  }
0x5: {  	s2 =	sand.u32 $0x1, s2;
	[smem:$0x7FF] =	sst s3;
	s10 =	smul.u32 $0x4E000, s14  }
0x6: {  	s8 =	sadd.s32 $0x2E00, s0;
	s12 =	sadd.s32 $0x92000, s0;
	s16 =	smul.u32 $0x2710, s14  }
0x7: {  	p0 =	seq.s32 s14, $0xF;
	s4 =	sshll.u32 s2, $0x4;
	s26 =	smul.u32 $0x27100, s2  }
0x8: {  	_ =	strace $0x8000004A;
	s9 =	ssub.s32 $0x2, s2;
	s2 =	smul.u32 $0x138800, s2  }
0x9: {  	s5 =	sor.u32 s14, s4;
	s4 =	sadd.s32 $0x33E00, s0;
	s11 =	sadd.s32 s7, s0  }
0xa: {  	s13 =	sshrl.u32 s9, $0x1;
	s10 =	sshrl.u32 s10, $0x2;
	s6 =	sshll.u32 s5, $0xB  }
0xb: {  	s9 =	ssub.s32 s9, s13;
	s5 =	smul.u32 $0x2710, s5;
	s10 =	sadd.s32 s10, s1  }
0xc: {  	s25 =	sadd.s32 $0xCC00, s11;
	s11 =	sadd.s32 $0x124800, s1;
	s15 =	sadd.s32 s7, s26  }
0xd: {  	s2 =	sshrl.u32 s2, $0x3;
	s20 =	sadd.s32 s16, s26;
	[dreg:$0x3] =	wrdreg s10  }
0xe: {  	s7 =	simm.s32 $0x6;
	s6 =	sadd.s32 s6, s0;
	[dreg:$0x4] =	wrdreg s25  }
0xf: {  	s0 =	sadd.s32 $0x31500, s0;
	s18 =	sadd.s32 s12, s2;
	s19 =	smax.u32 s9, $0x1  }
0x10: {  	s23 =	sadd.s32 $0x230, s20;
	s25 =	sadd.s32 $0x1E0, s20;
	s10 =	simm.s32 $0x9  }
0x11: {  	s5 =	sshrl.u32 s5, $0x3;
	[dreg:$0x5] =	wrdreg s0;
	s6 =	sadd.s32 $0x82000, s6  }
0x12: {  	s0 =	sadd.s32 s12, s15;
	[dreg:$0xb] =	wrdreg s19;
	s2 =	sshrl.u32 s23, $0x3  }
0x13: {  	s26 =	sshrl.u32 s25, $0x3;
	s23 =	simm.s32 $0x4180;
	[dreg:$0x6] =	wrdreg s6  }
0x14: {  	s25 =	simm.s32 $0x2;
	[dreg:$0x9] =	wrdreg s0;
	s0 =	sadd.s32 $0x24900, s18  }
0x15: {  	s13 =	sadd.s32 s8, s5;
	s2 =	sadd.s32 s2, s8;
	[dreg:$0xa] =	wrdreg s0  }
0x16: {  	s18 =	sadd.s32 s26, s8;
	s26 =	simm.s32 $0x6980;
	[dreg:$0x7] =	wrdreg s13  }
0x17: {  	s5 =	simm.s32 $0x7;
	s17 =	sadd.s32 $0xA, s13;
	[dreg:$0xf] =	wrdreg s2  }
0x18: {  	s6 =	simm.s32 $0x3;
	s21 =	sadd.s32 $0x14, s13;
	[dreg:$0x8] =	wrdreg s17  }
0x19: {  	s22 =	sadd.s32 $0x1E, s13;
	s24 =	sadd.s32 $0x28, s13;
	[dreg:$0xc] =	wrdreg s21  }
0x1a: {  	s0 =	sadd.s32 $0x190, s20;
	s20 =	sshrl.u32 @p0 s11, $0x3;
	[dreg:$0xd] =	wrdreg s22  }
0x1b: {  	s2 =	simm.s32 $0x4100;
	s11 =	simm.s32 $0x0;
	[dreg:$0xe] =	wrdreg s24  }
0x1c: {  	s0 =	sshrl.u32 s0, $0x3;
	s22 =	simm.s32 $0x50;
	s24 =	simm.s32 $0x4000  }
0x1d: {  	s19 =	sadd.s32 s0, s8;
	s0 =	simm.s32 $0x9180;
	s8 =	simm.s32 $0x8  }
.LBB2_1:
0x1e: {  	s9 =	simm.s32 @p0 $0x1FCA;
	s12 =	rddreg [dreg:$0x5]  }
0x1f: {  	[spmem:s20], [sflag:s9] =	dma.local @p0 [hbm:s12], $0x2800  }
0x20: {  	s9 =	simm.s32 @p0 $0xA  }
0x21: {  	_ =	swait.ge @p0 [sflag:s9], $0x2800  }
0x22: {  	s12 =	stileid.u32;
	[sflag:s9] =	ssyncset.done @p0 $0x0  }
0x23: {  	s12 =	sshll.u32 @!p0 s12, $0x6;
	[sflag:s9] =	ssyncadd.s32 @p0 $0xFFFFD800;
	s9 =	rddreg [dreg:$0x3]  }
0x24: {  	s12 =	sor.u32 @!p0 $0x1C0A, s12;
	s13 =	sshrl.u32 @!p0 s9, $0x3;
	s9 =	rddreg [dreg:$0x4]  }
0x25: {  	[spmem:s13], [sflag:s12] =	dma.local @!p0 [hbm:s9], $0x2700  }
0x26: {  	s9 =	simm.s32 @!p0 $0xA  }
0x27: {  	_ =	swait.ge @!p0 [sflag:s9], $0x2700  }
0x28: {  	[sflag:s9] =	ssyncset.done @!p0 $0x0  }
0x29: {  	s15 =	simm.s32 $0xA;
	s14 =	rddreg [dreg:$0x6];
	[sflag:s9] =	ssyncadd.s32 @!p0 $0xFFFFD900  }
0x2a: {  	[tilespmem:s3], [sflag:$0xA] =	stream.linear.gather [hbm4b:s14+s3], $0x3E80, $0x38;
	[tilespmem:$0x1F200] =	vst v63  }
0x2b: {  	_ =	swait.ge [sflag:s15], $0x3E80  }
0x2c: {  	[sflag:s15] =	ssyncset.done $0x0  }
0x2d: {  	[sflag:s15] =	ssyncadd.s32 $0xFFFFC180  }
0x2e: {  	[bflag:$0x0] =	sbarrier.arrive $0xFFFF  }
0x2f: {  	[tilespmem:s23], [sflag:$0x1] =	stream.indirect.gather [hbm4b:s4+s22], $0x80, s3, s22, $0xb8;
	[tilespmem:$0x1F200] =	vst v63  }
0x30: {  	s16 =	rddreg [dreg:$0x7]  }
0x31: {  	[tilespmem:s24], [sflag:$0x4] =	stream.linear.gather [hbm4b:s16+s3], $0x50, $0x38;
	[tilespmem:$0x1F200] =	vst v63  }
0x32: {  	s17 =	simm.s32 $0x80  }
0x33: {  	[tilespmem:s26], [sflag:$0x2] =	stream.indirect.gather [hbm4b:s4+s22], $0x80, s17, s22, $0xb8;
	[tilespmem:$0x1F200] =	vst v63  }
0x34: {  	s21 =	rddreg [dreg:$0x8]  }
0x35: {  	[tilespmem:s28], [sflag:$0x5] =	stream.linear.gather [hbm4b:s21+s3], $0x50, $0x38;
	[tilespmem:$0x1F200] =	vst v63  }
0x36: {  	_ =	swait.ge [sflag:s29], $0x2800  }
0x37: {  	[sflag:s29] =	ssyncset.done $0x0  }
0x38: {  	[sflag:s29] =	ssyncadd.s32 $0xFFFFD800  }
0x39: {  	_ =	swait.ge [sflag:s30], $0x50  }
0x3a: {  	[sflag:s30] =	ssyncset.done $0x0  }
0x3b: {  	s14 =	simm.s32 $0x100;
	[sflag:s30] =	ssyncadd.s32 $0xFFFFFFB0  }
0x3c: {  	[tilespmem:s0], [sflag:$0x3] =	stream.indirect.gather [hbm4b:s4+s22], $0x80, s14, s22, $0xb8;
	[tilespmem:$0x1F200] =	vst v63  }
0x3d: {  	s15 =	rddreg [dreg:$0xc]  }
0x3e: {  	[tilespmem:s2], [sflag:$0x6] =	stream.linear.gather [hbm4b:s15+s3], $0x50, $0x38;
	[tilespmem:$0x1F200] =	vst v63  }
0x3f: {  	_ = 	snop  }
0x40: {  	[spmem:s1] =	stream.indirect.scatter.add.f32 [tilespmem:s23], [sflag:$0x7], $0x80, s24, s22, $0xb8;
	[tilespmem:$0x1F200] =	vst v63  }
0x41: {  	_ =	swait.ge [sflag:s25], $0x2800  }
0x42: {  	[sflag:s25] =	ssyncset.done $0x0  }
0x43: {  	[sflag:s25] =	ssyncadd.s32 $0xFFFFD800  }
0x44: {  	_ =	swait.ge [sflag:s31], $0x50  }
0x45: {  	[sflag:s31] =	ssyncset.done $0x0  }
0x46: {  	[sflag:s31] =	ssyncadd.s32 $0xFFFFFFB0  }
0x47: {  	_ =	swait.ge [sflag:s5], $0x2800  }
0x48: {  	[sflag:s5] =	ssyncset.done $0x0  }
0x49: {  	s16 =	simm.s32 $0x180;
	[sflag:s5] =	ssyncadd.s32 $0xFFFFD800  }
0x4a: {  	[tilespmem:s23], [sflag:$0x1] =	stream.indirect.gather [hbm4b:s4+s22], $0x80, s16, s22, $0xb8;
	[tilespmem:$0x1F200] =	vst v63  }
0x4b: {  	s17 =	rddreg [dreg:$0xd]  }
0x4c: {  	[tilespmem:s24], [sflag:$0x4] =	stream.linear.gather [hbm4b:s17+s3], $0x50, $0x38;
	[tilespmem:$0x1F200] =	vst v63  }
0x4d: {  	_ = 	snop  }
0x4e: {  	[spmem:s1] =	stream.indirect.scatter.add.f32 [tilespmem:s26], [sflag:$0x8], $0x80, s28, s22, $0xb8;
	[tilespmem:$0x1F200] =	vst v63  }
0x4f: {  	_ =	swait.ge [sflag:s6], $0x2800  }
0x50: {  	[sflag:s6] =	ssyncset.done $0x0  }
0x51: {  	[sflag:s6] =	ssyncadd.s32 $0xFFFFD800  }
0x52: {  	_ =	swait.ge [sflag:s7], $0x50  }
0x53: {  	[sflag:s7] =	ssyncset.done $0x0  }
0x54: {  	[sflag:s7] =	ssyncadd.s32 $0xFFFFFFB0  }
0x55: {  	_ =	swait.ge [sflag:s8], $0x2800  }
0x56: {  	[sflag:s8] =	ssyncset.done $0x0  }
0x57: {  	s21 =	simm.s32 $0x200;
	[sflag:s8] =	ssyncadd.s32 $0xFFFFD800  }
0x58: {  	[tilespmem:s26], [sflag:$0x2] =	stream.indirect.gather [hbm4b:s4+s22], $0x80, s21, s22, $0xb8;
	[tilespmem:$0x1F200] =	vst v63  }
0x59: {  	s14 =	rddreg [dreg:$0xe]  }
0x5a: {  	[tilespmem:s28], [sflag:$0x5] =	stream.linear.gather [hbm4b:s14+s3], $0x50, $0x38;
	[tilespmem:$0x1F200] =	vst v63  }
0x5b: {  	_ = 	snop  }
0x5c: {  	[spmem:s1] =	stream.indirect.scatter.add.f32 [tilespmem:s0], [sflag:$0x9], $0x80, s2, s22, $0xb8;
	[tilespmem:$0x1F200] =	vst v63  }
0x5d: {  	_ =	swait.ge [sflag:s29], $0x2800  }
0x5e: {  	[sflag:s29] =	ssyncset.done $0x0  }
0x5f: {  	[sflag:s29] =	ssyncadd.s32 $0xFFFFD800  }
0x60: {  	_ =	swait.ge [sflag:s30], $0x50  }
0x61: {  	[sflag:s30] =	ssyncset.done $0x0  }
0x62: {  	[sflag:s30] =	ssyncadd.s32 $0xFFFFFFB0  }
0x63: {  	_ =	swait.ge [sflag:s10], $0x2800  }
0x64: {  	[sflag:s10] =	ssyncset.done $0x0  }
0x65: {  	s15 =	simm.s32 $0x280;
	[sflag:s10] =	ssyncadd.s32 $0xFFFFD800  }
0x66: {  	[tilespmem:s0], [sflag:$0x3] =	stream.indirect.gather [hbm4b:s4+s22], $0x80, s15, s22, $0xb8;
	[tilespmem:$0x1F200] =	vst v63  }
0x67: {  	_ = 	snop  }
0x68: {  	[tilespmem:s2], [sflag:$0x6] =	stream.linear.gather [hbm4b:s19+s3], $0x50, $0x38;
	[tilespmem:$0x1F200] =	vst v63  }
0x69: {  	_ = 	snop  }
0x6a: {  	[spmem:s1] =	stream.indirect.scatter.add.f32 [tilespmem:s23], [sflag:$0x7], $0x80, s24, s22, $0xb8;
	[tilespmem:$0x1F200] =	vst v63  }
0x6b: {  	_ =	swait.ge [sflag:s25], $0x2800  }
0x6c: {  	[sflag:s25] =	ssyncset.done $0x0  }
0x6d: {  	[sflag:s25] =	ssyncadd.s32 $0xFFFFD800  }
0x6e: {  	_ =	swait.ge [sflag:s31], $0x50  }
0x6f: {  	[sflag:s31] =	ssyncset.done $0x0  }
0x70: {  	[sflag:s31] =	ssyncadd.s32 $0xFFFFFFB0  }
0x71: {  	_ =	swait.ge [sflag:s5], $0x2800  }
0x72: {  	[sflag:s5] =	ssyncset.done $0x0  }
0x73: {  	s16 =	simm.s32 $0x300;
	[sflag:s5] =	ssyncadd.s32 $0xFFFFD800  }
0x74: {  	[tilespmem:s23], [sflag:$0x1] =	stream.indirect.gather [hbm4b:s4+s22], $0x80, s16, s22, $0xb8;
	[tilespmem:$0x1F200] =	vst v63  }
0x75: {  	_ = 	snop  }
0x76: {  	[tilespmem:s24], [sflag:$0x4] =	stream.linear.gather [hbm4b:s18+s3], $0x50, $0x38;
	[tilespmem:$0x1F200] =	vst v63  }
0x77: {  	_ = 	snop  }
0x78: {  	[spmem:s1] =	stream.indirect.scatter.add.f32 [tilespmem:s26], [sflag:$0x8], $0x80, s28, s22, $0xb8;
	[tilespmem:$0x1F200] =	vst v63  }
0x79: {  	_ =	swait.ge [sflag:s6], $0x2800  }
0x7a: {  	[sflag:s6] =	ssyncset.done $0x0  }
0x7b: {  	[sflag:s6] =	ssyncadd.s32 $0xFFFFD800  }
0x7c: {  	_ =	swait.ge [sflag:s7], $0x50  }
0x7d: {  	[sflag:s7] =	ssyncset.done $0x0  }
0x7e: {  	[sflag:s7] =	ssyncadd.s32 $0xFFFFFFB0  }
0x7f: {  	_ =	swait.ge [sflag:s8], $0x2800  }
0x80: {  	s9 =	sadd.s32 $0x1E, s19;
	[sflag:s8] =	ssyncset.done $0x0  }
0x81: {  	s17 =	simm.s32 $0x380;
	s21 =	rddreg [dreg:$0xf];
	[sflag:s8] =	ssyncadd.s32 $0xFFFFD800  }
0x82: {  	[tilespmem:s26], [sflag:$0x2] =	stream.indirect.gather [hbm4b:s4+s22], $0x80, s17, s22, $0xb8;
	[tilespmem:$0x1F200] =	vst v63  }
0x83: {  	s14 =	simm.s32 $0x600;
	s16 =	sadd.s32 $0x1E, s18;
	s15 =	sadd.s32 $0x1E, s21  }
0x84: {  	[tilespmem:s28], [sflag:$0x5] =	stream.linear.gather [hbm4b:s21+s3], $0x50, $0x38;
	[tilespmem:$0x1F200] =	vst v63  }
.LBB2_2:
0x85: {  	[spmem:s1] =	stream.indirect.scatter.add.f32 [tilespmem:s0], [sflag:$0x9], $0x80, s2, s22, $0xb8;
	[tilespmem:$0x1F200] =	vst v63  }
0x86: {  	s21 =	smov.u32 s14  }
0x87: {  	p1 =	sne.s32 s14, $0xEA00;
	s14 =	sadd.s32 $0x600, s14;
	_ =	swait.ge [sflag:s29], $0x2800  }
0x88: {  	[sflag:s29] =	ssyncset.done $0x0  }
0x89: {  	[sflag:s29] =	ssyncadd.s32 $0xFFFFD800  }
0x8a: {  	_ =	swait.ge [sflag:s30], $0x50  }
0x8b: {  	[sflag:s30] =	ssyncset.done $0x0  }
0x8c: {  	[sflag:s30] =	ssyncadd.s32 $0xFFFFFFB0  }
0x8d: {  	_ =	swait.ge [sflag:s10], $0x2800  }
0x8e: {  	s21 =	sshra.s32 s21, $0x2;
	[sflag:s10] =	ssyncset.done $0x0  }
0x8f: {  	s17 =	sadd.s32 $0x280, s21;
	[sflag:s10] =	ssyncadd.s32 $0xFFFFD800  }
0x90: {  	[tilespmem:s0], [sflag:$0x3] =	stream.indirect.gather [hbm4b:s4+s22], $0x80, s17, s22, $0xb8;
	[tilespmem:$0x1F200] =	vst v63  }
0x91: {  	_ = 	snop  }
0x92: {  	[tilespmem:s2], [sflag:$0x6] =	stream.linear.gather [hbm4b:s9+s3], $0x50, $0x38;
	[tilespmem:$0x1F200] =	vst v63  }
0x93: {  	_ = 	snop  }
0x94: {  	[spmem:s1] =	stream.indirect.scatter.add.f32 [tilespmem:s23], [sflag:$0x7], $0x80, s24, s22, $0xb8;
	[tilespmem:$0x1F200] =	vst v63  }
0x95: {  	_ =	swait.ge [sflag:s25], $0x2800  }
0x96: {  	[sflag:s25] =	ssyncset.done $0x0  }
0x97: {  	[sflag:s25] =	ssyncadd.s32 $0xFFFFD800  }
0x98: {  	_ =	swait.ge [sflag:s31], $0x50  }
0x99: {  	[sflag:s31] =	ssyncset.done $0x0  }
0x9a: {  	[sflag:s31] =	ssyncadd.s32 $0xFFFFFFB0  }
0x9b: {  	_ =	swait.ge [sflag:s5], $0x2800  }
0x9c: {  	[sflag:s5] =	ssyncset.done $0x0  }
0x9d: {  	s17 =	sadd.s32 $0x300, s21;
	[sflag:s5] =	ssyncadd.s32 $0xFFFFD800  }
0x9e: {  	[tilespmem:s23], [sflag:$0x1] =	stream.indirect.gather [hbm4b:s4+s22], $0x80, s17, s22, $0xb8;
	[tilespmem:$0x1F200] =	vst v63  }
0x9f: {  	_ = 	snop  }
0xa0: {  	[tilespmem:s24], [sflag:$0x4] =	stream.linear.gather [hbm4b:s16+s3], $0x50, $0x38;
	[tilespmem:$0x1F200] =	vst v63  }
0xa1: {  	_ = 	snop  }
0xa2: {  	[spmem:s1] =	stream.indirect.scatter.add.f32 [tilespmem:s26], [sflag:$0x8], $0x80, s28, s22, $0xb8;
	[tilespmem:$0x1F200] =	vst v63  }
0xa3: {  	_ =	swait.ge [sflag:s6], $0x2800  }
0xa4: {  	[sflag:s6] =	ssyncset.done $0x0  }
0xa5: {  	[sflag:s6] =	ssyncadd.s32 $0xFFFFD800  }
0xa6: {  	_ =	swait.ge [sflag:s7], $0x50  }
0xa7: {  	[sflag:s7] =	ssyncset.done $0x0  }
0xa8: {  	[sflag:s7] =	ssyncadd.s32 $0xFFFFFFB0  }
0xa9: {  	_ =	swait.ge [sflag:s8], $0x2800  }
0xaa: {  	[sflag:s8] =	ssyncset.done $0x0  }
.Ltmp0:
0xab: {  	s17 =	sadd.s32 $0x380, s21;
	[sflag:s8] =	ssyncadd.s32 $0xFFFFD800;
	(pc) =	sbr.rel @p1 .LBB2_2-.Ltmp0, $4  }
0xac: {  	[tilespmem:s26], [sflag:$0x2] =	stream.indirect.gather [hbm4b:s4+s22], $0x80, s17, s22, $0xb8;
	[tilespmem:$0x1F200] =	vst v63  }
0xad: {  	_ = 	snop  }
0xae: {  	[tilespmem:s28], [sflag:$0x5] =	stream.linear.gather [hbm4b:s15+s3], $0x50, $0x38;
	[tilespmem:$0x1F200] =	vst v63  }
0xaf: {  	s9 =	sadd.s32 $0x1E, s9;
	s16 =	sadd.s32 $0x1E, s16;
	s15 =	sadd.s32 $0x1E, s15  }
0xb0: {  	[spmem:s1] =	stream.indirect.scatter.add.f32 [tilespmem:s0], [sflag:$0x9], $0x80, s2, s22, $0xb8;
	[tilespmem:$0x1F200] =	vst v63  }
0xb1: {  	_ =	swait.ge [sflag:s29], $0x2800  }
0xb2: {  	[sflag:s29] =	ssyncset.done $0x0  }
0xb3: {  	[sflag:s29] =	ssyncadd.s32 $0xFFFFD800  }
0xb4: {  	_ =	swait.ge [sflag:s30], $0x50  }
0xb5: {  	[sflag:s30] =	ssyncset.done $0x0  }
0xb6: {  	[sflag:s30] =	ssyncadd.s32 $0xFFFFFFB0  }
0xb7: {  	_ =	swait.ge [sflag:s10], $0x2800  }
0xb8: {  	[sflag:s10] =	ssyncset.done $0x0  }
0xb9: {  	[sflag:s10] =	ssyncadd.s32 $0xFFFFD800  }
0xba: {  	[spmem:s1] =	stream.indirect.scatter.add.f32 [tilespmem:s23], [sflag:$0x7], $0x80, s24, s22, $0xb8;
	[tilespmem:$0x1F200] =	vst v63  }
0xbb: {  	_ =	swait.ge [sflag:s25], $0x2800  }
0xbc: {  	[sflag:s25] =	ssyncset.done $0x0  }
0xbd: {  	[sflag:s25] =	ssyncadd.s32 $0xFFFFD800  }
0xbe: {  	_ =	swait.ge [sflag:s31], $0x50  }
0xbf: {  	[sflag:s31] =	ssyncset.done $0x0  }
0xc0: {  	[sflag:s31] =	ssyncadd.s32 $0xFFFFFFB0  }
0xc1: {  	_ =	swait.ge [sflag:s5], $0x2800  }
0xc2: {  	[sflag:s5] =	ssyncset.done $0x0  }
0xc3: {  	[sflag:s5] =	ssyncadd.s32 $0xFFFFD800  }
0xc4: {  	[spmem:s1] =	stream.indirect.scatter.add.f32 [tilespmem:s26], [sflag:$0x8], $0x80, s28, s22, $0xb8;
	[tilespmem:$0x1F200] =	vst v63  }
0xc5: {  	_ =	swait.ge [sflag:s8], $0x2800  }
0xc6: {  	[sflag:s8] =	ssyncset.done $0x0  }
0xc7: {  	[sflag:s8] =	ssyncadd.s32 $0xFFFFD800  }
0xc8: {  	[bflag:$0x0] =	sbarrier.arrive $0xFFFF  }
0xc9: {  	s9 =	simm.s32 @p0 $0x1FCA;
	s14 =	rddreg [dreg:$0xa]  }
0xca: {  	[hbm:s14], [sflag:s9] =	dma.local @p0 [spmem:s20], $0x2800  }
0xcb: {  	s9 =	simm.s32 @p0 $0xA  }
0xcc: {  	_ =	swait.ge @p0 [sflag:s9], $0x2800  }
0xcd: {  	[sflag:s9] =	ssyncset.done @p0 $0x0  }
0xce: {  	[sflag:s9] =	ssyncadd.s32 @p0 $0xFFFFD800;
	s9 =	rddreg [dreg:$0x9]  }
0xcf: {  	[hbm:s9], [sflag:s12] =	dma.local @!p0 [spmem:s13], $0x2700  }
0xd0: {  	s9 =	simm.s32 @!p0 $0xA  }
0xd1: {  	_ =	swait.ge @!p0 [sflag:s9], $0x2700  }
0xd2: {  	s11 =	sadd.s32 $0x1, s11;
	s21 =	rddreg [dreg:$0xb]  }
0xd3: {  	p1 =	sne.s32 s11, s21  }
.Ltmp1:
0xd4: {  	_ = 	snop;
	(pc) =	sbr.rel @p1 .LBB2_1-.Ltmp1, $3  }
0xd5: {  	_ =	sdelay $0x1  }
0xd6: {  	[sflag:s9] =	ssyncset.done @!p0 $0x0  }
0xd7: {  	[sflag:s9] =	ssyncadd.s32 @!p0 $0xFFFFD900  }
0xd8: {  	_ =	sfence.sel $0x180000  }
0xd9: {  	[bflag:$0x0] =	sbarrier.arrive $0xFFFF  }
0xda: {  	_ =	strace $0x9000004A  }
0xdb: {  	s0 =	stileid.u32;
	[bflag:$0x2] =	sbarrier.arrive $0xFFFF  }
0xdc: {  	p0 =	sne.s32 s0, $0x0;
	s0 =	rddreg [dreg:$0x2]  }
0xdd: {  	s0 =	sadd.s32 @!p0 $0x100000, s0  }
0xde: {  	[sflag:s0] =	ssyncadd.tile.s32 @!p0 $0x1;
	_ =	shalt  }
.Lfunc_end2:
_tile_overlayer_lowered:
.L_overlay_start_2:
0xdf: {  	(tag) =	ssettag $0x2  }
0xe0: {  	s0 =	rddreg [dreg:$0x0];
	s2 =	stileid.u32  }
0xe1: {  	s1 =	rddreg [dreg:$0x1];
	p0 =	sne.s32 s2, $0x0  }
0xe2: {  	s3 =	rddreg [dreg:$0x2];
	[bflag:$0x3] =	sbarrier.arrive $0xFFFF;
	s2 =	simm.s32 @!p0 $0x1C0A  }
0xe3: {  	[timem:s3], [sflag:s2] =	dma.local @!p0 [hbm:s0], s1  }
0xe4: {  	s0 =	simm.s32 @!p0 $0xA  }
0xe5: {  	_ =	swait.ge @!p0 [sflag:s0], s1  }
0xe6: {  	s1 =	ssub.s32 @!p0 $0x0, s1;
	[sflag:s0] =	ssyncset.done @!p0 $0x0  }
0xe7: {  	[sflag:s0] =	ssyncadd.s32 @!p0 s1  }
0xe8: {  	[bflag:$0x3] =	sbarrier.arrive $0xFFFF  }
0xe9: {  	_ =	shalt  }

// kernel: kernel.20.cloned.1.call-start
scs
__scs_entry_jumppad:
0x0: {  	(pc) =	sbr.rel $0x88, $3  }
0x1: {  	(tag) =	ssettag $0x0;
	lr =	simm.s32 $0x1  }
0x2: {  	[smem:$0x3F96] =	sst lr;
	_ =	strace $0xD0000000  }
0x3: {  	_ = 	snop  }
0x4: {  	_ = 	snop  }
0x5: {  	_ = 	snop  }
0x6: {  	_ = 	snop  }
0x7: {  	_ = 	snop  }
__scs_overlays_trampoline_lowered:
0x8: {  	[smem:$0x3FA5] =	sst s0  }
0x9: {  	[smem:$0x3FA6] =	sst s1  }
0xa: {  	[smem:$0x3FA7] =	sst s2  }
0xb: {  	[smem:$0x3FA8] =	sst s3  }
0xc: {  	[smem:$0x3FA9] =	sst s4  }
0xd: {  	[smem:$0x3FAA] =	sst s5  }
0xe: {  	[smem:$0x3FAB] =	sst s6  }
0xf: {  	[smem:$0x3FAC] =	sst s7  }
0x10: {  	[smem:$0x3FAD] =	sst s8  }
0x11: {  	[smem:$0x3FAE] =	sst s9;
	s0 =	simm.s32 @!p0 $0x0  }
0x12: {  	s1 =	sld [smem:$0x3F94];
	s0 =	simm.s32 @p0 $0x1  }
0x13: {  	[smem:$0x3FAF] =	sst s0;
	s0 =	simm.s32 @!p1 $0x0  }
0x14: {  	s2 =	sld [smem:$0x3F93];
	s0 =	simm.s32 @p1 $0x1  }
0x15: {  	[smem:$0x3FB0] =	sst s0;
	s0 =	simm.s32 @!p2 $0x0  }
0x16: {  	s3 =	sld [smem:$0x3FDB];
	s0 =	simm.s32 @p2 $0x1  }
0x17: {  	s4 =	simm.s32 $0x1BF5;
	[smem:$0x3FB2] =	sst s0  }
0x18: {  	s0 =	sld [smem:$0x3F95];
	_ =	swait.ge [sflag:s4], $0x0  }
0x19: {  	s7 =	sld [smem:$0x3F96]  }
0x1a: {  	s8 =	sadd.s32 $0xFFFFE003, lr  }
0x1b: {  	s9 =	sadd.s32 $0xFFFFFEF7, lr;
	s5 =	simm.s32 $0xFFFFFFFF;
	p2 =	slt.u32 s8, $0xFFFFF086  }
0x1c: {  	p1 =	slt.u32 s9, $0xF7A;
	s5 =	simm.s32 @!p2 $0x0  }
0x1d: {  	s5 =	simm.s32 @p1 $0x1;
	p0 =	seq.s32 s7, s2  }
0x1e: {  	s7 =	smul.u32 @!p0 $0xF7A, s2;
	p2 =	seq.s32 @!p0 s5, $0x0  }
0x1f: {  	s9 =	smul.u32 $0xF7A, s1;
	s8 =	simm.s32 @!p0 $0x1BF5;
	p2 =	por !p2, p0  }
0x20: {  	[sflag:s8] =	ssyncset.s32 @!p0 $0xFFFFF086;
	s6 =	sadd.s32 @!p0 s3, s7;
	s7 =	simm.s32 @!p0 $0x108  }
0x21: {  	s3 =	sadd.s32 s3, s9;
	s6 =	sadd.s32 @!p0 $0x88, s6;
	s7 =	simm.s32 @p2 $0x1082  }
0x22: {  	[simem:s7], [sflag:s8] =	dma.local @!p0 [hbm:s6], $0xF7A  }
0x23: {  	s9 =	sor.u32 $0xD0000000, s2;
	s6 =	simm.s32 $0x108;
	_ =	swait.ge @!p0 [sflag:s8], $0x0  }
0x24: {  	s3 =	sadd.s32 $0x88, s3;
	s6 =	simm.s32 @!p1 $0x1082;
	[sflag:s4] =	ssyncset.s32 $0xFFFFF086  }
0x25: {  	[simem:s6], [sflag:s4] =	dma.local [hbm:s3], $0xF7A  }
0x26: {  	[smem:$0x3F96] =	sst s1;
	(tag) =	ssettag s2;
	_ =	strace s9  }
0x27: {  	s1 =	sld [smem:$0x3FA6]  }
0x28: {  	s2 =	sld [smem:$0x3FA7]  }
0x29: {  	s4 =	sld [smem:$0x3FA9]  }
0x2a: {  	p0 =	seq.s32 s5, $0x0;
	s5 =	sld [smem:$0x3FAA]  }
0x2b: {  	s6 =	sld [smem:$0x3FAB]  }
0x2c: {  	s7 =	sld [smem:$0x3FAC]  }
0x2d: {  	s3 =	simm.s32 $0x108;
	s8 =	sld [smem:$0x3FAD]  }
0x2e: {  	s3 =	simm.s32 @!p0 $0x1082;
	s9 =	sld [smem:$0x3FAE]  }
0x2f: {  	lr =	sadd.s32 s0, s3;
	s0 =	sld [smem:$0x3FA5]  }
0x30: {  	s3 =	sld [smem:$0x3FA8]  }
0x31: {  	[smem:$0x3FB1] =	sst s10  }
0x32: {  	s10 =	sld [smem:$0x3FAF];
	_ =	sdelay $0x3  }
0x33: {  	p0 =	seq.s32 s10, $0x1;
	s10 =	sld [smem:$0x3FB1];
	_ =	sdelay $0x3  }
0x34: {  	[smem:$0x3FB1] =	sst s10  }
0x35: {  	s10 =	sld [smem:$0x3FB0];
	_ =	sdelay $0x3  }
0x36: {  	p1 =	seq.s32 s10, $0x1;
	s10 =	sld [smem:$0x3FB1];
	_ =	sdelay $0x3  }
0x37: {  	[smem:$0x3FB1] =	sst s10  }
0x38: {  	s10 =	sld [smem:$0x3FB2]  }
0x39: {  	_ = 	snop;
	(pc) =	sbr.ind lr, $3  }
0x3a: {  	_ = 	snop  }
0x3b: {  	_ = 	snop  }
0x3c: {  	p2 =	seq.s32 s10, $0x1;
	s10 =	sld [smem:$0x3FB1]  }
0x3d: {  	_ =	shalt  }
0x3e: {  	_ =	shalt  }
0x3f: {  	_ =	shalt  }
0x40: {  	_ =	shalt  }
0x41: {  	_ =	shalt  }
0x42: {  	_ =	shalt  }
0x43: {  	_ =	shalt  }
0x44: {  	_ =	shalt  }
0x45: {  	_ =	shalt  }
0x46: {  	_ =	shalt  }
0x47: {  	_ =	shalt  }
0x48: {  	_ =	shalt  }
0x49: {  	_ =	shalt  }
0x4a: {  	_ =	shalt  }
0x4b: {  	_ =	shalt  }
0x4c: {  	_ =	shalt  }
0x4d: {  	_ =	shalt  }
0x4e: {  	_ =	shalt  }
0x4f: {  	_ =	shalt  }
0x50: {  	_ =	shalt  }
0x51: {  	_ =	shalt  }
0x52: {  	_ =	shalt  }
0x53: {  	_ =	shalt  }
0x54: {  	_ =	shalt  }
0x55: {  	_ =	shalt  }
0x56: {  	_ =	shalt  }
0x57: {  	_ =	shalt  }
0x58: {  	_ =	shalt  }
0x59: {  	_ =	shalt  }
0x5a: {  	_ =	shalt  }
0x5b: {  	_ =	shalt  }
0x5c: {  	_ =	shalt  }
0x5d: {  	_ =	shalt  }
0x5e: {  	_ =	shalt  }
0x5f: {  	_ =	shalt  }
0x60: {  	_ =	shalt  }
0x61: {  	_ =	shalt  }
0x62: {  	_ =	shalt  }
0x63: {  	_ =	shalt  }
0x64: {  	_ =	shalt  }
0x65: {  	_ =	shalt  }
0x66: {  	_ =	shalt  }
0x67: {  	_ =	shalt  }
0x68: {  	_ =	shalt  }
0x69: {  	_ =	shalt  }
0x6a: {  	_ =	shalt  }
0x6b: {  	_ =	shalt  }
0x6c: {  	_ =	shalt  }
0x6d: {  	_ =	shalt  }
0x6e: {  	_ =	shalt  }
0x6f: {  	_ =	shalt  }
0x70: {  	_ =	shalt  }
0x71: {  	_ =	shalt  }
0x72: {  	_ =	shalt  }
0x73: {  	_ =	shalt  }
0x74: {  	_ =	shalt  }
0x75: {  	_ =	shalt  }
0x76: {  	_ =	shalt  }
0x77: {  	_ =	shalt  }
0x78: {  	_ =	shalt  }
0x79: {  	_ =	shalt  }
0x7a: {  	_ =	shalt  }
0x7b: {  	_ =	shalt  }
0x7c: {  	_ =	shalt  }
0x7d: {  	_ =	shalt  }
0x7e: {  	_ =	shalt  }
0x7f: {  	_ =	shalt  }
0x80: {  	_ =	shalt  }
0x81: {  	_ =	shalt  }
0x82: {  	_ =	shalt  }
0x83: {  	_ =	shalt  }
0x84: {  	_ =	shalt  }
0x85: {  	_ =	shalt  }
0x86: {  	_ =	shalt  }
0x87: {  	_ =	shalt  }
.Lfunc_end0:
.L_simem_size_0:
called_computation.2_lowered:
.L_overlay_start_0:
0x88: {  	s2 =	sld [smem:$0x3FD9]  }
0x89: {  	s3 =	sld [smem:$0x3FFE];
	_ =	sdelay $0x1  }
0x8a: {  	s1 =	srdreg.scid  }
0x8b: {  	s0 =	sand.u32 $0x1, s1  }
0x8c: {  	s16 =	sshll.u32 s0, $0xA;
	s2 =	sadd.s32 s3, s2  }
0x8d: {  	s2 =	sadd.s32 s2, s16  }
0x8e: {  	[smem:$0x3FBD] =	sst s2  }
0x8f: {  	_ = 	snop  }
0x90: {  	(tm) =	ssettm $0x1  }
0x91: {  	s17 =	sld [smem:$0x3FFB];
	_ =	sdelay $0x3  }
0x92: {  	_ =	strace s17  }
0x93: {  	s2 =	sld [smem:$0x3FFC];
	_ =	sdelay $0x3  }
0x94: {  	_ =	strace s2  }
0x95: {  	s2 =	sld [smem:$0x3FFD];
	_ =	sdelay $0x3  }
0x96: {  	_ =	strace s2  }
0x97: {  	_ =	strace $0x8FFFFFFF  }
0x98: {  	s18 =	sld [smem:$0x3FDB];
	_ =	sdelay $0x1  }
0x99: {  	s19 =	simm.s32 $_scs_section_size  }
0x9a: {  	s4 =	simm.s32 $_size__tile_overlayer_lowered;
	s5 =	simm.s32 $_tile_overlayer_lowered  }
0x9b: {  	s22 =	simm.s32 $0x1BFF;
	s21 =	sshll.u32 s5, $0x1;
	s2 =	sadd.s32 s19, s18  }
0x9c: {  	s6 =	simm.s32 $0x0;
	s20 =	sshll.u32 s4, $0x1;
	s4 =	sadd.s32 s21, s2  }
0x9d: {  	[timem:s6], [sflag:s22] =	dma.local [hbm:s4], s20  }
0x9e: {  	_ =	swait.ge [sflag:s22], s20  }
0x9f: {  	s3 =	ssub.s32 $0x0, s20;
	[sflag:s22] =	ssyncset.done $0x0  }
0xa0: {  	[sflag:s22] =	ssyncadd.s32 s3;
	_ =	sdelay $0x1  }
0xa1: {  	s23 =	simm.s32 $0x1B8B  }
0xa2: {  	_ =	swait.ge [sflag:s23], $0x1  }
0xa3: {  	[sflag:s23] =	ssyncset.done $0x0  }
0xa4: {  	s25 =	simm.s32 $0x1B8E;
	s24 =	sld [smem:$0x3FFE];
	[sflag:s23] =	ssyncadd.s32 $0xFFFFFFFF  }
0xa5: {  	s26 =	simm.s32 $execute0_lowered;
	[smem:$0x3FD2] =	sst s25  }
0xa6: {  	s4 =	sshll.u32 s26, $0x1;
	_ =	strace $0x8000004C;
	[dreg:$0x1] =	wrdreg $0xFFFFFFFF  }
0xa7: {  	s28 =	simm.s32 $_size_execute0_lowered;
	s2 =	sadd.s32 s2, s4;
	[dreg:$0x0] =	wrdreg $0x0  }
0xa8: {  	s4 =	sshll.u32 s28, $0x1;
	[dreg:$0x2] =	wrdreg s2  }
0xa9: {  	[dreg:$0x3] =	wrdreg s4  }
0xaa: {  	[dreg:$0x4] =	wrdreg $0xC0  }
0xab: {  	_ =	task [dreg:s6], $0x5FFFF  }
0xac: {  	[dreg:$0x1] =	wrdreg $0xFFFFFFFF  }
0xad: {  	[dreg:$0x0] =	wrdreg $0x60  }
0xae: {  	[dreg:$0x2] =	wrdreg s24  }
0xaf: {  	[dreg:$0x3] =	wrdreg $0xB9800  }
0xb0: {  	[dreg:$0x4] =	wrdreg $0x9  }
0xb1: {  	_ =	task.clear_ibuf [dreg:s6], $0x5FFFF;
	_ =	strace $0x9000004C  }
0xb2: {  	s29 =	simm.s32 $0x9;
	_ =	strace $0x8000004E  }
0xb3: {  	_ =	swait.ge [sflag:s29], $0x1  }
0xb4: {  	[sflag:s29] =	ssyncadd.s32 $0xFFFFFFFF  }
0xb5: {  	_ =	strace $0x9000004E  }
0xb6: {  	_ =	sfence  }
0xb7: {  	s30 =	sld [smem:$0x0];
	_ =	sdelay $0x2  }
0xb8: {  	s31 =	sshll.u32 s1, $0xD;
	s1 =	sshrl.u32 s1, $0x2  }
0xb9: {  	s3 =	sand.u32 $0x4000, s31;
	s1 =	sadd.s32 s1, s30  }
0xba: {  	s0 =	sor.u32 s3, s0;
	s1 =	sshll.u32 s1, $0x11  }
0xbb: {  	s0 =	sor.u32 s1, s0  }
0xbc: {  	s0 =	sadd.s32 $0x8F2B, s0  }
0xbd: {  	[sflag:s0] =	ssyncadd.remote.s32 $0x1  }
0xbe: {  	_ =	sfence.sel $0xFFFF  }
0xbf: {  	[dreg:$0x0] =	wrdreg $0xFFFFFFFF;
	(pc) =	sbr.abs _section_cstart, $3  }
0xc0: {  	[dreg:$0x1] =	wrdreg $0xFFFFFFFF  }
0xc1: {  	_ =	task.clear_ibuf [dreg:s6], $0x2FFFF;
	_ =	strace $0x9FFFFFFF  }
0xc2: {  	(tm) =	ssettm $0x7FFFFFFF  }
0xc3: {  	_ =	shalt  }
tec
execute0_lowered:
.L_overlay_start_1:
0x0: {  	(tag) =	ssettag $0x1  }
0x1: {  	s0 =	rddreg [dreg:$0x0]  }
0x2: {  	s1 =	rddreg [dreg:$0x1];
	s2 =	srdreg.scid;
	s3 =	simm.s32 $0x0  }
0x3: {  	s14 =	stileid.u32;
	s28 =	simm.s32 $0x4080;
	s29 =	simm.s32 $0x1  }
0x4: {  	s30 =	simm.s32 $0x4;
	s31 =	simm.s32 $0x5;
	s7 =	smul.u32 $0x2700, s14  }
0x5: {  	s2 =	sand.u32 $0x1, s2;
	[smem:$0x7FF] =	sst s3;
	s10 =	smul.u32 $0x4E000, s14  }
0x6: {  	s8 =	sadd.s32 $0x2E00, s0;
	s12 =	sadd.s32 $0x92000, s0;
	s16 =	smul.u32 $0x2710, s14  }
0x7: {  	p0 =	seq.s32 s14, $0xF;
	s4 =	sshll.u32 s2, $0x4;
	s26 =	smul.u32 $0x27100, s2  }
0x8: {  	_ =	strace $0x8000004D;
	s9 =	ssub.s32 $0x2, s2;
	s2 =	smul.u32 $0x138800, s2  }
0x9: {  	s5 =	sor.u32 s14, s4;
	s4 =	sadd.s32 $0x33E00, s0;
	s11 =	sadd.s32 s7, s0  }
0xa: {  	s13 =	sshrl.u32 s9, $0x1;
	s10 =	sshrl.u32 s10, $0x2;
	s6 =	sshll.u32 s5, $0xB  }
0xb: {  	s9 =	ssub.s32 s9, s13;
	s5 =	smul.u32 $0x2710, s5;
	s10 =	sadd.s32 s10, s1  }
0xc: {  	s25 =	sadd.s32 $0xCC00, s11;
	s11 =	sadd.s32 $0x124800, s1;
	s15 =	sadd.s32 s7, s26  }
0xd: {  	s2 =	sshrl.u32 s2, $0x3;
	s20 =	sadd.s32 s16, s26;
	[dreg:$0x3] =	wrdreg s10  }
0xe: {  	s7 =	simm.s32 $0x6;
	s6 =	sadd.s32 s6, s0;
	[dreg:$0x4] =	wrdreg s25  }
0xf: {  	s0 =	sadd.s32 $0x31500, s0;
	s18 =	sadd.s32 s12, s2;
	s19 =	smax.u32 s9, $0x1  }
0x10: {  	s23 =	sadd.s32 $0x230, s20;
	s25 =	sadd.s32 $0x1E0, s20;
	s10 =	simm.s32 $0x9  }
0x11: {  	s5 =	sshrl.u32 s5, $0x3;
	[dreg:$0x5] =	wrdreg s0;
	s6 =	sadd.s32 $0x82000, s6  }
0x12: {  	s0 =	sadd.s32 s12, s15;
	[dreg:$0xb] =	wrdreg s19;
	s2 =	sshrl.u32 s23, $0x3  }
0x13: {  	s26 =	sshrl.u32 s25, $0x3;
	s23 =	simm.s32 $0x4180;
	[dreg:$0x6] =	wrdreg s6  }
0x14: {  	s25 =	simm.s32 $0x2;
	[dreg:$0x9] =	wrdreg s0;
	s0 =	sadd.s32 $0x24900, s18  }
0x15: {  	s13 =	sadd.s32 s8, s5;
	s2 =	sadd.s32 s2, s8;
	[dreg:$0xa] =	wrdreg s0  }
0x16: {  	s18 =	sadd.s32 s26, s8;
	s26 =	simm.s32 $0x6980;
	[dreg:$0x7] =	wrdreg s13  }
0x17: {  	s5 =	simm.s32 $0x7;
	s17 =	sadd.s32 $0xA, s13;
	[dreg:$0xf] =	wrdreg s2  }
0x18: {  	s6 =	simm.s32 $0x3;
	s21 =	sadd.s32 $0x14, s13;
	[dreg:$0x8] =	wrdreg s17  }
0x19: {  	s22 =	sadd.s32 $0x1E, s13;
	s24 =	sadd.s32 $0x28, s13;
	[dreg:$0xc] =	wrdreg s21  }
0x1a: {  	s0 =	sadd.s32 $0x190, s20;
	s20 =	sshrl.u32 @p0 s11, $0x3;
	[dreg:$0xd] =	wrdreg s22  }
0x1b: {  	s2 =	simm.s32 $0x4100;
	s11 =	simm.s32 $0x0;
	[dreg:$0xe] =	wrdreg s24  }
0x1c: {  	s0 =	sshrl.u32 s0, $0x3;
	s22 =	simm.s32 $0x50;
	s24 =	simm.s32 $0x4000  }
0x1d: {  	s19 =	sadd.s32 s0, s8;
	s0 =	simm.s32 $0x9180;
	s8 =	simm.s32 $0x8  }
.LBB2_1:
0x1e: {  	s9 =	simm.s32 @p0 $0x1FCA;
	s12 =	rddreg [dreg:$0x5]  }
0x1f: {  	[spmem:s20], [sflag:s9] =	dma.local @p0 [hbm:s12], $0x2800  }
0x20: {  	s9 =	simm.s32 @p0 $0xA  }
0x21: {  	_ =	swait.ge @p0 [sflag:s9], $0x2800  }
0x22: {  	s12 =	stileid.u32;
	[sflag:s9] =	ssyncset.done @p0 $0x0  }
0x23: {  	s12 =	sshll.u32 @!p0 s12, $0x6;
	[sflag:s9] =	ssyncadd.s32 @p0 $0xFFFFD800;
	s9 =	rddreg [dreg:$0x3]  }
0x24: {  	s12 =	sor.u32 @!p0 $0x1C0A, s12;
	s13 =	sshrl.u32 @!p0 s9, $0x3;
	s9 =	rddreg [dreg:$0x4]  }
0x25: {  	[spmem:s13], [sflag:s12] =	dma.local @!p0 [hbm:s9], $0x2700  }
0x26: {  	s9 =	simm.s32 @!p0 $0xA  }
0x27: {  	_ =	swait.ge @!p0 [sflag:s9], $0x2700  }
0x28: {  	[sflag:s9] =	ssyncset.done @!p0 $0x0  }
0x29: {  	s15 =	simm.s32 $0xA;
	s14 =	rddreg [dreg:$0x6];
	[sflag:s9] =	ssyncadd.s32 @!p0 $0xFFFFD900  }
0x2a: {  	[tilespmem:s3], [sflag:$0xA] =	stream.linear.gather [hbm4b:s14+s3], $0x3E80, $0x38;
	[tilespmem:$0x1F200] =	vst v63  }
0x2b: {  	_ =	swait.ge [sflag:s15], $0x3E80  }
0x2c: {  	[sflag:s15] =	ssyncset.done $0x0  }
0x2d: {  	[sflag:s15] =	ssyncadd.s32 $0xFFFFC180  }
0x2e: {  	[bflag:$0x0] =	sbarrier.arrive $0xFFFF  }
0x2f: {  	[tilespmem:s23], [sflag:$0x1] =	stream.indirect.gather [hbm4b:s4+s22], $0x80, s3, s22, $0xb8;
	[tilespmem:$0x1F200] =	vst v63  }
0x30: {  	s16 =	rddreg [dreg:$0x7]  }
0x31: {  	[tilespmem:s24], [sflag:$0x4] =	stream.linear.gather [hbm4b:s16+s3], $0x50, $0x38;
	[tilespmem:$0x1F200] =	vst v63  }
0x32: {  	s17 =	simm.s32 $0x80  }
0x33: {  	[tilespmem:s26], [sflag:$0x2] =	stream.indirect.gather [hbm4b:s4+s22], $0x80, s17, s22, $0xb8;
	[tilespmem:$0x1F200] =	vst v63  }
0x34: {  	s21 =	rddreg [dreg:$0x8]  }
0x35: {  	[tilespmem:s28], [sflag:$0x5] =	stream.linear.gather [hbm4b:s21+s3], $0x50, $0x38;
	[tilespmem:$0x1F200] =	vst v63  }
0x36: {  	_ =	swait.ge [sflag:s29], $0x2800  }
0x37: {  	[sflag:s29] =	ssyncset.done $0x0  }
0x38: {  	[sflag:s29] =	ssyncadd.s32 $0xFFFFD800  }
0x39: {  	_ =	swait.ge [sflag:s30], $0x50  }
0x3a: {  	[sflag:s30] =	ssyncset.done $0x0  }
0x3b: {  	s14 =	simm.s32 $0x100;
	[sflag:s30] =	ssyncadd.s32 $0xFFFFFFB0  }
0x3c: {  	[tilespmem:s0], [sflag:$0x3] =	stream.indirect.gather [hbm4b:s4+s22], $0x80, s14, s22, $0xb8;
	[tilespmem:$0x1F200] =	vst v63  }
0x3d: {  	s15 =	rddreg [dreg:$0xc]  }
0x3e: {  	[tilespmem:s2], [sflag:$0x6] =	stream.linear.gather [hbm4b:s15+s3], $0x50, $0x38;
	[tilespmem:$0x1F200] =	vst v63  }
0x3f: {  	_ = 	snop  }
0x40: {  	[spmem:s1] =	stream.indirect.scatter.add.f32 [tilespmem:s23], [sflag:$0x7], $0x80, s24, s22, $0xb8;
	[tilespmem:$0x1F200] =	vst v63  }
0x41: {  	_ =	swait.ge [sflag:s25], $0x2800  }
0x42: {  	[sflag:s25] =	ssyncset.done $0x0  }
0x43: {  	[sflag:s25] =	ssyncadd.s32 $0xFFFFD800  }
0x44: {  	_ =	swait.ge [sflag:s31], $0x50  }
0x45: {  	[sflag:s31] =	ssyncset.done $0x0  }
0x46: {  	[sflag:s31] =	ssyncadd.s32 $0xFFFFFFB0  }
0x47: {  	_ =	swait.ge [sflag:s5], $0x2800  }
0x48: {  	[sflag:s5] =	ssyncset.done $0x0  }
0x49: {  	s16 =	simm.s32 $0x180;
	[sflag:s5] =	ssyncadd.s32 $0xFFFFD800  }
0x4a: {  	[tilespmem:s23], [sflag:$0x1] =	stream.indirect.gather [hbm4b:s4+s22], $0x80, s16, s22, $0xb8;
	[tilespmem:$0x1F200] =	vst v63  }
0x4b: {  	s17 =	rddreg [dreg:$0xd]  }
0x4c: {  	[tilespmem:s24], [sflag:$0x4] =	stream.linear.gather [hbm4b:s17+s3], $0x50, $0x38;
	[tilespmem:$0x1F200] =	vst v63  }
0x4d: {  	_ = 	snop  }
0x4e: {  	[spmem:s1] =	stream.indirect.scatter.add.f32 [tilespmem:s26], [sflag:$0x8], $0x80, s28, s22, $0xb8;
	[tilespmem:$0x1F200] =	vst v63  }
0x4f: {  	_ =	swait.ge [sflag:s6], $0x2800  }
0x50: {  	[sflag:s6] =	ssyncset.done $0x0  }
0x51: {  	[sflag:s6] =	ssyncadd.s32 $0xFFFFD800  }
0x52: {  	_ =	swait.ge [sflag:s7], $0x50  }
0x53: {  	[sflag:s7] =	ssyncset.done $0x0  }
0x54: {  	[sflag:s7] =	ssyncadd.s32 $0xFFFFFFB0  }
0x55: {  	_ =	swait.ge [sflag:s8], $0x2800  }
0x56: {  	[sflag:s8] =	ssyncset.done $0x0  }
0x57: {  	s21 =	simm.s32 $0x200;
	[sflag:s8] =	ssyncadd.s32 $0xFFFFD800  }
0x58: {  	[tilespmem:s26], [sflag:$0x2] =	stream.indirect.gather [hbm4b:s4+s22], $0x80, s21, s22, $0xb8;
	[tilespmem:$0x1F200] =	vst v63  }
0x59: {  	s14 =	rddreg [dreg:$0xe]  }
0x5a: {  	[tilespmem:s28], [sflag:$0x5] =	stream.linear.gather [hbm4b:s14+s3], $0x50, $0x38;
	[tilespmem:$0x1F200] =	vst v63  }
0x5b: {  	_ = 	snop  }
0x5c: {  	[spmem:s1] =	stream.indirect.scatter.add.f32 [tilespmem:s0], [sflag:$0x9], $0x80, s2, s22, $0xb8;
	[tilespmem:$0x1F200] =	vst v63  }
0x5d: {  	_ =	swait.ge [sflag:s29], $0x2800  }
0x5e: {  	[sflag:s29] =	ssyncset.done $0x0  }
0x5f: {  	[sflag:s29] =	ssyncadd.s32 $0xFFFFD800  }
0x60: {  	_ =	swait.ge [sflag:s30], $0x50  }
0x61: {  	[sflag:s30] =	ssyncset.done $0x0  }
0x62: {  	[sflag:s30] =	ssyncadd.s32 $0xFFFFFFB0  }
0x63: {  	_ =	swait.ge [sflag:s10], $0x2800  }
0x64: {  	[sflag:s10] =	ssyncset.done $0x0  }
0x65: {  	s15 =	simm.s32 $0x280;
	[sflag:s10] =	ssyncadd.s32 $0xFFFFD800  }
0x66: {  	[tilespmem:s0], [sflag:$0x3] =	stream.indirect.gather [hbm4b:s4+s22], $0x80, s15, s22, $0xb8;
	[tilespmem:$0x1F200] =	vst v63  }
0x67: {  	_ = 	snop  }
0x68: {  	[tilespmem:s2], [sflag:$0x6] =	stream.linear.gather [hbm4b:s19+s3], $0x50, $0x38;
	[tilespmem:$0x1F200] =	vst v63  }
0x69: {  	_ = 	snop  }
0x6a: {  	[spmem:s1] =	stream.indirect.scatter.add.f32 [tilespmem:s23], [sflag:$0x7], $0x80, s24, s22, $0xb8;
	[tilespmem:$0x1F200] =	vst v63  }
0x6b: {  	_ =	swait.ge [sflag:s25], $0x2800  }
0x6c: {  	[sflag:s25] =	ssyncset.done $0x0  }
0x6d: {  	[sflag:s25] =	ssyncadd.s32 $0xFFFFD800  }
0x6e: {  	_ =	swait.ge [sflag:s31], $0x50  }
0x6f: {  	[sflag:s31] =	ssyncset.done $0x0  }
0x70: {  	[sflag:s31] =	ssyncadd.s32 $0xFFFFFFB0  }
0x71: {  	_ =	swait.ge [sflag:s5], $0x2800  }
0x72: {  	[sflag:s5] =	ssyncset.done $0x0  }
0x73: {  	s16 =	simm.s32 $0x300;
	[sflag:s5] =	ssyncadd.s32 $0xFFFFD800  }
0x74: {  	[tilespmem:s23], [sflag:$0x1] =	stream.indirect.gather [hbm4b:s4+s22], $0x80, s16, s22, $0xb8;
	[tilespmem:$0x1F200] =	vst v63  }
0x75: {  	_ = 	snop  }
0x76: {  	[tilespmem:s24], [sflag:$0x4] =	stream.linear.gather [hbm4b:s18+s3], $0x50, $0x38;
	[tilespmem:$0x1F200] =	vst v63  }
0x77: {  	_ = 	snop  }
0x78: {  	[spmem:s1] =	stream.indirect.scatter.add.f32 [tilespmem:s26], [sflag:$0x8], $0x80, s28, s22, $0xb8;
	[tilespmem:$0x1F200] =	vst v63  }
0x79: {  	_ =	swait.ge [sflag:s6], $0x2800  }
0x7a: {  	[sflag:s6] =	ssyncset.done $0x0  }
0x7b: {  	[sflag:s6] =	ssyncadd.s32 $0xFFFFD800  }
0x7c: {  	_ =	swait.ge [sflag:s7], $0x50  }
0x7d: {  	[sflag:s7] =	ssyncset.done $0x0  }
0x7e: {  	[sflag:s7] =	ssyncadd.s32 $0xFFFFFFB0  }
0x7f: {  	_ =	swait.ge [sflag:s8], $0x2800  }
0x80: {  	s9 =	sadd.s32 $0x1E, s19;
	[sflag:s8] =	ssyncset.done $0x0  }
0x81: {  	s17 =	simm.s32 $0x380;
	s21 =	rddreg [dreg:$0xf];
	[sflag:s8] =	ssyncadd.s32 $0xFFFFD800  }
0x82: {  	[tilespmem:s26], [sflag:$0x2] =	stream.indirect.gather [hbm4b:s4+s22], $0x80, s17, s22, $0xb8;
	[tilespmem:$0x1F200] =	vst v63  }
0x83: {  	s14 =	simm.s32 $0x600;
	s16 =	sadd.s32 $0x1E, s18;
	s15 =	sadd.s32 $0x1E, s21  }
0x84: {  	[tilespmem:s28], [sflag:$0x5] =	stream.linear.gather [hbm4b:s21+s3], $0x50, $0x38;
	[tilespmem:$0x1F200] =	vst v63  }
.LBB2_2:
0x85: {  	[spmem:s1] =	stream.indirect.scatter.add.f32 [tilespmem:s0], [sflag:$0x9], $0x80, s2, s22, $0xb8;
	[tilespmem:$0x1F200] =	vst v63  }
0x86: {  	s21 =	smov.u32 s14  }
0x87: {  	p1 =	sne.s32 s14, $0xEA00;
	s14 =	sadd.s32 $0x600, s14;
	_ =	swait.ge [sflag:s29], $0x2800  }
0x88: {  	[sflag:s29] =	ssyncset.done $0x0  }
0x89: {  	[sflag:s29] =	ssyncadd.s32 $0xFFFFD800  }
0x8a: {  	_ =	swait.ge [sflag:s30], $0x50  }
0x8b: {  	[sflag:s30] =	ssyncset.done $0x0  }
0x8c: {  	[sflag:s30] =	ssyncadd.s32 $0xFFFFFFB0  }
0x8d: {  	_ =	swait.ge [sflag:s10], $0x2800  }
0x8e: {  	s21 =	sshra.s32 s21, $0x2;
	[sflag:s10] =	ssyncset.done $0x0  }
0x8f: {  	s17 =	sadd.s32 $0x280, s21;
	[sflag:s10] =	ssyncadd.s32 $0xFFFFD800  }
0x90: {  	[tilespmem:s0], [sflag:$0x3] =	stream.indirect.gather [hbm4b:s4+s22], $0x80, s17, s22, $0xb8;
	[tilespmem:$0x1F200] =	vst v63  }
0x91: {  	_ = 	snop  }
0x92: {  	[tilespmem:s2], [sflag:$0x6] =	stream.linear.gather [hbm4b:s9+s3], $0x50, $0x38;
	[tilespmem:$0x1F200] =	vst v63  }
0x93: {  	_ = 	snop  }
0x94: {  	[spmem:s1] =	stream.indirect.scatter.add.f32 [tilespmem:s23], [sflag:$0x7], $0x80, s24, s22, $0xb8;
	[tilespmem:$0x1F200] =	vst v63  }
0x95: {  	_ =	swait.ge [sflag:s25], $0x2800  }
0x96: {  	[sflag:s25] =	ssyncset.done $0x0  }
0x97: {  	[sflag:s25] =	ssyncadd.s32 $0xFFFFD800  }
0x98: {  	_ =	swait.ge [sflag:s31], $0x50  }
0x99: {  	[sflag:s31] =	ssyncset.done $0x0  }
0x9a: {  	[sflag:s31] =	ssyncadd.s32 $0xFFFFFFB0  }
0x9b: {  	_ =	swait.ge [sflag:s5], $0x2800  }
0x9c: {  	[sflag:s5] =	ssyncset.done $0x0  }
0x9d: {  	s17 =	sadd.s32 $0x300, s21;
	[sflag:s5] =	ssyncadd.s32 $0xFFFFD800  }
0x9e: {  	[tilespmem:s23], [sflag:$0x1] =	stream.indirect.gather [hbm4b:s4+s22], $0x80, s17, s22, $0xb8;
	[tilespmem:$0x1F200] =	vst v63  }
0x9f: {  	_ = 	snop  }
0xa0: {  	[tilespmem:s24], [sflag:$0x4] =	stream.linear.gather [hbm4b:s16+s3], $0x50, $0x38;
	[tilespmem:$0x1F200] =	vst v63  }
0xa1: {  	_ = 	snop  }
0xa2: {  	[spmem:s1] =	stream.indirect.scatter.add.f32 [tilespmem:s26], [sflag:$0x8], $0x80, s28, s22, $0xb8;
	[tilespmem:$0x1F200] =	vst v63  }
0xa3: {  	_ =	swait.ge [sflag:s6], $0x2800  }
0xa4: {  	[sflag:s6] =	ssyncset.done $0x0  }
0xa5: {  	[sflag:s6] =	ssyncadd.s32 $0xFFFFD800  }
0xa6: {  	_ =	swait.ge [sflag:s7], $0x50  }
0xa7: {  	[sflag:s7] =	ssyncset.done $0x0  }
0xa8: {  	[sflag:s7] =	ssyncadd.s32 $0xFFFFFFB0  }
0xa9: {  	_ =	swait.ge [sflag:s8], $0x2800  }
0xaa: {  	[sflag:s8] =	ssyncset.done $0x0  }
.Ltmp0:
0xab: {  	s17 =	sadd.s32 $0x380, s21;
	[sflag:s8] =	ssyncadd.s32 $0xFFFFD800;
	(pc) =	sbr.rel @p1 .LBB2_2-.Ltmp0, $4  }
0xac: {  	[tilespmem:s26], [sflag:$0x2] =	stream.indirect.gather [hbm4b:s4+s22], $0x80, s17, s22, $0xb8;
	[tilespmem:$0x1F200] =	vst v63  }
0xad: {  	_ = 	snop  }
0xae: {  	[tilespmem:s28], [sflag:$0x5] =	stream.linear.gather [hbm4b:s15+s3], $0x50, $0x38;
	[tilespmem:$0x1F200] =	vst v63  }
0xaf: {  	s9 =	sadd.s32 $0x1E, s9;
	s16 =	sadd.s32 $0x1E, s16;
	s15 =	sadd.s32 $0x1E, s15  }
0xb0: {  	[spmem:s1] =	stream.indirect.scatter.add.f32 [tilespmem:s0], [sflag:$0x9], $0x80, s2, s22, $0xb8;
	[tilespmem:$0x1F200] =	vst v63  }
0xb1: {  	_ =	swait.ge [sflag:s29], $0x2800  }
0xb2: {  	[sflag:s29] =	ssyncset.done $0x0  }
0xb3: {  	[sflag:s29] =	ssyncadd.s32 $0xFFFFD800  }
0xb4: {  	_ =	swait.ge [sflag:s30], $0x50  }
0xb5: {  	[sflag:s30] =	ssyncset.done $0x0  }
0xb6: {  	[sflag:s30] =	ssyncadd.s32 $0xFFFFFFB0  }
0xb7: {  	_ =	swait.ge [sflag:s10], $0x2800  }
0xb8: {  	[sflag:s10] =	ssyncset.done $0x0  }
0xb9: {  	[sflag:s10] =	ssyncadd.s32 $0xFFFFD800  }
0xba: {  	[spmem:s1] =	stream.indirect.scatter.add.f32 [tilespmem:s23], [sflag:$0x7], $0x80, s24, s22, $0xb8;
	[tilespmem:$0x1F200] =	vst v63  }
0xbb: {  	_ =	swait.ge [sflag:s25], $0x2800  }
0xbc: {  	[sflag:s25] =	ssyncset.done $0x0  }
0xbd: {  	[sflag:s25] =	ssyncadd.s32 $0xFFFFD800  }
0xbe: {  	_ =	swait.ge [sflag:s31], $0x50  }
0xbf: {  	[sflag:s31] =	ssyncset.done $0x0  }
0xc0: {  	[sflag:s31] =	ssyncadd.s32 $0xFFFFFFB0  }
0xc1: {  	_ =	swait.ge [sflag:s5], $0x2800  }
0xc2: {  	[sflag:s5] =	ssyncset.done $0x0  }
0xc3: {  	[sflag:s5] =	ssyncadd.s32 $0xFFFFD800  }
0xc4: {  	[spmem:s1] =	stream.indirect.scatter.add.f32 [tilespmem:s26], [sflag:$0x8], $0x80, s28, s22, $0xb8;
	[tilespmem:$0x1F200] =	vst v63  }
0xc5: {  	_ =	swait.ge [sflag:s8], $0x2800  }
0xc6: {  	[sflag:s8] =	ssyncset.done $0x0  }
0xc7: {  	[sflag:s8] =	ssyncadd.s32 $0xFFFFD800  }
0xc8: {  	[bflag:$0x0] =	sbarrier.arrive $0xFFFF  }
0xc9: {  	s9 =	simm.s32 @p0 $0x1FCA;
	s14 =	rddreg [dreg:$0xa]  }
0xca: {  	[hbm:s14], [sflag:s9] =	dma.local @p0 [spmem:s20], $0x2800  }
0xcb: {  	s9 =	simm.s32 @p0 $0xA  }
0xcc: {  	_ =	swait.ge @p0 [sflag:s9], $0x2800  }
0xcd: {  	[sflag:s9] =	ssyncset.done @p0 $0x0  }
0xce: {  	[sflag:s9] =	ssyncadd.s32 @p0 $0xFFFFD800;
	s9 =	rddreg [dreg:$0x9]  }
0xcf: {  	[hbm:s9], [sflag:s12] =	dma.local @!p0 [spmem:s13], $0x2700  }
0xd0: {  	s9 =	simm.s32 @!p0 $0xA  }
0xd1: {  	_ =	swait.ge @!p0 [sflag:s9], $0x2700  }
0xd2: {  	s11 =	sadd.s32 $0x1, s11;
	s21 =	rddreg [dreg:$0xb]  }
0xd3: {  	p1 =	sne.s32 s11, s21  }
.Ltmp1:
0xd4: {  	_ = 	snop;
	(pc) =	sbr.rel @p1 .LBB2_1-.Ltmp1, $3  }
0xd5: {  	_ =	sdelay $0x1  }
0xd6: {  	[sflag:s9] =	ssyncset.done @!p0 $0x0  }
0xd7: {  	[sflag:s9] =	ssyncadd.s32 @!p0 $0xFFFFD900  }
0xd8: {  	_ =	sfence.sel $0x180000  }
0xd9: {  	[bflag:$0x0] =	sbarrier.arrive $0xFFFF  }
0xda: {  	_ =	strace $0x9000004D  }
0xdb: {  	s0 =	stileid.u32;
	[bflag:$0x2] =	sbarrier.arrive $0xFFFF  }
0xdc: {  	p0 =	sne.s32 s0, $0x0;
	s0 =	rddreg [dreg:$0x2]  }
0xdd: {  	s0 =	sadd.s32 @!p0 $0x100000, s0  }
0xde: {  	[sflag:s0] =	ssyncadd.tile.s32 @!p0 $0x1;
	_ =	shalt  }
.Lfunc_end2:
_tile_overlayer_lowered:
.L_overlay_start_2:
0xdf: {  	(tag) =	ssettag $0x2  }
0xe0: {  	s0 =	rddreg [dreg:$0x0];
	s2 =	stileid.u32  }
0xe1: {  	s1 =	rddreg [dreg:$0x1];
	p0 =	sne.s32 s2, $0x0  }
0xe2: {  	s3 =	rddreg [dreg:$0x2];
	[bflag:$0x3] =	sbarrier.arrive $0xFFFF;
	s2 =	simm.s32 @!p0 $0x1C0A  }
0xe3: {  	[timem:s3], [sflag:s2] =	dma.local @!p0 [hbm:s0], s1  }
0xe4: {  	s0 =	simm.s32 @!p0 $0xA  }
0xe5: {  	_ =	swait.ge @!p0 [sflag:s0], s1  }
0xe6: {  	s1 =	ssub.s32 @!p0 $0x0, s1;
	[sflag:s0] =	ssyncset.done @!p0 $0x0  }
0xe7: {  	[sflag:s0] =	ssyncadd.s32 @!p0 s1  }
0xe8: {  	[bflag:$0x3] =	sbarrier.arrive $0xFFFF  }
0xe9: {  	_ =	shalt  }

// kernel: kernel.23.cloned.1.call-start
scs
__scs_entry_jumppad:
0x0: {  	(pc) =	sbr.rel $0x88, $3  }
0x1: {  	(tag) =	ssettag $0x0;
	lr =	simm.s32 $0x1  }
0x2: {  	[smem:$0x3F96] =	sst lr;
	_ =	strace $0xD0000000  }
0x3: {  	_ = 	snop  }
0x4: {  	_ = 	snop  }
0x5: {  	_ = 	snop  }
0x6: {  	_ = 	snop  }
0x7: {  	_ = 	snop  }
__scs_overlays_trampoline_lowered:
0x8: {  	[smem:$0x3FA5] =	sst s0  }
0x9: {  	[smem:$0x3FA6] =	sst s1  }
0xa: {  	[smem:$0x3FA7] =	sst s2  }
0xb: {  	[smem:$0x3FA8] =	sst s3  }
0xc: {  	[smem:$0x3FA9] =	sst s4  }
0xd: {  	[smem:$0x3FAA] =	sst s5  }
0xe: {  	[smem:$0x3FAB] =	sst s6  }
0xf: {  	[smem:$0x3FAC] =	sst s7  }
0x10: {  	[smem:$0x3FAD] =	sst s8  }
0x11: {  	[smem:$0x3FAE] =	sst s9;
	s0 =	simm.s32 @!p0 $0x0  }
0x12: {  	s1 =	sld [smem:$0x3F94];
	s0 =	simm.s32 @p0 $0x1  }
0x13: {  	[smem:$0x3FAF] =	sst s0;
	s0 =	simm.s32 @!p1 $0x0  }
0x14: {  	s2 =	sld [smem:$0x3F93];
	s0 =	simm.s32 @p1 $0x1  }
0x15: {  	[smem:$0x3FB0] =	sst s0;
	s0 =	simm.s32 @!p2 $0x0  }
0x16: {  	s3 =	sld [smem:$0x3FDB];
	s0 =	simm.s32 @p2 $0x1  }
0x17: {  	s4 =	simm.s32 $0x1BF5;
	[smem:$0x3FB2] =	sst s0  }
0x18: {  	s0 =	sld [smem:$0x3F95];
	_ =	swait.ge [sflag:s4], $0x0  }
0x19: {  	s7 =	sld [smem:$0x3F96]  }
0x1a: {  	s8 =	sadd.s32 $0xFFFFE003, lr  }
0x1b: {  	s9 =	sadd.s32 $0xFFFFFEF7, lr;
	s5 =	simm.s32 $0xFFFFFFFF;
	p2 =	slt.u32 s8, $0xFFFFF086  }
0x1c: {  	p1 =	slt.u32 s9, $0xF7A;
	s5 =	simm.s32 @!p2 $0x0  }
0x1d: {  	s5 =	simm.s32 @p1 $0x1;
	p0 =	seq.s32 s7, s2  }
0x1e: {  	s7 =	smul.u32 @!p0 $0xF7A, s2;
	p2 =	seq.s32 @!p0 s5, $0x0  }
0x1f: {  	s9 =	smul.u32 $0xF7A, s1;
	s8 =	simm.s32 @!p0 $0x1BF5;
	p2 =	por !p2, p0  }
0x20: {  	[sflag:s8] =	ssyncset.s32 @!p0 $0xFFFFF086;
	s6 =	sadd.s32 @!p0 s3, s7;
	s7 =	simm.s32 @!p0 $0x108  }
0x21: {  	s3 =	sadd.s32 s3, s9;
	s6 =	sadd.s32 @!p0 $0x88, s6;
	s7 =	simm.s32 @p2 $0x1082  }
0x22: {  	[simem:s7], [sflag:s8] =	dma.local @!p0 [hbm:s6], $0xF7A  }
0x23: {  	s9 =	sor.u32 $0xD0000000, s2;
	s6 =	simm.s32 $0x108;
	_ =	swait.ge @!p0 [sflag:s8], $0x0  }
0x24: {  	s3 =	sadd.s32 $0x88, s3;
	s6 =	simm.s32 @!p1 $0x1082;
	[sflag:s4] =	ssyncset.s32 $0xFFFFF086  }
0x25: {  	[simem:s6], [sflag:s4] =	dma.local [hbm:s3], $0xF7A  }
0x26: {  	[smem:$0x3F96] =	sst s1;
	(tag) =	ssettag s2;
	_ =	strace s9  }
0x27: {  	s1 =	sld [smem:$0x3FA6]  }
0x28: {  	s2 =	sld [smem:$0x3FA7]  }
0x29: {  	s4 =	sld [smem:$0x3FA9]  }
0x2a: {  	p0 =	seq.s32 s5, $0x0;
	s5 =	sld [smem:$0x3FAA]  }
0x2b: {  	s6 =	sld [smem:$0x3FAB]  }
0x2c: {  	s7 =	sld [smem:$0x3FAC]  }
0x2d: {  	s3 =	simm.s32 $0x108;
	s8 =	sld [smem:$0x3FAD]  }
0x2e: {  	s3 =	simm.s32 @!p0 $0x1082;
	s9 =	sld [smem:$0x3FAE]  }
0x2f: {  	lr =	sadd.s32 s0, s3;
	s0 =	sld [smem:$0x3FA5]  }
0x30: {  	s3 =	sld [smem:$0x3FA8]  }
0x31: {  	[smem:$0x3FB1] =	sst s10  }
0x32: {  	s10 =	sld [smem:$0x3FAF];
	_ =	sdelay $0x3  }
0x33: {  	p0 =	seq.s32 s10, $0x1;
	s10 =	sld [smem:$0x3FB1];
	_ =	sdelay $0x3  }
0x34: {  	[smem:$0x3FB1] =	sst s10  }
0x35: {  	s10 =	sld [smem:$0x3FB0];
	_ =	sdelay $0x3  }
0x36: {  	p1 =	seq.s32 s10, $0x1;
	s10 =	sld [smem:$0x3FB1];
	_ =	sdelay $0x3  }
0x37: {  	[smem:$0x3FB1] =	sst s10  }
0x38: {  	s10 =	sld [smem:$0x3FB2]  }
0x39: {  	_ = 	snop;
	(pc) =	sbr.ind lr, $3  }
0x3a: {  	_ = 	snop  }
0x3b: {  	_ = 	snop  }
0x3c: {  	p2 =	seq.s32 s10, $0x1;
	s10 =	sld [smem:$0x3FB1]  }
0x3d: {  	_ =	shalt  }
0x3e: {  	_ =	shalt  }
0x3f: {  	_ =	shalt  }
0x40: {  	_ =	shalt  }
0x41: {  	_ =	shalt  }
0x42: {  	_ =	shalt  }
0x43: {  	_ =	shalt  }
0x44: {  	_ =	shalt  }
0x45: {  	_ =	shalt  }
0x46: {  	_ =	shalt  }
0x47: {  	_ =	shalt  }
0x48: {  	_ =	shalt  }
0x49: {  	_ =	shalt  }
0x4a: {  	_ =	shalt  }
0x4b: {  	_ =	shalt  }
0x4c: {  	_ =	shalt  }
0x4d: {  	_ =	shalt  }
0x4e: {  	_ =	shalt  }
0x4f: {  	_ =	shalt  }
0x50: {  	_ =	shalt  }
0x51: {  	_ =	shalt  }
0x52: {  	_ =	shalt  }
0x53: {  	_ =	shalt  }
0x54: {  	_ =	shalt  }
0x55: {  	_ =	shalt  }
0x56: {  	_ =	shalt  }
0x57: {  	_ =	shalt  }
0x58: {  	_ =	shalt  }
0x59: {  	_ =	shalt  }
0x5a: {  	_ =	shalt  }
0x5b: {  	_ =	shalt  }
0x5c: {  	_ =	shalt  }
0x5d: {  	_ =	shalt  }
0x5e: {  	_ =	shalt  }
0x5f: {  	_ =	shalt  }
0x60: {  	_ =	shalt  }
0x61: {  	_ =	shalt  }
0x62: {  	_ =	shalt  }
0x63: {  	_ =	shalt  }
0x64: {  	_ =	shalt  }
0x65: {  	_ =	shalt  }
0x66: {  	_ =	shalt  }
0x67: {  	_ =	shalt  }
0x68: {  	_ =	shalt  }
0x69: {  	_ =	shalt  }
0x6a: {  	_ =	shalt  }
0x6b: {  	_ =	shalt  }
0x6c: {  	_ =	shalt  }
0x6d: {  	_ =	shalt  }
0x6e: {  	_ =	shalt  }
0x6f: {  	_ =	shalt  }
0x70: {  	_ =	shalt  }
0x71: {  	_ =	shalt  }
0x72: {  	_ =	shalt  }
0x73: {  	_ =	shalt  }
0x74: {  	_ =	shalt  }
0x75: {  	_ =	shalt  }
0x76: {  	_ =	shalt  }
0x77: {  	_ =	shalt  }
0x78: {  	_ =	shalt  }
0x79: {  	_ =	shalt  }
0x7a: {  	_ =	shalt  }
0x7b: {  	_ =	shalt  }
0x7c: {  	_ =	shalt  }
0x7d: {  	_ =	shalt  }
0x7e: {  	_ =	shalt  }
0x7f: {  	_ =	shalt  }
0x80: {  	_ =	shalt  }
0x81: {  	_ =	shalt  }
0x82: {  	_ =	shalt  }
0x83: {  	_ =	shalt  }
0x84: {  	_ =	shalt  }
0x85: {  	_ =	shalt  }
0x86: {  	_ =	shalt  }
0x87: {  	_ =	shalt  }
.Lfunc_end0:
.L_simem_size_0:
called_computation.3_lowered:
.L_overlay_start_0:
0x88: {  	s2 =	sld [smem:$0x3FD9]  }
0x89: {  	s3 =	sld [smem:$0x3FFE];
	_ =	sdelay $0x1  }
0x8a: {  	s1 =	srdreg.scid  }
0x8b: {  	s0 =	sand.u32 $0x1, s1  }
0x8c: {  	s16 =	sshll.u32 s0, $0xA;
	s2 =	sadd.s32 s3, s2  }
0x8d: {  	s2 =	sadd.s32 s2, s16  }
0x8e: {  	[smem:$0x3FBD] =	sst s2  }
0x8f: {  	_ = 	snop  }
0x90: {  	(tm) =	ssettm $0x1  }
0x91: {  	s17 =	sld [smem:$0x3FFB];
	_ =	sdelay $0x3  }
0x92: {  	_ =	strace s17  }
0x93: {  	s2 =	sld [smem:$0x3FFC];
	_ =	sdelay $0x3  }
0x94: {  	_ =	strace s2  }
0x95: {  	s2 =	sld [smem:$0x3FFD];
	_ =	sdelay $0x3  }
0x96: {  	_ =	strace s2  }
0x97: {  	_ =	strace $0x8FFFFFFF  }
0x98: {  	s18 =	sld [smem:$0x3FDB];
	_ =	sdelay $0x1  }
0x99: {  	s19 =	simm.s32 $_scs_section_size  }
0x9a: {  	s4 =	simm.s32 $_size__tile_overlayer_lowered;
	s5 =	simm.s32 $_tile_overlayer_lowered  }
0x9b: {  	s22 =	simm.s32 $0x1BFF;
	s21 =	sshll.u32 s5, $0x1;
	s2 =	sadd.s32 s19, s18  }
0x9c: {  	s6 =	simm.s32 $0x0;
	s20 =	sshll.u32 s4, $0x1;
	s4 =	sadd.s32 s21, s2  }
0x9d: {  	[timem:s6], [sflag:s22] =	dma.local [hbm:s4], s20  }
0x9e: {  	_ =	swait.ge [sflag:s22], s20  }
0x9f: {  	s3 =	ssub.s32 $0x0, s20;
	[sflag:s22] =	ssyncset.done $0x0  }
0xa0: {  	[sflag:s22] =	ssyncadd.s32 s3;
	_ =	sdelay $0x1  }
0xa1: {  	s23 =	simm.s32 $0x1B8B  }
0xa2: {  	_ =	swait.ge [sflag:s23], $0x1  }
0xa3: {  	[sflag:s23] =	ssyncset.done $0x0  }
0xa4: {  	s25 =	simm.s32 $0x1B8E;
	s24 =	sld [smem:$0x3FFE];
	[sflag:s23] =	ssyncadd.s32 $0xFFFFFFFF  }
0xa5: {  	s26 =	simm.s32 $execute0_lowered;
	[smem:$0x3FD2] =	sst s25  }
0xa6: {  	s4 =	sshll.u32 s26, $0x1;
	_ =	strace $0x8000004F;
	[dreg:$0x1] =	wrdreg $0xFFFFFFFF  }
0xa7: {  	s28 =	simm.s32 $_size_execute0_lowered;
	s2 =	sadd.s32 s2, s4;
	[dreg:$0x0] =	wrdreg $0x0  }
0xa8: {  	s4 =	sshll.u32 s28, $0x1;
	[dreg:$0x2] =	wrdreg s2  }
0xa9: {  	[dreg:$0x3] =	wrdreg s4  }
0xaa: {  	[dreg:$0x4] =	wrdreg $0xC0  }
0xab: {  	_ =	task [dreg:s6], $0x5FFFF  }
0xac: {  	[dreg:$0x1] =	wrdreg $0xFFFFFFFF  }
0xad: {  	[dreg:$0x0] =	wrdreg $0x60  }
0xae: {  	[dreg:$0x2] =	wrdreg s24  }
0xaf: {  	[dreg:$0x3] =	wrdreg $0xB9800  }
0xb0: {  	[dreg:$0x4] =	wrdreg $0x9  }
0xb1: {  	_ =	task.clear_ibuf [dreg:s6], $0x5FFFF;
	_ =	strace $0x9000004F  }
0xb2: {  	s29 =	simm.s32 $0x9;
	_ =	strace $0x80000051  }
0xb3: {  	_ =	swait.ge [sflag:s29], $0x1  }
0xb4: {  	[sflag:s29] =	ssyncadd.s32 $0xFFFFFFFF  }
0xb5: {  	_ =	strace $0x90000051  }
0xb6: {  	_ =	sfence  }
0xb7: {  	s30 =	sld [smem:$0x0];
	_ =	sdelay $0x2  }
0xb8: {  	s31 =	sshll.u32 s1, $0xD;
	s1 =	sshrl.u32 s1, $0x2  }
0xb9: {  	s3 =	sand.u32 $0x4000, s31;
	s1 =	sadd.s32 s1, s30  }
0xba: {  	s0 =	sor.u32 s3, s0;
	s1 =	sshll.u32 s1, $0x11  }
0xbb: {  	s0 =	sor.u32 s1, s0  }
0xbc: {  	s0 =	sadd.s32 $0x8F2B, s0  }
0xbd: {  	[sflag:s0] =	ssyncadd.remote.s32 $0x1  }
0xbe: {  	_ =	sfence.sel $0xFFFF  }
0xbf: {  	[dreg:$0x0] =	wrdreg $0xFFFFFFFF;
	(pc) =	sbr.abs _section_cstart, $3  }
0xc0: {  	[dreg:$0x1] =	wrdreg $0xFFFFFFFF  }
0xc1: {  	_ =	task.clear_ibuf [dreg:s6], $0x2FFFF;
	_ =	strace $0x9FFFFFFF  }
0xc2: {  	(tm) =	ssettm $0x7FFFFFFF  }
0xc3: {  	_ =	shalt  }
tec
execute0_lowered:
.L_overlay_start_1:
0x0: {  	(tag) =	ssettag $0x1  }
0x1: {  	s0 =	rddreg [dreg:$0x0]  }
0x2: {  	s1 =	rddreg [dreg:$0x1];
	s2 =	srdreg.scid;
	s3 =	simm.s32 $0x0  }
0x3: {  	s14 =	stileid.u32;
	s28 =	simm.s32 $0x4080;
	s29 =	simm.s32 $0x1  }
0x4: {  	s30 =	simm.s32 $0x4;
	s31 =	simm.s32 $0x5;
	s7 =	smul.u32 $0x2700, s14  }
0x5: {  	s2 =	sand.u32 $0x1, s2;
	[smem:$0x7FF] =	sst s3;
	s10 =	smul.u32 $0x4E000, s14  }
0x6: {  	s8 =	sadd.s32 $0x2E00, s0;
	s12 =	sadd.s32 $0x92000, s0;
	s16 =	smul.u32 $0x2710, s14  }
0x7: {  	p0 =	seq.s32 s14, $0xF;
	s4 =	sshll.u32 s2, $0x4;
	s26 =	smul.u32 $0x27100, s2  }
0x8: {  	_ =	strace $0x80000050;
	s9 =	ssub.s32 $0x2, s2;
	s2 =	smul.u32 $0x138800, s2  }
0x9: {  	s5 =	sor.u32 s14, s4;
	s4 =	sadd.s32 $0x33E00, s0;
	s11 =	sadd.s32 s7, s0  }
0xa: {  	s13 =	sshrl.u32 s9, $0x1;
	s10 =	sshrl.u32 s10, $0x2;
	s6 =	sshll.u32 s5, $0xB  }
0xb: {  	s9 =	ssub.s32 s9, s13;
	s5 =	smul.u32 $0x2710, s5;
	s10 =	sadd.s32 s10, s1  }
0xc: {  	s25 =	sadd.s32 $0xCC00, s11;
	s11 =	sadd.s32 $0x124800, s1;
	s15 =	sadd.s32 s7, s26  }
0xd: {  	s2 =	sshrl.u32 s2, $0x3;
	s20 =	sadd.s32 s16, s26;
	[dreg:$0x3] =	wrdreg s10  }
0xe: {  	s7 =	simm.s32 $0x6;
	s6 =	sadd.s32 s6, s0;
	[dreg:$0x4] =	wrdreg s25  }
0xf: {  	s0 =	sadd.s32 $0x31500, s0;
	s18 =	sadd.s32 s12, s2;
	s19 =	smax.u32 s9, $0x1  }
0x10: {  	s23 =	sadd.s32 $0x230, s20;
	s25 =	sadd.s32 $0x1E0, s20;
	s10 =	simm.s32 $0x9  }
0x11: {  	s5 =	sshrl.u32 s5, $0x3;
	[dreg:$0x5] =	wrdreg s0;
	s6 =	sadd.s32 $0x82000, s6  }
0x12: {  	s0 =	sadd.s32 s12, s15;
	[dreg:$0xb] =	wrdreg s19;
	s2 =	sshrl.u32 s23, $0x3  }
0x13: {  	s26 =	sshrl.u32 s25, $0x3;
	s23 =	simm.s32 $0x4180;
	[dreg:$0x6] =	wrdreg s6  }
0x14: {  	s25 =	simm.s32 $0x2;
	[dreg:$0x9] =	wrdreg s0;
	s0 =	sadd.s32 $0x24900, s18  }
0x15: {  	s13 =	sadd.s32 s8, s5;
	s2 =	sadd.s32 s2, s8;
	[dreg:$0xa] =	wrdreg s0  }
0x16: {  	s18 =	sadd.s32 s26, s8;
	s26 =	simm.s32 $0x6980;
	[dreg:$0x7] =	wrdreg s13  }
0x17: {  	s5 =	simm.s32 $0x7;
	s17 =	sadd.s32 $0xA, s13;
	[dreg:$0xf] =	wrdreg s2  }
0x18: {  	s6 =	simm.s32 $0x3;
	s21 =	sadd.s32 $0x14, s13;
	[dreg:$0x8] =	wrdreg s17  }
0x19: {  	s22 =	sadd.s32 $0x1E, s13;
	s24 =	sadd.s32 $0x28, s13;
	[dreg:$0xc] =	wrdreg s21  }
0x1a: {  	s0 =	sadd.s32 $0x190, s20;
	s20 =	sshrl.u32 @p0 s11, $0x3;
	[dreg:$0xd] =	wrdreg s22  }
0x1b: {  	s2 =	simm.s32 $0x4100;
	s11 =	simm.s32 $0x0;
	[dreg:$0xe] =	wrdreg s24  }
0x1c: {  	s0 =	sshrl.u32 s0, $0x3;
	s22 =	simm.s32 $0x50;
	s24 =	simm.s32 $0x4000  }
0x1d: {  	s19 =	sadd.s32 s0, s8;
	s0 =	simm.s32 $0x9180;
	s8 =	simm.s32 $0x8  }
.LBB2_1:
0x1e: {  	s9 =	simm.s32 @p0 $0x1FCA;
	s12 =	rddreg [dreg:$0x5]  }
0x1f: {  	[spmem:s20], [sflag:s9] =	dma.local @p0 [hbm:s12], $0x2800  }
0x20: {  	s9 =	simm.s32 @p0 $0xA  }
0x21: {  	_ =	swait.ge @p0 [sflag:s9], $0x2800  }
0x22: {  	s12 =	stileid.u32;
	[sflag:s9] =	ssyncset.done @p0 $0x0  }
0x23: {  	s12 =	sshll.u32 @!p0 s12, $0x6;
	[sflag:s9] =	ssyncadd.s32 @p0 $0xFFFFD800;
	s9 =	rddreg [dreg:$0x3]  }
0x24: {  	s12 =	sor.u32 @!p0 $0x1C0A, s12;
	s13 =	sshrl.u32 @!p0 s9, $0x3;
	s9 =	rddreg [dreg:$0x4]  }
0x25: {  	[spmem:s13], [sflag:s12] =	dma.local @!p0 [hbm:s9], $0x2700  }
0x26: {  	s9 =	simm.s32 @!p0 $0xA  }
0x27: {  	_ =	swait.ge @!p0 [sflag:s9], $0x2700  }
0x28: {  	[sflag:s9] =	ssyncset.done @!p0 $0x0  }
0x29: {  	s15 =	simm.s32 $0xA;
	s14 =	rddreg [dreg:$0x6];
	[sflag:s9] =	ssyncadd.s32 @!p0 $0xFFFFD900  }
0x2a: {  	[tilespmem:s3], [sflag:$0xA] =	stream.linear.gather [hbm4b:s14+s3], $0x3E80, $0x38;
	[tilespmem:$0x1F200] =	vst v63  }
0x2b: {  	_ =	swait.ge [sflag:s15], $0x3E80  }
0x2c: {  	[sflag:s15] =	ssyncset.done $0x0  }
0x2d: {  	[sflag:s15] =	ssyncadd.s32 $0xFFFFC180  }
0x2e: {  	[bflag:$0x0] =	sbarrier.arrive $0xFFFF  }
0x2f: {  	[tilespmem:s23], [sflag:$0x1] =	stream.indirect.gather [hbm4b:s4+s22], $0x80, s3, s22, $0xb8;
	[tilespmem:$0x1F200] =	vst v63  }
0x30: {  	s16 =	rddreg [dreg:$0x7]  }
0x31: {  	[tilespmem:s24], [sflag:$0x4] =	stream.linear.gather [hbm4b:s16+s3], $0x50, $0x38;
	[tilespmem:$0x1F200] =	vst v63  }
0x32: {  	s17 =	simm.s32 $0x80  }
0x33: {  	[tilespmem:s26], [sflag:$0x2] =	stream.indirect.gather [hbm4b:s4+s22], $0x80, s17, s22, $0xb8;
	[tilespmem:$0x1F200] =	vst v63  }
0x34: {  	s21 =	rddreg [dreg:$0x8]  }
0x35: {  	[tilespmem:s28], [sflag:$0x5] =	stream.linear.gather [hbm4b:s21+s3], $0x50, $0x38;
	[tilespmem:$0x1F200] =	vst v63  }
0x36: {  	_ =	swait.ge [sflag:s29], $0x2800  }
0x37: {  	[sflag:s29] =	ssyncset.done $0x0  }
0x38: {  	[sflag:s29] =	ssyncadd.s32 $0xFFFFD800  }
0x39: {  	_ =	swait.ge [sflag:s30], $0x50  }
0x3a: {  	[sflag:s30] =	ssyncset.done $0x0  }
0x3b: {  	s14 =	simm.s32 $0x100;
	[sflag:s30] =	ssyncadd.s32 $0xFFFFFFB0  }
0x3c: {  	[tilespmem:s0], [sflag:$0x3] =	stream.indirect.gather [hbm4b:s4+s22], $0x80, s14, s22, $0xb8;
	[tilespmem:$0x1F200] =	vst v63  }
0x3d: {  	s15 =	rddreg [dreg:$0xc]  }
0x3e: {  	[tilespmem:s2], [sflag:$0x6] =	stream.linear.gather [hbm4b:s15+s3], $0x50, $0x38;
	[tilespmem:$0x1F200] =	vst v63  }
0x3f: {  	_ = 	snop  }
0x40: {  	[spmem:s1] =	stream.indirect.scatter.add.f32 [tilespmem:s23], [sflag:$0x7], $0x80, s24, s22, $0xb8;
	[tilespmem:$0x1F200] =	vst v63  }
0x41: {  	_ =	swait.ge [sflag:s25], $0x2800  }
0x42: {  	[sflag:s25] =	ssyncset.done $0x0  }
0x43: {  	[sflag:s25] =	ssyncadd.s32 $0xFFFFD800  }
0x44: {  	_ =	swait.ge [sflag:s31], $0x50  }
0x45: {  	[sflag:s31] =	ssyncset.done $0x0  }
0x46: {  	[sflag:s31] =	ssyncadd.s32 $0xFFFFFFB0  }
0x47: {  	_ =	swait.ge [sflag:s5], $0x2800  }
0x48: {  	[sflag:s5] =	ssyncset.done $0x0  }
0x49: {  	s16 =	simm.s32 $0x180;
	[sflag:s5] =	ssyncadd.s32 $0xFFFFD800  }
0x4a: {  	[tilespmem:s23], [sflag:$0x1] =	stream.indirect.gather [hbm4b:s4+s22], $0x80, s16, s22, $0xb8;
	[tilespmem:$0x1F200] =	vst v63  }
0x4b: {  	s17 =	rddreg [dreg:$0xd]  }
0x4c: {  	[tilespmem:s24], [sflag:$0x4] =	stream.linear.gather [hbm4b:s17+s3], $0x50, $0x38;
	[tilespmem:$0x1F200] =	vst v63  }
0x4d: {  	_ = 	snop  }
0x4e: {  	[spmem:s1] =	stream.indirect.scatter.add.f32 [tilespmem:s26], [sflag:$0x8], $0x80, s28, s22, $0xb8;
	[tilespmem:$0x1F200] =	vst v63  }
0x4f: {  	_ =	swait.ge [sflag:s6], $0x2800  }
0x50: {  	[sflag:s6] =	ssyncset.done $0x0  }
0x51: {  	[sflag:s6] =	ssyncadd.s32 $0xFFFFD800  }
0x52: {  	_ =	swait.ge [sflag:s7], $0x50  }
0x53: {  	[sflag:s7] =	ssyncset.done $0x0  }
0x54: {  	[sflag:s7] =	ssyncadd.s32 $0xFFFFFFB0  }
0x55: {  	_ =	swait.ge [sflag:s8], $0x2800  }
0x56: {  	[sflag:s8] =	ssyncset.done $0x0  }
0x57: {  	s21 =	simm.s32 $0x200;
	[sflag:s8] =	ssyncadd.s32 $0xFFFFD800  }
0x58: {  	[tilespmem:s26], [sflag:$0x2] =	stream.indirect.gather [hbm4b:s4+s22], $0x80, s21, s22, $0xb8;
	[tilespmem:$0x1F200] =	vst v63  }
0x59: {  	s14 =	rddreg [dreg:$0xe]  }
0x5a: {  	[tilespmem:s28], [sflag:$0x5] =	stream.linear.gather [hbm4b:s14+s3], $0x50, $0x38;
	[tilespmem:$0x1F200] =	vst v63  }
0x5b: {  	_ = 	snop  }
0x5c: {  	[spmem:s1] =	stream.indirect.scatter.add.f32 [tilespmem:s0], [sflag:$0x9], $0x80, s2, s22, $0xb8;
	[tilespmem:$0x1F200] =	vst v63  }
0x5d: {  	_ =	swait.ge [sflag:s29], $0x2800  }
0x5e: {  	[sflag:s29] =	ssyncset.done $0x0  }
0x5f: {  	[sflag:s29] =	ssyncadd.s32 $0xFFFFD800  }
0x60: {  	_ =	swait.ge [sflag:s30], $0x50  }
0x61: {  	[sflag:s30] =	ssyncset.done $0x0  }
0x62: {  	[sflag:s30] =	ssyncadd.s32 $0xFFFFFFB0  }
0x63: {  	_ =	swait.ge [sflag:s10], $0x2800  }
0x64: {  	[sflag:s10] =	ssyncset.done $0x0  }
0x65: {  	s15 =	simm.s32 $0x280;
	[sflag:s10] =	ssyncadd.s32 $0xFFFFD800  }
0x66: {  	[tilespmem:s0], [sflag:$0x3] =	stream.indirect.gather [hbm4b:s4+s22], $0x80, s15, s22, $0xb8;
	[tilespmem:$0x1F200] =	vst v63  }
0x67: {  	_ = 	snop  }
0x68: {  	[tilespmem:s2], [sflag:$0x6] =	stream.linear.gather [hbm4b:s19+s3], $0x50, $0x38;
	[tilespmem:$0x1F200] =	vst v63  }
0x69: {  	_ = 	snop  }
0x6a: {  	[spmem:s1] =	stream.indirect.scatter.add.f32 [tilespmem:s23], [sflag:$0x7], $0x80, s24, s22, $0xb8;
	[tilespmem:$0x1F200] =	vst v63  }
0x6b: {  	_ =	swait.ge [sflag:s25], $0x2800  }
0x6c: {  	[sflag:s25] =	ssyncset.done $0x0  }
0x6d: {  	[sflag:s25] =	ssyncadd.s32 $0xFFFFD800  }
0x6e: {  	_ =	swait.ge [sflag:s31], $0x50  }
0x6f: {  	[sflag:s31] =	ssyncset.done $0x0  }
0x70: {  	[sflag:s31] =	ssyncadd.s32 $0xFFFFFFB0  }
0x71: {  	_ =	swait.ge [sflag:s5], $0x2800  }
0x72: {  	[sflag:s5] =	ssyncset.done $0x0  }
0x73: {  	s16 =	simm.s32 $0x300;
	[sflag:s5] =	ssyncadd.s32 $0xFFFFD800  }
0x74: {  	[tilespmem:s23], [sflag:$0x1] =	stream.indirect.gather [hbm4b:s4+s22], $0x80, s16, s22, $0xb8;
	[tilespmem:$0x1F200] =	vst v63  }
0x75: {  	_ = 	snop  }
0x76: {  	[tilespmem:s24], [sflag:$0x4] =	stream.linear.gather [hbm4b:s18+s3], $0x50, $0x38;
	[tilespmem:$0x1F200] =	vst v63  }
0x77: {  	_ = 	snop  }
0x78: {  	[spmem:s1] =	stream.indirect.scatter.add.f32 [tilespmem:s26], [sflag:$0x8], $0x80, s28, s22, $0xb8;
	[tilespmem:$0x1F200] =	vst v63  }
0x79: {  	_ =	swait.ge [sflag:s6], $0x2800  }
0x7a: {  	[sflag:s6] =	ssyncset.done $0x0  }
0x7b: {  	[sflag:s6] =	ssyncadd.s32 $0xFFFFD800  }
0x7c: {  	_ =	swait.ge [sflag:s7], $0x50  }
0x7d: {  	[sflag:s7] =	ssyncset.done $0x0  }
0x7e: {  	[sflag:s7] =	ssyncadd.s32 $0xFFFFFFB0  }
0x7f: {  	_ =	swait.ge [sflag:s8], $0x2800  }
0x80: {  	s9 =	sadd.s32 $0x1E, s19;
	[sflag:s8] =	ssyncset.done $0x0  }
0x81: {  	s17 =	simm.s32 $0x380;
	s21 =	rddreg [dreg:$0xf];
	[sflag:s8] =	ssyncadd.s32 $0xFFFFD800  }
0x82: {  	[tilespmem:s26], [sflag:$0x2] =	stream.indirect.gather [hbm4b:s4+s22], $0x80, s17, s22, $0xb8;
	[tilespmem:$0x1F200] =	vst v63  }
0x83: {  	s14 =	simm.s32 $0x600;
	s16 =	sadd.s32 $0x1E, s18;
	s15 =	sadd.s32 $0x1E, s21  }
0x84: {  	[tilespmem:s28], [sflag:$0x5] =	stream.linear.gather [hbm4b:s21+s3], $0x50, $0x38;
	[tilespmem:$0x1F200] =	vst v63  }
.LBB2_2:
0x85: {  	[spmem:s1] =	stream.indirect.scatter.add.f32 [tilespmem:s0], [sflag:$0x9], $0x80, s2, s22, $0xb8;
	[tilespmem:$0x1F200] =	vst v63  }
0x86: {  	s21 =	smov.u32 s14  }
0x87: {  	p1 =	sne.s32 s14, $0xEA00;
	s14 =	sadd.s32 $0x600, s14;
	_ =	swait.ge [sflag:s29], $0x2800  }
0x88: {  	[sflag:s29] =	ssyncset.done $0x0  }
0x89: {  	[sflag:s29] =	ssyncadd.s32 $0xFFFFD800  }
0x8a: {  	_ =	swait.ge [sflag:s30], $0x50  }
0x8b: {  	[sflag:s30] =	ssyncset.done $0x0  }
0x8c: {  	[sflag:s30] =	ssyncadd.s32 $0xFFFFFFB0  }
0x8d: {  	_ =	swait.ge [sflag:s10], $0x2800  }
0x8e: {  	s21 =	sshra.s32 s21, $0x2;
	[sflag:s10] =	ssyncset.done $0x0  }
0x8f: {  	s17 =	sadd.s32 $0x280, s21;
	[sflag:s10] =	ssyncadd.s32 $0xFFFFD800  }
0x90: {  	[tilespmem:s0], [sflag:$0x3] =	stream.indirect.gather [hbm4b:s4+s22], $0x80, s17, s22, $0xb8;
	[tilespmem:$0x1F200] =	vst v63  }
0x91: {  	_ = 	snop  }
0x92: {  	[tilespmem:s2], [sflag:$0x6] =	stream.linear.gather [hbm4b:s9+s3], $0x50, $0x38;
	[tilespmem:$0x1F200] =	vst v63  }
0x93: {  	_ = 	snop  }
0x94: {  	[spmem:s1] =	stream.indirect.scatter.add.f32 [tilespmem:s23], [sflag:$0x7], $0x80, s24, s22, $0xb8;
	[tilespmem:$0x1F200] =	vst v63  }
0x95: {  	_ =	swait.ge [sflag:s25], $0x2800  }
0x96: {  	[sflag:s25] =	ssyncset.done $0x0  }
0x97: {  	[sflag:s25] =	ssyncadd.s32 $0xFFFFD800  }
0x98: {  	_ =	swait.ge [sflag:s31], $0x50  }
0x99: {  	[sflag:s31] =	ssyncset.done $0x0  }
0x9a: {  	[sflag:s31] =	ssyncadd.s32 $0xFFFFFFB0  }
0x9b: {  	_ =	swait.ge [sflag:s5], $0x2800  }
0x9c: {  	[sflag:s5] =	ssyncset.done $0x0  }
0x9d: {  	s17 =	sadd.s32 $0x300, s21;
	[sflag:s5] =	ssyncadd.s32 $0xFFFFD800  }
0x9e: {  	[tilespmem:s23], [sflag:$0x1] =	stream.indirect.gather [hbm4b:s4+s22], $0x80, s17, s22, $0xb8;
	[tilespmem:$0x1F200] =	vst v63  }
0x9f: {  	_ = 	snop  }
0xa0: {  	[tilespmem:s24], [sflag:$0x4] =	stream.linear.gather [hbm4b:s16+s3], $0x50, $0x38;
	[tilespmem:$0x1F200] =	vst v63  }
0xa1: {  	_ = 	snop  }
0xa2: {  	[spmem:s1] =	stream.indirect.scatter.add.f32 [tilespmem:s26], [sflag:$0x8], $0x80, s28, s22, $0xb8;
	[tilespmem:$0x1F200] =	vst v63  }
0xa3: {  	_ =	swait.ge [sflag:s6], $0x2800  }
0xa4: {  	[sflag:s6] =	ssyncset.done $0x0  }
0xa5: {  	[sflag:s6] =	ssyncadd.s32 $0xFFFFD800  }
0xa6: {  	_ =	swait.ge [sflag:s7], $0x50  }
0xa7: {  	[sflag:s7] =	ssyncset.done $0x0  }
0xa8: {  	[sflag:s7] =	ssyncadd.s32 $0xFFFFFFB0  }
0xa9: {  	_ =	swait.ge [sflag:s8], $0x2800  }
0xaa: {  	[sflag:s8] =	ssyncset.done $0x0  }
.Ltmp0:
0xab: {  	s17 =	sadd.s32 $0x380, s21;
	[sflag:s8] =	ssyncadd.s32 $0xFFFFD800;
	(pc) =	sbr.rel @p1 .LBB2_2-.Ltmp0, $4  }
0xac: {  	[tilespmem:s26], [sflag:$0x2] =	stream.indirect.gather [hbm4b:s4+s22], $0x80, s17, s22, $0xb8;
	[tilespmem:$0x1F200] =	vst v63  }
0xad: {  	_ = 	snop  }
0xae: {  	[tilespmem:s28], [sflag:$0x5] =	stream.linear.gather [hbm4b:s15+s3], $0x50, $0x38;
	[tilespmem:$0x1F200] =	vst v63  }
0xaf: {  	s9 =	sadd.s32 $0x1E, s9;
	s16 =	sadd.s32 $0x1E, s16;
	s15 =	sadd.s32 $0x1E, s15  }
0xb0: {  	[spmem:s1] =	stream.indirect.scatter.add.f32 [tilespmem:s0], [sflag:$0x9], $0x80, s2, s22, $0xb8;
	[tilespmem:$0x1F200] =	vst v63  }
0xb1: {  	_ =	swait.ge [sflag:s29], $0x2800  }
0xb2: {  	[sflag:s29] =	ssyncset.done $0x0  }
0xb3: {  	[sflag:s29] =	ssyncadd.s32 $0xFFFFD800  }
0xb4: {  	_ =	swait.ge [sflag:s30], $0x50  }
0xb5: {  	[sflag:s30] =	ssyncset.done $0x0  }
0xb6: {  	[sflag:s30] =	ssyncadd.s32 $0xFFFFFFB0  }
0xb7: {  	_ =	swait.ge [sflag:s10], $0x2800  }
0xb8: {  	[sflag:s10] =	ssyncset.done $0x0  }
0xb9: {  	[sflag:s10] =	ssyncadd.s32 $0xFFFFD800  }
0xba: {  	[spmem:s1] =	stream.indirect.scatter.add.f32 [tilespmem:s23], [sflag:$0x7], $0x80, s24, s22, $0xb8;
	[tilespmem:$0x1F200] =	vst v63  }
0xbb: {  	_ =	swait.ge [sflag:s25], $0x2800  }
0xbc: {  	[sflag:s25] =	ssyncset.done $0x0  }
0xbd: {  	[sflag:s25] =	ssyncadd.s32 $0xFFFFD800  }
0xbe: {  	_ =	swait.ge [sflag:s31], $0x50  }
0xbf: {  	[sflag:s31] =	ssyncset.done $0x0  }
0xc0: {  	[sflag:s31] =	ssyncadd.s32 $0xFFFFFFB0  }
0xc1: {  	_ =	swait.ge [sflag:s5], $0x2800  }
0xc2: {  	[sflag:s5] =	ssyncset.done $0x0  }
0xc3: {  	[sflag:s5] =	ssyncadd.s32 $0xFFFFD800  }
0xc4: {  	[spmem:s1] =	stream.indirect.scatter.add.f32 [tilespmem:s26], [sflag:$0x8], $0x80, s28, s22, $0xb8;
	[tilespmem:$0x1F200] =	vst v63  }
0xc5: {  	_ =	swait.ge [sflag:s8], $0x2800  }
0xc6: {  	[sflag:s8] =	ssyncset.done $0x0  }
0xc7: {  	[sflag:s8] =	ssyncadd.s32 $0xFFFFD800  }
0xc8: {  	[bflag:$0x0] =	sbarrier.arrive $0xFFFF  }
0xc9: {  	s9 =	simm.s32 @p0 $0x1FCA;
	s14 =	rddreg [dreg:$0xa]  }
0xca: {  	[hbm:s14], [sflag:s9] =	dma.local @p0 [spmem:s20], $0x2800  }
0xcb: {  	s9 =	simm.s32 @p0 $0xA  }
0xcc: {  	_ =	swait.ge @p0 [sflag:s9], $0x2800  }
0xcd: {  	[sflag:s9] =	ssyncset.done @p0 $0x0  }
0xce: {  	[sflag:s9] =	ssyncadd.s32 @p0 $0xFFFFD800;
	s9 =	rddreg [dreg:$0x9]  }
0xcf: {  	[hbm:s9], [sflag:s12] =	dma.local @!p0 [spmem:s13], $0x2700  }
0xd0: {  	s9 =	simm.s32 @!p0 $0xA  }
0xd1: {  	_ =	swait.ge @!p0 [sflag:s9], $0x2700  }
0xd2: {  	s11 =	sadd.s32 $0x1, s11;
	s21 =	rddreg [dreg:$0xb]  }
0xd3: {  	p1 =	sne.s32 s11, s21  }
.Ltmp1:
0xd4: {  	_ = 	snop;
	(pc) =	sbr.rel @p1 .LBB2_1-.Ltmp1, $3  }
0xd5: {  	_ =	sdelay $0x1  }
0xd6: {  	[sflag:s9] =	ssyncset.done @!p0 $0x0  }
0xd7: {  	[sflag:s9] =	ssyncadd.s32 @!p0 $0xFFFFD900  }
0xd8: {  	_ =	sfence.sel $0x180000  }
0xd9: {  	[bflag:$0x0] =	sbarrier.arrive $0xFFFF  }
0xda: {  	_ =	strace $0x90000050  }
0xdb: {  	s0 =	stileid.u32;
	[bflag:$0x2] =	sbarrier.arrive $0xFFFF  }
0xdc: {  	p0 =	sne.s32 s0, $0x0;
	s0 =	rddreg [dreg:$0x2]  }
0xdd: {  	s0 =	sadd.s32 @!p0 $0x100000, s0  }
0xde: {  	[sflag:s0] =	ssyncadd.tile.s32 @!p0 $0x1;
	_ =	shalt  }
.Lfunc_end2:
_tile_overlayer_lowered:
.L_overlay_start_2:
0xdf: {  	(tag) =	ssettag $0x2  }
0xe0: {  	s0 =	rddreg [dreg:$0x0];
	s2 =	stileid.u32  }
0xe1: {  	s1 =	rddreg [dreg:$0x1];
	p0 =	sne.s32 s2, $0x0  }
0xe2: {  	s3 =	rddreg [dreg:$0x2];
	[bflag:$0x3] =	sbarrier.arrive $0xFFFF;
	s2 =	simm.s32 @!p0 $0x1C0A  }
0xe3: {  	[timem:s3], [sflag:s2] =	dma.local @!p0 [hbm:s0], s1  }
0xe4: {  	s0 =	simm.s32 @!p0 $0xA  }
0xe5: {  	_ =	swait.ge @!p0 [sflag:s0], s1  }
0xe6: {  	s1 =	ssub.s32 @!p0 $0x0, s1;
	[sflag:s0] =	ssyncset.done @!p0 $0x0  }
0xe7: {  	[sflag:s0] =	ssyncadd.s32 @!p0 s1  }
0xe8: {  	[bflag:$0x3] =	sbarrier.arrive $0xFFFF  }
0xe9: {  	_ =	shalt  }

</sc_bundles>
